<compile_context>
chip_gen: v7x
topology: tpu7x:2x2x1
jax: 0.10.2.dev20260603
libtpu: 0.0.44.dev20260713+nightly
codegen_flags: <defaults>
</compile_context>

<pallas_src>
import functools

import jax
import jax.numpy as jnp
from jax.experimental import pallas as pl
from jax.experimental.pallas import tpu as pltpu
from jax.experimental.pallas import tpu_sc as plsc

_K = 32
_L = 200
_NEG_INF = float("-inf")


def _topk_body(tw_ref, gate_ref, w_ref, pos_out_ref):
    tw = tw_ref[...]
    gate = gate_ref[...]
    l, c = tw.shape

    pos = jax.lax.broadcasted_iota(jnp.int32, (l, c), 0)
    s = jnp.sum(gate, axis=0, keepdims=True)
    need = s < _K
    keep = (pos >= 1) & (pos <= _K)
    unmask = (gate != 0) | (keep & need)
    twm = jnp.where(unmask, tw, _NEG_INF)

    j = pl.program_id(0)
    lane1 = jax.lax.broadcasted_iota(jnp.int32, (1, c), 1)
    flatbase = (j * c + lane1) * _L

    big = jnp.int32(1 << 30)
    for k in range(_K):
        m = jnp.max(twm, axis=0, keepdims=True)
        eq = twm == m
        minp = jnp.min(jnp.where(eq, pos, big), axis=0, keepdims=True)
        sel = pos == minp
        twm = jnp.where(sel, _NEG_INF, twm)
        w_ref[pl.ds(k, 1), :] = m
        pos_out_ref[pl.ds(k, 1), :] = flatbase + minp

    vals = w_ref[...]
    e = jnp.exp(vals - vals[0:1, :])
    w_ref[...] = e / jnp.sum(e, axis=0, keepdims=True)


_NC = 2
_NS = 16
_NW = _NC * _NS


_IW = 128


def _sc_gather_body(tid_hbm, attn_hbm, idx_hbm, tid_out, attn_out,
                    idxv, otidv, oattnv, sem, irows_w, irows_t):
    wid = jax.lax.axis_index("s") * _NC + jax.lax.axis_index("c")
    irow0 = wid * irows_w
    n_tiles = irows_w // irows_t

    def tile_body(t, carry):
        rb = irow0 + t * irows_t
        pltpu.sync_copy(idx_hbm.at[pl.ds(rb, irows_t)], idxv)
        hs = [pltpu.async_copy(tid_hbm.at[idxv.at[j]], otidv.at[j], sem)
              for j in range(irows_t)]
        for h in hs:
            h.wait()
        hs = [pltpu.async_copy(attn_hbm.at[idxv.at[j]], oattnv.at[j], sem)
              for j in range(irows_t)]
        for h in hs:
            h.wait()
        pltpu.sync_copy(otidv, tid_out.at[pl.ds(rb, irows_t)])
        pltpu.sync_copy(oattnv, attn_out.at[pl.ds(rb, irows_t)])
        return carry

    jax.lax.fori_loop(0, n_tiles, tile_body, 0)


def _sc_gather(token_id_flat, attn_flat, idx2d, b):
    irows = (b * _K) // _IW
    irows_w = irows // _NW
    irows_t = min(irows_w, 16)
    mesh = plsc.VectorSubcoreMesh(core_axis_name="c", subcore_axis_name="s")
    body = functools.partial(_sc_gather_body, irows_w=irows_w, irows_t=irows_t)
    tid2d, attn2d = pl.kernel(
        body,
        mesh=mesh,
        out_type=[
            jax.ShapeDtypeStruct((irows, _IW), jnp.int32),
            jax.ShapeDtypeStruct((irows, _IW), jnp.int32),
        ],
        scratch_types=[
            pltpu.VMEM((irows_t, _IW), jnp.int32),
            pltpu.VMEM((irows_t, _IW), jnp.int32),
            pltpu.VMEM((irows_t, _IW), jnp.int32),
            pltpu.SemaphoreType.DMA,
        ],
    )(token_id_flat, attn_flat, idx2d)
    return tid2d, attn2d


def kernel(token_id, attn_mask, gate_mask, token_weight):
    b, l = token_weight.shape
    c = min(2048, b)
    grid = (b // c,)

    tw_t = token_weight.T
    gate_t = gate_mask.T

    in_spec = pl.BlockSpec((l, c), lambda j: (0, j))
    out_spec = pl.BlockSpec((_K, c), lambda j: (0, j))

    w_t, pos_t = pl.pallas_call(
        _topk_body,
        grid=grid,
        in_specs=[in_spec, in_spec],
        out_specs=[out_spec, out_spec],
        out_shape=[
            jax.ShapeDtypeStruct((_K, b), jnp.float32),
            jax.ShapeDtypeStruct((_K, b), jnp.int32),
        ],
    )(tw_t, gate_t)

    idx2d = pos_t.T.reshape(-1, _IW)
    tid2d, attn2d = _sc_gather(
        token_id.reshape(b * l), attn_mask.reshape(b * l), idx2d, b)

    return (tid2d.reshape(b, _K), attn2d.reshape(b, _K), w_t.T)

# --- scband reference (transcript-rebuilt; emitter-appended) ---
"""Pipeline reference for scband-base-model-71914932404317 (READ-ONLY COPY).

The authoritative reference and input builder live on the scoring server;
editing this copy changes nothing except your own understanding.
"""

import jax, jax.numpy as jnp
import numpy as np

K = 32
B = 16384
L = 200

def setup_inputs(seed: int = 0) -> dict:
    key = jax.random.key(seed)
    k1, k2, k3 = jax.random.split(key, 3)
    token_id = jax.random.randint(k1, (B, L), 0, 30522, dtype=jnp.int32)
    attn_mask = jnp.ones((B, L), dtype=jnp.int32)
    gate_mask = jax.random.randint(k2, (B, L), 0, 2, dtype=jnp.int32)
    token_weight = jax.random.normal(k3, (B, L), dtype=jnp.float32)
    return {"token_id": token_id, "attn_mask": attn_mask, "gate_mask": gate_mask, "token_weight": token_weight}

def reference(token_id, attn_mask, gate_mask, token_weight):
    b, l = token_weight.shape
    # keep_k_modifier buffer: force positions 1..K to stay unmasked when fewer than K gated tokens exist
    keep_k_modifier = jnp.zeros((1, l), dtype=gate_mask.dtype).at[:, 1:K + 1].set(1)
    need_keep = (jnp.sum(gate_mask, axis=-1, keepdims=True) < K).astype(gate_mask.dtype)
    pad_pos = jnp.logical_not((gate_mask + keep_k_modifier * need_keep) != 0)
    tw = jnp.where(pad_pos, -jnp.inf, token_weight)
    gated_token_weight, gated_token_idx = jax.lax.top_k(tw, K)
    gated_token_weight = jax.nn.softmax(gated_token_weight, axis=-1)
    gated_token_id = jnp.take_along_axis(token_id, gated_token_idx, axis=-1)
    gated_attn_mask = jnp.take_along_axis(attn_mask, gated_token_idx, axis=-1)
    return (gated_token_id, gated_attn_mask, gated_token_weight)

if __name__ == "__main__":
    import jax
    _d = setup_inputs()
    print(jax.jit(kernel)(*tuple(_d.values())))

</pallas_src>

<mosaic_0001>
#map = affine_map<(d0, d1) -> (0)>
#map1 = affine_map<(d0, d1) -> (0, 0)>
module attributes {stable_mosaic.version = 14 : i64} {
  func.func @_sc_gather_body(%arg0: i32, %arg1: i32, %arg2: memref<3276800xi32, #tpu.memory_space<hbm>>, %arg3: memref<3276800xi32, #tpu.memory_space<hbm>>, %arg4: memref<4096x128xi32, #tpu.memory_space<hbm>>, %arg5: memref<4096x128xi32, #tpu.memory_space<hbm>>, %arg6: memref<4096x128xi32, #tpu.memory_space<hbm>>, %arg7: memref<16x128xi32, #tpu.memory_space<vmem>>, %arg8: memref<16x128xi32, #tpu.memory_space<vmem>>, %arg9: memref<16x128xi32, #tpu.memory_space<vmem>>, %arg10: memref<!tpu.dma_semaphore, #tpu.memory_space<semaphore_mem>>) attributes {dimension_semantics = [#tpu.dimension_semantics<core_parallel>, #tpu.dimension_semantics<subcore_parallel>], iteration_bounds = array<i64: 2, 16>, scalar_prefetch = 0 : i64, scratch_operands = 4 : i64, tpu.core_type = #tpu.core_type<sc_vector_subcore>, window_params = [{transform_indices = #map}, {transform_indices = #map}, {transform_indices = #map1}, {transform_indices = #map1}, {transform_indices = #map1}]} {
    %mul3A = arith.constant 2 : i32
    %mul3A_0 = arith.muli %arg1, %mul3A : i32
    %add3A = arith.addi %mul3A_0, %arg0 : i32
    %mul3A_1 = arith.constant 128 : i32
    %mul3A_2 = arith.muli %add3A, %mul3A_1 : i32
    %scan3A = arith.constant 0 : i32
    %scan3A_3 = arith.constant 0 : i32
    %scan3A_4 = arith.constant 8 : i32
    %scan3A_5 = arith.addi %scan3A_3, %scan3A_4 : i32
    %scan3A_6 = arith.constant 1 : i32
    scf.for %scan3A_8 = %scan3A_3 to %scan3A_5 step %scan3A_6  : i32 {
      %mul3A_9 = arith.constant 16 : i32
      %mul3A_10 = arith.muli %scan3A_8, %mul3A_9 : i32
      %add3A_11 = arith.addi %mul3A_2, %mul3A_10 : i32
      "tpu.region"() ({
        %run_scoped3A = tpu.sem_alloc : memref<!tpu.dma_semaphore, #tpu.memory_space<semaphore_mem>>
        %dma_start3A_650 = arith.constant 0 : i32
        %dma_start3A_651 = tpu.memref_slice %arg4[%add3A_11, %dma_start3A_650] : memref<4096x128xi32, #tpu.memory_space<hbm>> -> memref<16x128xi32, #tpu.memory_space<hbm>>
        %dma_start3A_652 = arith.constant 0 : i32
        %dma_start3A_653 = tpu.memref_slice %arg4[%add3A_11, %dma_start3A_652] : memref<4096x128xi32, #tpu.memory_space<hbm>> -> memref<16x128xi32, #tpu.memory_space<hbm>>
        tpu.enqueue_dma source(%dma_start3A_653 : memref<16x128xi32, #tpu.memory_space<hbm>>) target(%arg7 : memref<16x128xi32, #tpu.memory_space<vmem>>) target_semaphore(%run_scoped3A : memref<!tpu.dma_semaphore, #tpu.memory_space<semaphore_mem>>)
        %dma_wait3A_654 = arith.constant 0 : i32
        %dma_wait3A_655 = tpu.memref_slice %arg4[%add3A_11, %dma_wait3A_654] : memref<4096x128xi32, #tpu.memory_space<hbm>> -> memref<16x128xi32, #tpu.memory_space<hbm>>
        %dma_wait3A_656 = arith.constant 0 : i32
        %dma_wait3A_657 = tpu.memref_slice %arg4[%add3A_11, %dma_wait3A_656] : memref<4096x128xi32, #tpu.memory_space<hbm>> -> memref<16x128xi32, #tpu.memory_space<hbm>>
        tpu.wait_dma2 semaphore(%run_scoped3A : memref<!tpu.dma_semaphore, #tpu.memory_space<semaphore_mem>>) src(%dma_wait3A_657 : memref<16x128xi32, #tpu.memory_space<hbm>>) dst(%arg7 : memref<16x128xi32, #tpu.memory_space<vmem>>)
        tpu.yield
      }) : () -> ()
      %dma_start3A = arith.constant 0 : i32
      %dma_start3A_12 = arith.constant 0 : i32
      %dma_start3A_13 = arith.constant 0 : i32
      %dma_start3A_14 = tpu.memref_slice %arg8[%dma_start3A_12, %dma_start3A_13] : memref<16x128xi32, #tpu.memory_space<vmem>> -> memref<1x128xi32, #tpu.memory_space<vmem>>
      %dma_start3A_15 = tpu.memref_squeeze %dma_start3A_14 : memref<1x128xi32, #tpu.memory_space<vmem>> -> memref<128xi32, #tpu.memory_space<vmem>>
      %dma_start3A_16 = arith.constant 0 : i32
      %dma_start3A_17 = tpu.memref_slice %arg7[%dma_start3A, %dma_start3A_16] : memref<16x128xi32, #tpu.memory_space<vmem>> -> memref<1x128xi32, #tpu.memory_space<vmem>>
      %dma_start3A_18 = tpu.memref_squeeze %dma_start3A_17 : memref<1x128xi32, #tpu.memory_space<vmem>> -> memref<128xi32, #tpu.memory_space<vmem>>
      %dma_start3A_19 = arith.constant 0 : i32
      %dma_start3A_20 = tpu.memref_slice %arg2[%dma_start3A_19] : memref<3276800xi32, #tpu.memory_space<hbm>> -> memref<3276800xi32, #tpu.memory_space<hbm>>
      tpu.enqueue_indirect_dma source(%dma_start3A_20 : memref<3276800xi32, #tpu.memory_space<hbm>>) target(%dma_start3A_15 : memref<128xi32, #tpu.memory_space<vmem>>) offsets(%dma_start3A_18 : memref<128xi32, #tpu.memory_space<vmem>>) semaphore(%arg10 : memref<!tpu.dma_semaphore, #tpu.memory_space<semaphore_mem>>)
      %dma_start3A_21 = arith.constant 1 : i32
      %dma_start3A_22 = arith.constant 1 : i32
      %dma_start3A_23 = arith.constant 0 : i32
      %dma_start3A_24 = tpu.memref_slice %arg8[%dma_start3A_22, %dma_start3A_23] : memref<16x128xi32, #tpu.memory_space<vmem>> -> memref<1x128xi32, #tpu.memory_space<vmem>>
      %dma_start3A_25 = tpu.memref_squeeze %dma_start3A_24 : memref<1x128xi32, #tpu.memory_space<vmem>> -> memref<128xi32, #tpu.memory_space<vmem>>
      %dma_start3A_26 = arith.constant 0 : i32
      %dma_start3A_27 = tpu.memref_slice %arg7[%dma_start3A_21, %dma_start3A_26] : memref<16x128xi32, #tpu.memory_space<vmem>> -> memref<1x128xi32, #tpu.memory_space<vmem>>
      %dma_start3A_28 = tpu.memref_squeeze %dma_start3A_27 : memref<1x128xi32, #tpu.memory_space<vmem>> -> memref<128xi32, #tpu.memory_space<vmem>>
      %dma_start3A_29 = arith.constant 0 : i32
      %dma_start3A_30 = tpu.memref_slice %arg2[%dma_start3A_29] : memref<3276800xi32, #tpu.memory_space<hbm>> -> memref<3276800xi32, #tpu.memory_space<hbm>>
      tpu.enqueue_indirect_dma source(%dma_start3A_30 : memref<3276800xi32, #tpu.memory_space<hbm>>) target(%dma_start3A_25 : memref<128xi32, #tpu.memory_space<vmem>>) offsets(%dma_start3A_28 : memref<128xi32, #tpu.memory_space<vmem>>) semaphore(%arg10 : memref<!tpu.dma_semaphore, #tpu.memory_space<semaphore_mem>>)
      %dma_start3A_31 = arith.constant 2 : i32
      %dma_start3A_32 = arith.constant 2 : i32
      %dma_start3A_33 = arith.constant 0 : i32
      %dma_start3A_34 = tpu.memref_slice %arg8[%dma_start3A_32, %dma_start3A_33] : memref<16x128xi32, #tpu.memory_space<vmem>> -> memref<1x128xi32, #tpu.memory_space<vmem>>
      %dma_start3A_35 = tpu.memref_squeeze %dma_start3A_34 : memref<1x128xi32, #tpu.memory_space<vmem>> -> memref<128xi32, #tpu.memory_space<vmem>>
      %dma_start3A_36 = arith.constant 0 : i32
      %dma_start3A_37 = tpu.memref_slice %arg7[%dma_start3A_31, %dma_start3A_36] : memref<16x128xi32, #tpu.memory_space<vmem>> -> memref<1x128xi32, #tpu.memory_space<vmem>>
      %dma_start3A_38 = tpu.memref_squeeze %dma_start3A_37 : memref<1x128xi32, #tpu.memory_space<vmem>> -> memref<128xi32, #tpu.memory_space<vmem>>
      %dma_start3A_39 = arith.constant 0 : i32
      %dma_start3A_40 = tpu.memref_slice %arg2[%dma_start3A_39] : memref<3276800xi32, #tpu.memory_space<hbm>> -> memref<3276800xi32, #tpu.memory_space<hbm>>
      tpu.enqueue_indirect_dma source(%dma_start3A_40 : memref<3276800xi32, #tpu.memory_space<hbm>>) target(%dma_start3A_35 : memref<128xi32, #tpu.memory_space<vmem>>) offsets(%dma_start3A_38 : memref<128xi32, #tpu.memory_space<vmem>>) semaphore(%arg10 : memref<!tpu.dma_semaphore, #tpu.memory_space<semaphore_mem>>)
      %dma_start3A_41 = arith.constant 3 : i32
      %dma_start3A_42 = arith.constant 3 : i32
      %dma_start3A_43 = arith.constant 0 : i32
      %dma_start3A_44 = tpu.memref_slice %arg8[%dma_start3A_42, %dma_start3A_43] : memref<16x128xi32, #tpu.memory_space<vmem>> -> memref<1x128xi32, #tpu.memory_space<vmem>>
      %dma_start3A_45 = tpu.memref_squeeze %dma_start3A_44 : memref<1x128xi32, #tpu.memory_space<vmem>> -> memref<128xi32, #tpu.memory_space<vmem>>
      %dma_start3A_46 = arith.constant 0 : i32
      %dma_start3A_47 = tpu.memref_slice %arg7[%dma_start3A_41, %dma_start3A_46] : memref<16x128xi32, #tpu.memory_space<vmem>> -> memref<1x128xi32, #tpu.memory_space<vmem>>
      %dma_start3A_48 = tpu.memref_squeeze %dma_start3A_47 : memref<1x128xi32, #tpu.memory_space<vmem>> -> memref<128xi32, #tpu.memory_space<vmem>>
      %dma_start3A_49 = arith.constant 0 : i32
      %dma_start3A_50 = tpu.memref_slice %arg2[%dma_start3A_49] : memref<3276800xi32, #tpu.memory_space<hbm>> -> memref<3276800xi32, #tpu.memory_space<hbm>>
      tpu.enqueue_indirect_dma source(%dma_start3A_50 : memref<3276800xi32, #tpu.memory_space<hbm>>) target(%dma_start3A_45 : memref<128xi32, #tpu.memory_space<vmem>>) offsets(%dma_start3A_48 : memref<128xi32, #tpu.memory_space<vmem>>) semaphore(%arg10 : memref<!tpu.dma_semaphore, #tpu.memory_space<semaphore_mem>>)
      %dma_start3A_51 = arith.constant 4 : i32
      %dma_start3A_52 = arith.constant 4 : i32
      %dma_start3A_53 = arith.constant 0 : i32
      %dma_start3A_54 = tpu.memref_slice %arg8[%dma_start3A_52, %dma_start3A_53] : memref<16x128xi32, #tpu.memory_space<vmem>> -> memref<1x128xi32, #tpu.memory_space<vmem>>
      %dma_start3A_55 = tpu.memref_squeeze %dma_start3A_54 : memref<1x128xi32, #tpu.memory_space<vmem>> -> memref<128xi32, #tpu.memory_space<vmem>>
      %dma_start3A_56 = arith.constant 0 : i32
      %dma_start3A_57 = tpu.memref_slice %arg7[%dma_start3A_51, %dma_start3A_56] : memref<16x128xi32, #tpu.memory_space<vmem>> -> memref<1x128xi32, #tpu.memory_space<vmem>>
      %dma_start3A_58 = tpu.memref_squeeze %dma_start3A_57 : memref<1x128xi32, #tpu.memory_space<vmem>> -> memref<128xi32, #tpu.memory_space<vmem>>
      %dma_start3A_59 = arith.constant 0 : i32
      %dma_start3A_60 = tpu.memref_slice %arg2[%dma_start3A_59] : memref<3276800xi32, #tpu.memory_space<hbm>> -> memref<3276800xi32, #tpu.memory_space<hbm>>
      tpu.enqueue_indirect_dma source(%dma_start3A_60 : memref<3276800xi32, #tpu.memory_space<hbm>>) target(%dma_start3A_55 : memref<128xi32, #tpu.memory_space<vmem>>) offsets(%dma_start3A_58 : memref<128xi32, #tpu.memory_space<vmem>>) semaphore(%arg10 : memref<!tpu.dma_semaphore, #tpu.memory_space<semaphore_mem>>)
      %dma_start3A_61 = arith.constant 5 : i32
      %dma_start3A_62 = arith.constant 5 : i32
      %dma_start3A_63 = arith.constant 0 : i32
      %dma_start3A_64 = tpu.memref_slice %arg8[%dma_start3A_62, %dma_start3A_63] : memref<16x128xi32, #tpu.memory_space<vmem>> -> memref<1x128xi32, #tpu.memory_space<vmem>>
      %dma_start3A_65 = tpu.memref_squeeze %dma_start3A_64 : memref<1x128xi32, #tpu.memory_space<vmem>> -> memref<128xi32, #tpu.memory_space<vmem>>
      %dma_start3A_66 = arith.constant 0 : i32
      %dma_start3A_67 = tpu.memref_slice %arg7[%dma_start3A_61, %dma_start3A_66] : memref<16x128xi32, #tpu.memory_space<vmem>> -> memref<1x128xi32, #tpu.memory_space<vmem>>
      %dma_start3A_68 = tpu.memref_squeeze %dma_start3A_67 : memref<1x128xi32, #tpu.memory_space<vmem>> -> memref<128xi32, #tpu.memory_space<vmem>>
      %dma_start3A_69 = arith.constant 0 : i32
      %dma_start3A_70 = tpu.memref_slice %arg2[%dma_start3A_69] : memref<3276800xi32, #tpu.memory_space<hbm>> -> memref<3276800xi32, #tpu.memory_space<hbm>>
      tpu.enqueue_indirect_dma source(%dma_start3A_70 : memref<3276800xi32, #tpu.memory_space<hbm>>) target(%dma_start3A_65 : memref<128xi32, #tpu.memory_space<vmem>>) offsets(%dma_start3A_68 : memref<128xi32, #tpu.memory_space<vmem>>) semaphore(%arg10 : memref<!tpu.dma_semaphore, #tpu.memory_space<semaphore_mem>>)
      %dma_start3A_71 = arith.constant 6 : i32
      %dma_start3A_72 = arith.constant 6 : i32
      %dma_start3A_73 = arith.constant 0 : i32
      %dma_start3A_74 = tpu.memref_slice %arg8[%dma_start3A_72, %dma_start3A_73] : memref<16x128xi32, #tpu.memory_space<vmem>> -> memref<1x128xi32, #tpu.memory_space<vmem>>
      %dma_start3A_75 = tpu.memref_squeeze %dma_start3A_74 : memref<1x128xi32, #tpu.memory_space<vmem>> -> memref<128xi32, #tpu.memory_space<vmem>>
      %dma_start3A_76 = arith.constant 0 : i32
      %dma_start3A_77 = tpu.memref_slice %arg7[%dma_start3A_71, %dma_start3A_76] : memref<16x128xi32, #tpu.memory_space<vmem>> -> memref<1x128xi32, #tpu.memory_space<vmem>>
      %dma_start3A_78 = tpu.memref_squeeze %dma_start3A_77 : memref<1x128xi32, #tpu.memory_space<vmem>> -> memref<128xi32, #tpu.memory_space<vmem>>
      %dma_start3A_79 = arith.constant 0 : i32
      %dma_start3A_80 = tpu.memref_slice %arg2[%dma_start3A_79] : memref<3276800xi32, #tpu.memory_space<hbm>> -> memref<3276800xi32, #tpu.memory_space<hbm>>
      tpu.enqueue_indirect_dma source(%dma_start3A_80 : memref<3276800xi32, #tpu.memory_space<hbm>>) target(%dma_start3A_75 : memref<128xi32, #tpu.memory_space<vmem>>) offsets(%dma_start3A_78 : memref<128xi32, #tpu.memory_space<vmem>>) semaphore(%arg10 : memref<!tpu.dma_semaphore, #tpu.memory_space<semaphore_mem>>)
      %dma_start3A_81 = arith.constant 7 : i32
      %dma_start3A_82 = arith.constant 7 : i32
      %dma_start3A_83 = arith.constant 0 : i32
      %dma_start3A_84 = tpu.memref_slice %arg8[%dma_start3A_82, %dma_start3A_83] : memref<16x128xi32, #tpu.memory_space<vmem>> -> memref<1x128xi32, #tpu.memory_space<vmem>>
      %dma_start3A_85 = tpu.memref_squeeze %dma_start3A_84 : memref<1x128xi32, #tpu.memory_space<vmem>> -> memref<128xi32, #tpu.memory_space<vmem>>
      %dma_start3A_86 = arith.constant 0 : i32
      %dma_start3A_87 = tpu.memref_slice %arg7[%dma_start3A_81, %dma_start3A_86] : memref<16x128xi32, #tpu.memory_space<vmem>> -> memref<1x128xi32, #tpu.memory_space<vmem>>
      %dma_start3A_88 = tpu.memref_squeeze %dma_start3A_87 : memref<1x128xi32, #tpu.memory_space<vmem>> -> memref<128xi32, #tpu.memory_space<vmem>>
      %dma_start3A_89 = arith.constant 0 : i32
      %dma_start3A_90 = tpu.memref_slice %arg2[%dma_start3A_89] : memref<3276800xi32, #tpu.memory_space<hbm>> -> memref<3276800xi32, #tpu.memory_space<hbm>>
      tpu.enqueue_indirect_dma source(%dma_start3A_90 : memref<3276800xi32, #tpu.memory_space<hbm>>) target(%dma_start3A_85 : memref<128xi32, #tpu.memory_space<vmem>>) offsets(%dma_start3A_88 : memref<128xi32, #tpu.memory_space<vmem>>) semaphore(%arg10 : memref<!tpu.dma_semaphore, #tpu.memory_space<semaphore_mem>>)
      %dma_start3A_91 = arith.constant 8 : i32
      %dma_start3A_92 = arith.constant 8 : i32
      %dma_start3A_93 = arith.constant 0 : i32
      %dma_start3A_94 = tpu.memref_slice %arg8[%dma_start3A_92, %dma_start3A_93] : memref<16x128xi32, #tpu.memory_space<vmem>> -> memref<1x128xi32, #tpu.memory_space<vmem>>
      %dma_start3A_95 = tpu.memref_squeeze %dma_start3A_94 : memref<1x128xi32, #tpu.memory_space<vmem>> -> memref<128xi32, #tpu.memory_space<vmem>>
      %dma_start3A_96 = arith.constant 0 : i32
      %dma_start3A_97 = tpu.memref_slice %arg7[%dma_start3A_91, %dma_start3A_96] : memref<16x128xi32, #tpu.memory_space<vmem>> -> memref<1x128xi32, #tpu.memory_space<vmem>>
      %dma_start3A_98 = tpu.memref_squeeze %dma_start3A_97 : memref<1x128xi32, #tpu.memory_space<vmem>> -> memref<128xi32, #tpu.memory_space<vmem>>
      %dma_start3A_99 = arith.constant 0 : i32
      %dma_start3A_100 = tpu.memref_slice %arg2[%dma_start3A_99] : memref<3276800xi32, #tpu.memory_space<hbm>> -> memref<3276800xi32, #tpu.memory_space<hbm>>
      tpu.enqueue_indirect_dma source(%dma_start3A_100 : memref<3276800xi32, #tpu.memory_space<hbm>>) target(%dma_start3A_95 : memref<128xi32, #tpu.memory_space<vmem>>) offsets(%dma_start3A_98 : memref<128xi32, #tpu.memory_space<vmem>>) semaphore(%arg10 : memref<!tpu.dma_semaphore, #tpu.memory_space<semaphore_mem>>)
      %dma_start3A_101 = arith.constant 9 : i32
      %dma_start3A_102 = arith.constant 9 : i32
      %dma_start3A_103 = arith.constant 0 : i32
      %dma_start3A_104 = tpu.memref_slice %arg8[%dma_start3A_102, %dma_start3A_103] : memref<16x128xi32, #tpu.memory_space<vmem>> -> memref<1x128xi32, #tpu.memory_space<vmem>>
      %dma_start3A_105 = tpu.memref_squeeze %dma_start3A_104 : memref<1x128xi32, #tpu.memory_space<vmem>> -> memref<128xi32, #tpu.memory_space<vmem>>
      %dma_start3A_106 = arith.constant 0 : i32
      %dma_start3A_107 = tpu.memref_slice %arg7[%dma_start3A_101, %dma_start3A_106] : memref<16x128xi32, #tpu.memory_space<vmem>> -> memref<1x128xi32, #tpu.memory_space<vmem>>
      %dma_start3A_108 = tpu.memref_squeeze %dma_start3A_107 : memref<1x128xi32, #tpu.memory_space<vmem>> -> memref<128xi32, #tpu.memory_space<vmem>>
      %dma_start3A_109 = arith.constant 0 : i32
      %dma_start3A_110 = tpu.memref_slice %arg2[%dma_start3A_109] : memref<3276800xi32, #tpu.memory_space<hbm>> -> memref<3276800xi32, #tpu.memory_space<hbm>>
      tpu.enqueue_indirect_dma source(%dma_start3A_110 : memref<3276800xi32, #tpu.memory_space<hbm>>) target(%dma_start3A_105 : memref<128xi32, #tpu.memory_space<vmem>>) offsets(%dma_start3A_108 : memref<128xi32, #tpu.memory_space<vmem>>) semaphore(%arg10 : memref<!tpu.dma_semaphore, #tpu.memory_space<semaphore_mem>>)
      %dma_start3A_111 = arith.constant 10 : i32
      %dma_start3A_112 = arith.constant 10 : i32
      %dma_start3A_113 = arith.constant 0 : i32
      %dma_start3A_114 = tpu.memref_slice %arg8[%dma_start3A_112, %dma_start3A_113] : memref<16x128xi32, #tpu.memory_space<vmem>> -> memref<1x128xi32, #tpu.memory_space<vmem>>
      %dma_start3A_115 = tpu.memref_squeeze %dma_start3A_114 : memref<1x128xi32, #tpu.memory_space<vmem>> -> memref<128xi32, #tpu.memory_space<vmem>>
      %dma_start3A_116 = arith.constant 0 : i32
      %dma_start3A_117 = tpu.memref_slice %arg7[%dma_start3A_111, %dma_start3A_116] : memref<16x128xi32, #tpu.memory_space<vmem>> -> memref<1x128xi32, #tpu.memory_space<vmem>>
      %dma_start3A_118 = tpu.memref_squeeze %dma_start3A_117 : memref<1x128xi32, #tpu.memory_space<vmem>> -> memref<128xi32, #tpu.memory_space<vmem>>
      %dma_start3A_119 = arith.constant 0 : i32
      %dma_start3A_120 = tpu.memref_slice %arg2[%dma_start3A_119] : memref<3276800xi32, #tpu.memory_space<hbm>> -> memref<3276800xi32, #tpu.memory_space<hbm>>
      tpu.enqueue_indirect_dma source(%dma_start3A_120 : memref<3276800xi32, #tpu.memory_space<hbm>>) target(%dma_start3A_115 : memref<128xi32, #tpu.memory_space<vmem>>) offsets(%dma_start3A_118 : memref<128xi32, #tpu.memory_space<vmem>>) semaphore(%arg10 : memref<!tpu.dma_semaphore, #tpu.memory_space<semaphore_mem>>)
      %dma_start3A_121 = arith.constant 11 : i32
      %dma_start3A_122 = arith.constant 11 : i32
      %dma_start3A_123 = arith.constant 0 : i32
      %dma_start3A_124 = tpu.memref_slice %arg8[%dma_start3A_122, %dma_start3A_123] : memref<16x128xi32, #tpu.memory_space<vmem>> -> memref<1x128xi32, #tpu.memory_space<vmem>>
      %dma_start3A_125 = tpu.memref_squeeze %dma_start3A_124 : memref<1x128xi32, #tpu.memory_space<vmem>> -> memref<128xi32, #tpu.memory_space<vmem>>
      %dma_start3A_126 = arith.constant 0 : i32
      %dma_start3A_127 = tpu.memref_slice %arg7[%dma_start3A_121, %dma_start3A_126] : memref<16x128xi32, #tpu.memory_space<vmem>> -> memref<1x128xi32, #tpu.memory_space<vmem>>
      %dma_start3A_128 = tpu.memref_squeeze %dma_start3A_127 : memref<1x128xi32, #tpu.memory_space<vmem>> -> memref<128xi32, #tpu.memory_space<vmem>>
      %dma_start3A_129 = arith.constant 0 : i32
      %dma_start3A_130 = tpu.memref_slice %arg2[%dma_start3A_129] : memref<3276800xi32, #tpu.memory_space<hbm>> -> memref<3276800xi32, #tpu.memory_space<hbm>>
      tpu.enqueue_indirect_dma source(%dma_start3A_130 : memref<3276800xi32, #tpu.memory_space<hbm>>) target(%dma_start3A_125 : memref<128xi32, #tpu.memory_space<vmem>>) offsets(%dma_start3A_128 : memref<128xi32, #tpu.memory_space<vmem>>) semaphore(%arg10 : memref<!tpu.dma_semaphore, #tpu.memory_space<semaphore_mem>>)
      %dma_start3A_131 = arith.constant 12 : i32
      %dma_start3A_132 = arith.constant 12 : i32
      %dma_start3A_133 = arith.constant 0 : i32
      %dma_start3A_134 = tpu.memref_slice %arg8[%dma_start3A_132, %dma_start3A_133] : memref<16x128xi32, #tpu.memory_space<vmem>> -> memref<1x128xi32, #tpu.memory_space<vmem>>
      %dma_start3A_135 = tpu.memref_squeeze %dma_start3A_134 : memref<1x128xi32, #tpu.memory_space<vmem>> -> memref<128xi32, #tpu.memory_space<vmem>>
      %dma_start3A_136 = arith.constant 0 : i32
      %dma_start3A_137 = tpu.memref_slice %arg7[%dma_start3A_131, %dma_start3A_136] : memref<16x128xi32, #tpu.memory_space<vmem>> -> memref<1x128xi32, #tpu.memory_space<vmem>>
      %dma_start3A_138 = tpu.memref_squeeze %dma_start3A_137 : memref<1x128xi32, #tpu.memory_space<vmem>> -> memref<128xi32, #tpu.memory_space<vmem>>
      %dma_start3A_139 = arith.constant 0 : i32
      %dma_start3A_140 = tpu.memref_slice %arg2[%dma_start3A_139] : memref<3276800xi32, #tpu.memory_space<hbm>> -> memref<3276800xi32, #tpu.memory_space<hbm>>
      tpu.enqueue_indirect_dma source(%dma_start3A_140 : memref<3276800xi32, #tpu.memory_space<hbm>>) target(%dma_start3A_135 : memref<128xi32, #tpu.memory_space<vmem>>) offsets(%dma_start3A_138 : memref<128xi32, #tpu.memory_space<vmem>>) semaphore(%arg10 : memref<!tpu.dma_semaphore, #tpu.memory_space<semaphore_mem>>)
      %dma_start3A_141 = arith.constant 13 : i32
      %dma_start3A_142 = arith.constant 13 : i32
      %dma_start3A_143 = arith.constant 0 : i32
      %dma_start3A_144 = tpu.memref_slice %arg8[%dma_start3A_142, %dma_start3A_143] : memref<16x128xi32, #tpu.memory_space<vmem>> -> memref<1x128xi32, #tpu.memory_space<vmem>>
      %dma_start3A_145 = tpu.memref_squeeze %dma_start3A_144 : memref<1x128xi32, #tpu.memory_space<vmem>> -> memref<128xi32, #tpu.memory_space<vmem>>
      %dma_start3A_146 = arith.constant 0 : i32
      %dma_start3A_147 = tpu.memref_slice %arg7[%dma_start3A_141, %dma_start3A_146] : memref<16x128xi32, #tpu.memory_space<vmem>> -> memref<1x128xi32, #tpu.memory_space<vmem>>
      %dma_start3A_148 = tpu.memref_squeeze %dma_start3A_147 : memref<1x128xi32, #tpu.memory_space<vmem>> -> memref<128xi32, #tpu.memory_space<vmem>>
      %dma_start3A_149 = arith.constant 0 : i32
      %dma_start3A_150 = tpu.memref_slice %arg2[%dma_start3A_149] : memref<3276800xi32, #tpu.memory_space<hbm>> -> memref<3276800xi32, #tpu.memory_space<hbm>>
      tpu.enqueue_indirect_dma source(%dma_start3A_150 : memref<3276800xi32, #tpu.memory_space<hbm>>) target(%dma_start3A_145 : memref<128xi32, #tpu.memory_space<vmem>>) offsets(%dma_start3A_148 : memref<128xi32, #tpu.memory_space<vmem>>) semaphore(%arg10 : memref<!tpu.dma_semaphore, #tpu.memory_space<semaphore_mem>>)
      %dma_start3A_151 = arith.constant 14 : i32
      %dma_start3A_152 = arith.constant 14 : i32
      %dma_start3A_153 = arith.constant 0 : i32
      %dma_start3A_154 = tpu.memref_slice %arg8[%dma_start3A_152, %dma_start3A_153] : memref<16x128xi32, #tpu.memory_space<vmem>> -> memref<1x128xi32, #tpu.memory_space<vmem>>
      %dma_start3A_155 = tpu.memref_squeeze %dma_start3A_154 : memref<1x128xi32, #tpu.memory_space<vmem>> -> memref<128xi32, #tpu.memory_space<vmem>>
      %dma_start3A_156 = arith.constant 0 : i32
      %dma_start3A_157 = tpu.memref_slice %arg7[%dma_start3A_151, %dma_start3A_156] : memref<16x128xi32, #tpu.memory_space<vmem>> -> memref<1x128xi32, #tpu.memory_space<vmem>>
      %dma_start3A_158 = tpu.memref_squeeze %dma_start3A_157 : memref<1x128xi32, #tpu.memory_space<vmem>> -> memref<128xi32, #tpu.memory_space<vmem>>
      %dma_start3A_159 = arith.constant 0 : i32
      %dma_start3A_160 = tpu.memref_slice %arg2[%dma_start3A_159] : memref<3276800xi32, #tpu.memory_space<hbm>> -> memref<3276800xi32, #tpu.memory_space<hbm>>
      tpu.enqueue_indirect_dma source(%dma_start3A_160 : memref<3276800xi32, #tpu.memory_space<hbm>>) target(%dma_start3A_155 : memref<128xi32, #tpu.memory_space<vmem>>) offsets(%dma_start3A_158 : memref<128xi32, #tpu.memory_space<vmem>>) semaphore(%arg10 : memref<!tpu.dma_semaphore, #tpu.memory_space<semaphore_mem>>)
      %dma_start3A_161 = arith.constant 15 : i32
      %dma_start3A_162 = arith.constant 15 : i32
      %dma_start3A_163 = arith.constant 0 : i32
      %dma_start3A_164 = tpu.memref_slice %arg8[%dma_start3A_162, %dma_start3A_163] : memref<16x128xi32, #tpu.memory_space<vmem>> -> memref<1x128xi32, #tpu.memory_space<vmem>>
      %dma_start3A_165 = tpu.memref_squeeze %dma_start3A_164 : memref<1x128xi32, #tpu.memory_space<vmem>> -> memref<128xi32, #tpu.memory_space<vmem>>
      %dma_start3A_166 = arith.constant 0 : i32
      %dma_start3A_167 = tpu.memref_slice %arg7[%dma_start3A_161, %dma_start3A_166] : memref<16x128xi32, #tpu.memory_space<vmem>> -> memref<1x128xi32, #tpu.memory_space<vmem>>
      %dma_start3A_168 = tpu.memref_squeeze %dma_start3A_167 : memref<1x128xi32, #tpu.memory_space<vmem>> -> memref<128xi32, #tpu.memory_space<vmem>>
      %dma_start3A_169 = arith.constant 0 : i32
      %dma_start3A_170 = tpu.memref_slice %arg2[%dma_start3A_169] : memref<3276800xi32, #tpu.memory_space<hbm>> -> memref<3276800xi32, #tpu.memory_space<hbm>>
      tpu.enqueue_indirect_dma source(%dma_start3A_170 : memref<3276800xi32, #tpu.memory_space<hbm>>) target(%dma_start3A_165 : memref<128xi32, #tpu.memory_space<vmem>>) offsets(%dma_start3A_168 : memref<128xi32, #tpu.memory_space<vmem>>) semaphore(%arg10 : memref<!tpu.dma_semaphore, #tpu.memory_space<semaphore_mem>>)
      %dma_wait3A = arith.constant 0 : i32
      %dma_wait3A_171 = arith.constant 0 : i32
      %dma_wait3A_172 = arith.constant 0 : i32
      %dma_wait3A_173 = tpu.memref_slice %arg8[%dma_wait3A_171, %dma_wait3A_172] : memref<16x128xi32, #tpu.memory_space<vmem>> -> memref<1x128xi32, #tpu.memory_space<vmem>>
      %dma_wait3A_174 = tpu.memref_squeeze %dma_wait3A_173 : memref<1x128xi32, #tpu.memory_space<vmem>> -> memref<128xi32, #tpu.memory_space<vmem>>
      %dma_wait3A_175 = arith.constant 0 : i32
      %dma_wait3A_176 = tpu.memref_slice %arg7[%dma_wait3A, %dma_wait3A_175] : memref<16x128xi32, #tpu.memory_space<vmem>> -> memref<1x128xi32, #tpu.memory_space<vmem>>
      %dma_wait3A_177 = tpu.memref_squeeze %dma_wait3A_176 : memref<1x128xi32, #tpu.memory_space<vmem>> -> memref<128xi32, #tpu.memory_space<vmem>>
      %dma_wait3A_178 = arith.constant 0 : i32
      %dma_wait3A_179 = tpu.memref_slice %arg2[%dma_wait3A_178] : memref<3276800xi32, #tpu.memory_space<hbm>> -> memref<3276800xi32, #tpu.memory_space<hbm>>
      tpu.wait_indirect_dma semaphore(%arg10 : memref<!tpu.dma_semaphore, #tpu.memory_space<semaphore_mem>>) src(%dma_wait3A_179 : memref<3276800xi32, #tpu.memory_space<hbm>>) dst(%dma_wait3A_174 : memref<128xi32, #tpu.memory_space<vmem>>)
      %dma_wait3A_180 = arith.constant 1 : i32
      %dma_wait3A_181 = arith.constant 1 : i32
      %dma_wait3A_182 = arith.constant 0 : i32
      %dma_wait3A_183 = tpu.memref_slice %arg8[%dma_wait3A_181, %dma_wait3A_182] : memref<16x128xi32, #tpu.memory_space<vmem>> -> memref<1x128xi32, #tpu.memory_space<vmem>>
      %dma_wait3A_184 = tpu.memref_squeeze %dma_wait3A_183 : memref<1x128xi32, #tpu.memory_space<vmem>> -> memref<128xi32, #tpu.memory_space<vmem>>
      %dma_wait3A_185 = arith.constant 0 : i32
      %dma_wait3A_186 = tpu.memref_slice %arg7[%dma_wait3A_180, %dma_wait3A_185] : memref<16x128xi32, #tpu.memory_space<vmem>> -> memref<1x128xi32, #tpu.memory_space<vmem>>
      %dma_wait3A_187 = tpu.memref_squeeze %dma_wait3A_186 : memref<1x128xi32, #tpu.memory_space<vmem>> -> memref<128xi32, #tpu.memory_space<vmem>>
      %dma_wait3A_188 = arith.constant 0 : i32
      %dma_wait3A_189 = tpu.memref_slice %arg2[%dma_wait3A_188] : memref<3276800xi32, #tpu.memory_space<hbm>> -> memref<3276800xi32, #tpu.memory_space<hbm>>
      tpu.wait_indirect_dma semaphore(%arg10 : memref<!tpu.dma_semaphore, #tpu.memory_space<semaphore_mem>>) src(%dma_wait3A_189 : memref<3276800xi32, #tpu.memory_space<hbm>>) dst(%dma_wait3A_184 : memref<128xi32, #tpu.memory_space<vmem>>)
      %dma_wait3A_190 = arith.constant 2 : i32
      %dma_wait3A_191 = arith.constant 2 : i32
      %dma_wait3A_192 = arith.constant 0 : i32
      %dma_wait3A_193 = tpu.memref_slice %arg8[%dma_wait3A_191, %dma_wait3A_192] : memref<16x128xi32, #tpu.memory_space<vmem>> -> memref<1x128xi32, #tpu.memory_space<vmem>>
      %dma_wait3A_194 = tpu.memref_squeeze %dma_wait3A_193 : memref<1x128xi32, #tpu.memory_space<vmem>> -> memref<128xi32, #tpu.memory_space<vmem>>
      %dma_wait3A_195 = arith.constant 0 : i32
      %dma_wait3A_196 = tpu.memref_slice %arg7[%dma_wait3A_190, %dma_wait3A_195] : memref<16x128xi32, #tpu.memory_space<vmem>> -> memref<1x128xi32, #tpu.memory_space<vmem>>
      %dma_wait3A_197 = tpu.memref_squeeze %dma_wait3A_196 : memref<1x128xi32, #tpu.memory_space<vmem>> -> memref<128xi32, #tpu.memory_space<vmem>>
      %dma_wait3A_198 = arith.constant 0 : i32
      %dma_wait3A_199 = tpu.memref_slice %arg2[%dma_wait3A_198] : memref<3276800xi32, #tpu.memory_space<hbm>> -> memref<3276800xi32, #tpu.memory_space<hbm>>
      tpu.wait_indirect_dma semaphore(%arg10 : memref<!tpu.dma_semaphore, #tpu.memory_space<semaphore_mem>>) src(%dma_wait3A_199 : memref<3276800xi32, #tpu.memory_space<hbm>>) dst(%dma_wait3A_194 : memref<128xi32, #tpu.memory_space<vmem>>)
      %dma_wait3A_200 = arith.constant 3 : i32
      %dma_wait3A_201 = arith.constant 3 : i32
      %dma_wait3A_202 = arith.constant 0 : i32
      %dma_wait3A_203 = tpu.memref_slice %arg8[%dma_wait3A_201, %dma_wait3A_202] : memref<16x128xi32, #tpu.memory_space<vmem>> -> memref<1x128xi32, #tpu.memory_space<vmem>>
      %dma_wait3A_204 = tpu.memref_squeeze %dma_wait3A_203 : memref<1x128xi32, #tpu.memory_space<vmem>> -> memref<128xi32, #tpu.memory_space<vmem>>
      %dma_wait3A_205 = arith.constant 0 : i32
      %dma_wait3A_206 = tpu.memref_slice %arg7[%dma_wait3A_200, %dma_wait3A_205] : memref<16x128xi32, #tpu.memory_space<vmem>> -> memref<1x128xi32, #tpu.memory_space<vmem>>
      %dma_wait3A_207 = tpu.memref_squeeze %dma_wait3A_206 : memref<1x128xi32, #tpu.memory_space<vmem>> -> memref<128xi32, #tpu.memory_space<vmem>>
      %dma_wait3A_208 = arith.constant 0 : i32
      %dma_wait3A_209 = tpu.memref_slice %arg2[%dma_wait3A_208] : memref<3276800xi32, #tpu.memory_space<hbm>> -> memref<3276800xi32, #tpu.memory_space<hbm>>
      tpu.wait_indirect_dma semaphore(%arg10 : memref<!tpu.dma_semaphore, #tpu.memory_space<semaphore_mem>>) src(%dma_wait3A_209 : memref<3276800xi32, #tpu.memory_space<hbm>>) dst(%dma_wait3A_204 : memref<128xi32, #tpu.memory_space<vmem>>)
      %dma_wait3A_210 = arith.constant 4 : i32
      %dma_wait3A_211 = arith.constant 4 : i32
      %dma_wait3A_212 = arith.constant 0 : i32
      %dma_wait3A_213 = tpu.memref_slice %arg8[%dma_wait3A_211, %dma_wait3A_212] : memref<16x128xi32, #tpu.memory_space<vmem>> -> memref<1x128xi32, #tpu.memory_space<vmem>>
      %dma_wait3A_214 = tpu.memref_squeeze %dma_wait3A_213 : memref<1x128xi32, #tpu.memory_space<vmem>> -> memref<128xi32, #tpu.memory_space<vmem>>
      %dma_wait3A_215 = arith.constant 0 : i32
      %dma_wait3A_216 = tpu.memref_slice %arg7[%dma_wait3A_210, %dma_wait3A_215] : memref<16x128xi32, #tpu.memory_space<vmem>> -> memref<1x128xi32, #tpu.memory_space<vmem>>
      %dma_wait3A_217 = tpu.memref_squeeze %dma_wait3A_216 : memref<1x128xi32, #tpu.memory_space<vmem>> -> memref<128xi32, #tpu.memory_space<vmem>>
      %dma_wait3A_218 = arith.constant 0 : i32
      %dma_wait3A_219 = tpu.memref_slice %arg2[%dma_wait3A_218] : memref<3276800xi32, #tpu.memory_space<hbm>> -> memref<3276800xi32, #tpu.memory_space<hbm>>
      tpu.wait_indirect_dma semaphore(%arg10 : memref<!tpu.dma_semaphore, #tpu.memory_space<semaphore_mem>>) src(%dma_wait3A_219 : memref<3276800xi32, #tpu.memory_space<hbm>>) dst(%dma_wait3A_214 : memref<128xi32, #tpu.memory_space<vmem>>)
      %dma_wait3A_220 = arith.constant 5 : i32
      %dma_wait3A_221 = arith.constant 5 : i32
      %dma_wait3A_222 = arith.constant 0 : i32
      %dma_wait3A_223 = tpu.memref_slice %arg8[%dma_wait3A_221, %dma_wait3A_222] : memref<16x128xi32, #tpu.memory_space<vmem>> -> memref<1x128xi32, #tpu.memory_space<vmem>>
      %dma_wait3A_224 = tpu.memref_squeeze %dma_wait3A_223 : memref<1x128xi32, #tpu.memory_space<vmem>> -> memref<128xi32, #tpu.memory_space<vmem>>
      %dma_wait3A_225 = arith.constant 0 : i32
      %dma_wait3A_226 = tpu.memref_slice %arg7[%dma_wait3A_220, %dma_wait3A_225] : memref<16x128xi32, #tpu.memory_space<vmem>> -> memref<1x128xi32, #tpu.memory_space<vmem>>
      %dma_wait3A_227 = tpu.memref_squeeze %dma_wait3A_226 : memref<1x128xi32, #tpu.memory_space<vmem>> -> memref<128xi32, #tpu.memory_space<vmem>>
      %dma_wait3A_228 = arith.constant 0 : i32
      %dma_wait3A_229 = tpu.memref_slice %arg2[%dma_wait3A_228] : memref<3276800xi32, #tpu.memory_space<hbm>> -> memref<3276800xi32, #tpu.memory_space<hbm>>
      tpu.wait_indirect_dma semaphore(%arg10 : memref<!tpu.dma_semaphore, #tpu.memory_space<semaphore_mem>>) src(%dma_wait3A_229 : memref<3276800xi32, #tpu.memory_space<hbm>>) dst(%dma_wait3A_224 : memref<128xi32, #tpu.memory_space<vmem>>)
      %dma_wait3A_230 = arith.constant 6 : i32
      %dma_wait3A_231 = arith.constant 6 : i32
      %dma_wait3A_232 = arith.constant 0 : i32
      %dma_wait3A_233 = tpu.memref_slice %arg8[%dma_wait3A_231, %dma_wait3A_232] : memref<16x128xi32, #tpu.memory_space<vmem>> -> memref<1x128xi32, #tpu.memory_space<vmem>>
      %dma_wait3A_234 = tpu.memref_squeeze %dma_wait3A_233 : memref<1x128xi32, #tpu.memory_space<vmem>> -> memref<128xi32, #tpu.memory_space<vmem>>
      %dma_wait3A_235 = arith.constant 0 : i32
      %dma_wait3A_236 = tpu.memref_slice %arg7[%dma_wait3A_230, %dma_wait3A_235] : memref<16x128xi32, #tpu.memory_space<vmem>> -> memref<1x128xi32, #tpu.memory_space<vmem>>
      %dma_wait3A_237 = tpu.memref_squeeze %dma_wait3A_236 : memref<1x128xi32, #tpu.memory_space<vmem>> -> memref<128xi32, #tpu.memory_space<vmem>>
      %dma_wait3A_238 = arith.constant 0 : i32
      %dma_wait3A_239 = tpu.memref_slice %arg2[%dma_wait3A_238] : memref<3276800xi32, #tpu.memory_space<hbm>> -> memref<3276800xi32, #tpu.memory_space<hbm>>
      tpu.wait_indirect_dma semaphore(%arg10 : memref<!tpu.dma_semaphore, #tpu.memory_space<semaphore_mem>>) src(%dma_wait3A_239 : memref<3276800xi32, #tpu.memory_space<hbm>>) dst(%dma_wait3A_234 : memref<128xi32, #tpu.memory_space<vmem>>)
      %dma_wait3A_240 = arith.constant 7 : i32
      %dma_wait3A_241 = arith.constant 7 : i32
      %dma_wait3A_242 = arith.constant 0 : i32
      %dma_wait3A_243 = tpu.memref_slice %arg8[%dma_wait3A_241, %dma_wait3A_242] : memref<16x128xi32, #tpu.memory_space<vmem>> -> memref<1x128xi32, #tpu.memory_space<vmem>>
      %dma_wait3A_244 = tpu.memref_squeeze %dma_wait3A_243 : memref<1x128xi32, #tpu.memory_space<vmem>> -> memref<128xi32, #tpu.memory_space<vmem>>
      %dma_wait3A_245 = arith.constant 0 : i32
      %dma_wait3A_246 = tpu.memref_slice %arg7[%dma_wait3A_240, %dma_wait3A_245] : memref<16x128xi32, #tpu.memory_space<vmem>> -> memref<1x128xi32, #tpu.memory_space<vmem>>
      %dma_wait3A_247 = tpu.memref_squeeze %dma_wait3A_246 : memref<1x128xi32, #tpu.memory_space<vmem>> -> memref<128xi32, #tpu.memory_space<vmem>>
      %dma_wait3A_248 = arith.constant 0 : i32
      %dma_wait3A_249 = tpu.memref_slice %arg2[%dma_wait3A_248] : memref<3276800xi32, #tpu.memory_space<hbm>> -> memref<3276800xi32, #tpu.memory_space<hbm>>
      tpu.wait_indirect_dma semaphore(%arg10 : memref<!tpu.dma_semaphore, #tpu.memory_space<semaphore_mem>>) src(%dma_wait3A_249 : memref<3276800xi32, #tpu.memory_space<hbm>>) dst(%dma_wait3A_244 : memref<128xi32, #tpu.memory_space<vmem>>)
      %dma_wait3A_250 = arith.constant 8 : i32
      %dma_wait3A_251 = arith.constant 8 : i32
      %dma_wait3A_252 = arith.constant 0 : i32
      %dma_wait3A_253 = tpu.memref_slice %arg8[%dma_wait3A_251, %dma_wait3A_252] : memref<16x128xi32, #tpu.memory_space<vmem>> -> memref<1x128xi32, #tpu.memory_space<vmem>>
      %dma_wait3A_254 = tpu.memref_squeeze %dma_wait3A_253 : memref<1x128xi32, #tpu.memory_space<vmem>> -> memref<128xi32, #tpu.memory_space<vmem>>
      %dma_wait3A_255 = arith.constant 0 : i32
      %dma_wait3A_256 = tpu.memref_slice %arg7[%dma_wait3A_250, %dma_wait3A_255] : memref<16x128xi32, #tpu.memory_space<vmem>> -> memref<1x128xi32, #tpu.memory_space<vmem>>
      %dma_wait3A_257 = tpu.memref_squeeze %dma_wait3A_256 : memref<1x128xi32, #tpu.memory_space<vmem>> -> memref<128xi32, #tpu.memory_space<vmem>>
      %dma_wait3A_258 = arith.constant 0 : i32
      %dma_wait3A_259 = tpu.memref_slice %arg2[%dma_wait3A_258] : memref<3276800xi32, #tpu.memory_space<hbm>> -> memref<3276800xi32, #tpu.memory_space<hbm>>
      tpu.wait_indirect_dma semaphore(%arg10 : memref<!tpu.dma_semaphore, #tpu.memory_space<semaphore_mem>>) src(%dma_wait3A_259 : memref<3276800xi32, #tpu.memory_space<hbm>>) dst(%dma_wait3A_254 : memref<128xi32, #tpu.memory_space<vmem>>)
      %dma_wait3A_260 = arith.constant 9 : i32
      %dma_wait3A_261 = arith.constant 9 : i32
      %dma_wait3A_262 = arith.constant 0 : i32
      %dma_wait3A_263 = tpu.memref_slice %arg8[%dma_wait3A_261, %dma_wait3A_262] : memref<16x128xi32, #tpu.memory_space<vmem>> -> memref<1x128xi32, #tpu.memory_space<vmem>>
      %dma_wait3A_264 = tpu.memref_squeeze %dma_wait3A_263 : memref<1x128xi32, #tpu.memory_space<vmem>> -> memref<128xi32, #tpu.memory_space<vmem>>
      %dma_wait3A_265 = arith.constant 0 : i32
      %dma_wait3A_266 = tpu.memref_slice %arg7[%dma_wait3A_260, %dma_wait3A_265] : memref<16x128xi32, #tpu.memory_space<vmem>> -> memref<1x128xi32, #tpu.memory_space<vmem>>
      %dma_wait3A_267 = tpu.memref_squeeze %dma_wait3A_266 : memref<1x128xi32, #tpu.memory_space<vmem>> -> memref<128xi32, #tpu.memory_space<vmem>>
      %dma_wait3A_268 = arith.constant 0 : i32
      %dma_wait3A_269 = tpu.memref_slice %arg2[%dma_wait3A_268] : memref<3276800xi32, #tpu.memory_space<hbm>> -> memref<3276800xi32, #tpu.memory_space<hbm>>
      tpu.wait_indirect_dma semaphore(%arg10 : memref<!tpu.dma_semaphore, #tpu.memory_space<semaphore_mem>>) src(%dma_wait3A_269 : memref<3276800xi32, #tpu.memory_space<hbm>>) dst(%dma_wait3A_264 : memref<128xi32, #tpu.memory_space<vmem>>)
      %dma_wait3A_270 = arith.constant 10 : i32
      %dma_wait3A_271 = arith.constant 10 : i32
      %dma_wait3A_272 = arith.constant 0 : i32
      %dma_wait3A_273 = tpu.memref_slice %arg8[%dma_wait3A_271, %dma_wait3A_272] : memref<16x128xi32, #tpu.memory_space<vmem>> -> memref<1x128xi32, #tpu.memory_space<vmem>>
      %dma_wait3A_274 = tpu.memref_squeeze %dma_wait3A_273 : memref<1x128xi32, #tpu.memory_space<vmem>> -> memref<128xi32, #tpu.memory_space<vmem>>
      %dma_wait3A_275 = arith.constant 0 : i32
      %dma_wait3A_276 = tpu.memref_slice %arg7[%dma_wait3A_270, %dma_wait3A_275] : memref<16x128xi32, #tpu.memory_space<vmem>> -> memref<1x128xi32, #tpu.memory_space<vmem>>
      %dma_wait3A_277 = tpu.memref_squeeze %dma_wait3A_276 : memref<1x128xi32, #tpu.memory_space<vmem>> -> memref<128xi32, #tpu.memory_space<vmem>>
      %dma_wait3A_278 = arith.constant 0 : i32
      %dma_wait3A_279 = tpu.memref_slice %arg2[%dma_wait3A_278] : memref<3276800xi32, #tpu.memory_space<hbm>> -> memref<3276800xi32, #tpu.memory_space<hbm>>
      tpu.wait_indirect_dma semaphore(%arg10 : memref<!tpu.dma_semaphore, #tpu.memory_space<semaphore_mem>>) src(%dma_wait3A_279 : memref<3276800xi32, #tpu.memory_space<hbm>>) dst(%dma_wait3A_274 : memref<128xi32, #tpu.memory_space<vmem>>)
      %dma_wait3A_280 = arith.constant 11 : i32
      %dma_wait3A_281 = arith.constant 11 : i32
      %dma_wait3A_282 = arith.constant 0 : i32
      %dma_wait3A_283 = tpu.memref_slice %arg8[%dma_wait3A_281, %dma_wait3A_282] : memref<16x128xi32, #tpu.memory_space<vmem>> -> memref<1x128xi32, #tpu.memory_space<vmem>>
      %dma_wait3A_284 = tpu.memref_squeeze %dma_wait3A_283 : memref<1x128xi32, #tpu.memory_space<vmem>> -> memref<128xi32, #tpu.memory_space<vmem>>
      %dma_wait3A_285 = arith.constant 0 : i32
      %dma_wait3A_286 = tpu.memref_slice %arg7[%dma_wait3A_280, %dma_wait3A_285] : memref<16x128xi32, #tpu.memory_space<vmem>> -> memref<1x128xi32, #tpu.memory_space<vmem>>
      %dma_wait3A_287 = tpu.memref_squeeze %dma_wait3A_286 : memref<1x128xi32, #tpu.memory_space<vmem>> -> memref<128xi32, #tpu.memory_space<vmem>>
      %dma_wait3A_288 = arith.constant 0 : i32
      %dma_wait3A_289 = tpu.memref_slice %arg2[%dma_wait3A_288] : memref<3276800xi32, #tpu.memory_space<hbm>> -> memref<3276800xi32, #tpu.memory_space<hbm>>
      tpu.wait_indirect_dma semaphore(%arg10 : memref<!tpu.dma_semaphore, #tpu.memory_space<semaphore_mem>>) src(%dma_wait3A_289 : memref<3276800xi32, #tpu.memory_space<hbm>>) dst(%dma_wait3A_284 : memref<128xi32, #tpu.memory_space<vmem>>)
      %dma_wait3A_290 = arith.constant 12 : i32
      %dma_wait3A_291 = arith.constant 12 : i32
      %dma_wait3A_292 = arith.constant 0 : i32
      %dma_wait3A_293 = tpu.memref_slice %arg8[%dma_wait3A_291, %dma_wait3A_292] : memref<16x128xi32, #tpu.memory_space<vmem>> -> memref<1x128xi32, #tpu.memory_space<vmem>>
      %dma_wait3A_294 = tpu.memref_squeeze %dma_wait3A_293 : memref<1x128xi32, #tpu.memory_space<vmem>> -> memref<128xi32, #tpu.memory_space<vmem>>
      %dma_wait3A_295 = arith.constant 0 : i32
      %dma_wait3A_296 = tpu.memref_slice %arg7[%dma_wait3A_290, %dma_wait3A_295] : memref<16x128xi32, #tpu.memory_space<vmem>> -> memref<1x128xi32, #tpu.memory_space<vmem>>
      %dma_wait3A_297 = tpu.memref_squeeze %dma_wait3A_296 : memref<1x128xi32, #tpu.memory_space<vmem>> -> memref<128xi32, #tpu.memory_space<vmem>>
      %dma_wait3A_298 = arith.constant 0 : i32
      %dma_wait3A_299 = tpu.memref_slice %arg2[%dma_wait3A_298] : memref<3276800xi32, #tpu.memory_space<hbm>> -> memref<3276800xi32, #tpu.memory_space<hbm>>
      tpu.wait_indirect_dma semaphore(%arg10 : memref<!tpu.dma_semaphore, #tpu.memory_space<semaphore_mem>>) src(%dma_wait3A_299 : memref<3276800xi32, #tpu.memory_space<hbm>>) dst(%dma_wait3A_294 : memref<128xi32, #tpu.memory_space<vmem>>)
      %dma_wait3A_300 = arith.constant 13 : i32
      %dma_wait3A_301 = arith.constant 13 : i32
      %dma_wait3A_302 = arith.constant 0 : i32
      %dma_wait3A_303 = tpu.memref_slice %arg8[%dma_wait3A_301, %dma_wait3A_302] : memref<16x128xi32, #tpu.memory_space<vmem>> -> memref<1x128xi32, #tpu.memory_space<vmem>>
      %dma_wait3A_304 = tpu.memref_squeeze %dma_wait3A_303 : memref<1x128xi32, #tpu.memory_space<vmem>> -> memref<128xi32, #tpu.memory_space<vmem>>
      %dma_wait3A_305 = arith.constant 0 : i32
      %dma_wait3A_306 = tpu.memref_slice %arg7[%dma_wait3A_300, %dma_wait3A_305] : memref<16x128xi32, #tpu.memory_space<vmem>> -> memref<1x128xi32, #tpu.memory_space<vmem>>
      %dma_wait3A_307 = tpu.memref_squeeze %dma_wait3A_306 : memref<1x128xi32, #tpu.memory_space<vmem>> -> memref<128xi32, #tpu.memory_space<vmem>>
      %dma_wait3A_308 = arith.constant 0 : i32
      %dma_wait3A_309 = tpu.memref_slice %arg2[%dma_wait3A_308] : memref<3276800xi32, #tpu.memory_space<hbm>> -> memref<3276800xi32, #tpu.memory_space<hbm>>
      tpu.wait_indirect_dma semaphore(%arg10 : memref<!tpu.dma_semaphore, #tpu.memory_space<semaphore_mem>>) src(%dma_wait3A_309 : memref<3276800xi32, #tpu.memory_space<hbm>>) dst(%dma_wait3A_304 : memref<128xi32, #tpu.memory_space<vmem>>)
      %dma_wait3A_310 = arith.constant 14 : i32
      %dma_wait3A_311 = arith.constant 14 : i32
      %dma_wait3A_312 = arith.constant 0 : i32
      %dma_wait3A_313 = tpu.memref_slice %arg8[%dma_wait3A_311, %dma_wait3A_312] : memref<16x128xi32, #tpu.memory_space<vmem>> -> memref<1x128xi32, #tpu.memory_space<vmem>>
      %dma_wait3A_314 = tpu.memref_squeeze %dma_wait3A_313 : memref<1x128xi32, #tpu.memory_space<vmem>> -> memref<128xi32, #tpu.memory_space<vmem>>
      %dma_wait3A_315 = arith.constant 0 : i32
      %dma_wait3A_316 = tpu.memref_slice %arg7[%dma_wait3A_310, %dma_wait3A_315] : memref<16x128xi32, #tpu.memory_space<vmem>> -> memref<1x128xi32, #tpu.memory_space<vmem>>
      %dma_wait3A_317 = tpu.memref_squeeze %dma_wait3A_316 : memref<1x128xi32, #tpu.memory_space<vmem>> -> memref<128xi32, #tpu.memory_space<vmem>>
      %dma_wait3A_318 = arith.constant 0 : i32
      %dma_wait3A_319 = tpu.memref_slice %arg2[%dma_wait3A_318] : memref<3276800xi32, #tpu.memory_space<hbm>> -> memref<3276800xi32, #tpu.memory_space<hbm>>
      tpu.wait_indirect_dma semaphore(%arg10 : memref<!tpu.dma_semaphore, #tpu.memory_space<semaphore_mem>>) src(%dma_wait3A_319 : memref<3276800xi32, #tpu.memory_space<hbm>>) dst(%dma_wait3A_314 : memref<128xi32, #tpu.memory_space<vmem>>)
      %dma_wait3A_320 = arith.constant 15 : i32
      %dma_wait3A_321 = arith.constant 15 : i32
      %dma_wait3A_322 = arith.constant 0 : i32
      %dma_wait3A_323 = tpu.memref_slice %arg8[%dma_wait3A_321, %dma_wait3A_322] : memref<16x128xi32, #tpu.memory_space<vmem>> -> memref<1x128xi32, #tpu.memory_space<vmem>>
      %dma_wait3A_324 = tpu.memref_squeeze %dma_wait3A_323 : memref<1x128xi32, #tpu.memory_space<vmem>> -> memref<128xi32, #tpu.memory_space<vmem>>
      %dma_wait3A_325 = arith.constant 0 : i32
      %dma_wait3A_326 = tpu.memref_slice %arg7[%dma_wait3A_320, %dma_wait3A_325] : memref<16x128xi32, #tpu.memory_space<vmem>> -> memref<1x128xi32, #tpu.memory_space<vmem>>
      %dma_wait3A_327 = tpu.memref_squeeze %dma_wait3A_326 : memref<1x128xi32, #tpu.memory_space<vmem>> -> memref<128xi32, #tpu.memory_space<vmem>>
      %dma_wait3A_328 = arith.constant 0 : i32
      %dma_wait3A_329 = tpu.memref_slice %arg2[%dma_wait3A_328] : memref<3276800xi32, #tpu.memory_space<hbm>> -> memref<3276800xi32, #tpu.memory_space<hbm>>
      tpu.wait_indirect_dma semaphore(%arg10 : memref<!tpu.dma_semaphore, #tpu.memory_space<semaphore_mem>>) src(%dma_wait3A_329 : memref<3276800xi32, #tpu.memory_space<hbm>>) dst(%dma_wait3A_324 : memref<128xi32, #tpu.memory_space<vmem>>)
      %dma_start3A_330 = arith.constant 0 : i32
      %dma_start3A_331 = arith.constant 0 : i32
      %dma_start3A_332 = arith.constant 0 : i32
      %dma_start3A_333 = tpu.memref_slice %arg9[%dma_start3A_331, %dma_start3A_332] : memref<16x128xi32, #tpu.memory_space<vmem>> -> memref<1x128xi32, #tpu.memory_space<vmem>>
      %dma_start3A_334 = tpu.memref_squeeze %dma_start3A_333 : memref<1x128xi32, #tpu.memory_space<vmem>> -> memref<128xi32, #tpu.memory_space<vmem>>
      %dma_start3A_335 = arith.constant 0 : i32
      %dma_start3A_336 = tpu.memref_slice %arg7[%dma_start3A_330, %dma_start3A_335] : memref<16x128xi32, #tpu.memory_space<vmem>> -> memref<1x128xi32, #tpu.memory_space<vmem>>
      %dma_start3A_337 = tpu.memref_squeeze %dma_start3A_336 : memref<1x128xi32, #tpu.memory_space<vmem>> -> memref<128xi32, #tpu.memory_space<vmem>>
      %dma_start3A_338 = arith.constant 0 : i32
      %dma_start3A_339 = tpu.memref_slice %arg3[%dma_start3A_338] : memref<3276800xi32, #tpu.memory_space<hbm>> -> memref<3276800xi32, #tpu.memory_space<hbm>>
      tpu.enqueue_indirect_dma source(%dma_start3A_339 : memref<3276800xi32, #tpu.memory_space<hbm>>) target(%dma_start3A_334 : memref<128xi32, #tpu.memory_space<vmem>>) offsets(%dma_start3A_337 : memref<128xi32, #tpu.memory_space<vmem>>) semaphore(%arg10 : memref<!tpu.dma_semaphore, #tpu.memory_space<semaphore_mem>>)
      %dma_start3A_340 = arith.constant 1 : i32
      %dma_start3A_341 = arith.constant 1 : i32
      %dma_start3A_342 = arith.constant 0 : i32
      %dma_start3A_343 = tpu.memref_slice %arg9[%dma_start3A_341, %dma_start3A_342] : memref<16x128xi32, #tpu.memory_space<vmem>> -> memref<1x128xi32, #tpu.memory_space<vmem>>
      %dma_start3A_344 = tpu.memref_squeeze %dma_start3A_343 : memref<1x128xi32, #tpu.memory_space<vmem>> -> memref<128xi32, #tpu.memory_space<vmem>>
      %dma_start3A_345 = arith.constant 0 : i32
      %dma_start3A_346 = tpu.memref_slice %arg7[%dma_start3A_340, %dma_start3A_345] : memref<16x128xi32, #tpu.memory_space<vmem>> -> memref<1x128xi32, #tpu.memory_space<vmem>>
      %dma_start3A_347 = tpu.memref_squeeze %dma_start3A_346 : memref<1x128xi32, #tpu.memory_space<vmem>> -> memref<128xi32, #tpu.memory_space<vmem>>
      %dma_start3A_348 = arith.constant 0 : i32
      %dma_start3A_349 = tpu.memref_slice %arg3[%dma_start3A_348] : memref<3276800xi32, #tpu.memory_space<hbm>> -> memref<3276800xi32, #tpu.memory_space<hbm>>
      tpu.enqueue_indirect_dma source(%dma_start3A_349 : memref<3276800xi32, #tpu.memory_space<hbm>>) target(%dma_start3A_344 : memref<128xi32, #tpu.memory_space<vmem>>) offsets(%dma_start3A_347 : memref<128xi32, #tpu.memory_space<vmem>>) semaphore(%arg10 : memref<!tpu.dma_semaphore, #tpu.memory_space<semaphore_mem>>)
      %dma_start3A_350 = arith.constant 2 : i32
      %dma_start3A_351 = arith.constant 2 : i32
      %dma_start3A_352 = arith.constant 0 : i32
      %dma_start3A_353 = tpu.memref_slice %arg9[%dma_start3A_351, %dma_start3A_352] : memref<16x128xi32, #tpu.memory_space<vmem>> -> memref<1x128xi32, #tpu.memory_space<vmem>>
      %dma_start3A_354 = tpu.memref_squeeze %dma_start3A_353 : memref<1x128xi32, #tpu.memory_space<vmem>> -> memref<128xi32, #tpu.memory_space<vmem>>
      %dma_start3A_355 = arith.constant 0 : i32
      %dma_start3A_356 = tpu.memref_slice %arg7[%dma_start3A_350, %dma_start3A_355] : memref<16x128xi32, #tpu.memory_space<vmem>> -> memref<1x128xi32, #tpu.memory_space<vmem>>
      %dma_start3A_357 = tpu.memref_squeeze %dma_start3A_356 : memref<1x128xi32, #tpu.memory_space<vmem>> -> memref<128xi32, #tpu.memory_space<vmem>>
      %dma_start3A_358 = arith.constant 0 : i32
      %dma_start3A_359 = tpu.memref_slice %arg3[%dma_start3A_358] : memref<3276800xi32, #tpu.memory_space<hbm>> -> memref<3276800xi32, #tpu.memory_space<hbm>>
      tpu.enqueue_indirect_dma source(%dma_start3A_359 : memref<3276800xi32, #tpu.memory_space<hbm>>) target(%dma_start3A_354 : memref<128xi32, #tpu.memory_space<vmem>>) offsets(%dma_start3A_357 : memref<128xi32, #tpu.memory_space<vmem>>) semaphore(%arg10 : memref<!tpu.dma_semaphore, #tpu.memory_space<semaphore_mem>>)
      %dma_start3A_360 = arith.constant 3 : i32
      %dma_start3A_361 = arith.constant 3 : i32
      %dma_start3A_362 = arith.constant 0 : i32
      %dma_start3A_363 = tpu.memref_slice %arg9[%dma_start3A_361, %dma_start3A_362] : memref<16x128xi32, #tpu.memory_space<vmem>> -> memref<1x128xi32, #tpu.memory_space<vmem>>
      %dma_start3A_364 = tpu.memref_squeeze %dma_start3A_363 : memref<1x128xi32, #tpu.memory_space<vmem>> -> memref<128xi32, #tpu.memory_space<vmem>>
      %dma_start3A_365 = arith.constant 0 : i32
      %dma_start3A_366 = tpu.memref_slice %arg7[%dma_start3A_360, %dma_start3A_365] : memref<16x128xi32, #tpu.memory_space<vmem>> -> memref<1x128xi32, #tpu.memory_space<vmem>>
      %dma_start3A_367 = tpu.memref_squeeze %dma_start3A_366 : memref<1x128xi32, #tpu.memory_space<vmem>> -> memref<128xi32, #tpu.memory_space<vmem>>
      %dma_start3A_368 = arith.constant 0 : i32
      %dma_start3A_369 = tpu.memref_slice %arg3[%dma_start3A_368] : memref<3276800xi32, #tpu.memory_space<hbm>> -> memref<3276800xi32, #tpu.memory_space<hbm>>
      tpu.enqueue_indirect_dma source(%dma_start3A_369 : memref<3276800xi32, #tpu.memory_space<hbm>>) target(%dma_start3A_364 : memref<128xi32, #tpu.memory_space<vmem>>) offsets(%dma_start3A_367 : memref<128xi32, #tpu.memory_space<vmem>>) semaphore(%arg10 : memref<!tpu.dma_semaphore, #tpu.memory_space<semaphore_mem>>)
      %dma_start3A_370 = arith.constant 4 : i32
      %dma_start3A_371 = arith.constant 4 : i32
      %dma_start3A_372 = arith.constant 0 : i32
      %dma_start3A_373 = tpu.memref_slice %arg9[%dma_start3A_371, %dma_start3A_372] : memref<16x128xi32, #tpu.memory_space<vmem>> -> memref<1x128xi32, #tpu.memory_space<vmem>>
      %dma_start3A_374 = tpu.memref_squeeze %dma_start3A_373 : memref<1x128xi32, #tpu.memory_space<vmem>> -> memref<128xi32, #tpu.memory_space<vmem>>
      %dma_start3A_375 = arith.constant 0 : i32
      %dma_start3A_376 = tpu.memref_slice %arg7[%dma_start3A_370, %dma_start3A_375] : memref<16x128xi32, #tpu.memory_space<vmem>> -> memref<1x128xi32, #tpu.memory_space<vmem>>
      %dma_start3A_377 = tpu.memref_squeeze %dma_start3A_376 : memref<1x128xi32, #tpu.memory_space<vmem>> -> memref<128xi32, #tpu.memory_space<vmem>>
      %dma_start3A_378 = arith.constant 0 : i32
      %dma_start3A_379 = tpu.memref_slice %arg3[%dma_start3A_378] : memref<3276800xi32, #tpu.memory_space<hbm>> -> memref<3276800xi32, #tpu.memory_space<hbm>>
      tpu.enqueue_indirect_dma source(%dma_start3A_379 : memref<3276800xi32, #tpu.memory_space<hbm>>) target(%dma_start3A_374 : memref<128xi32, #tpu.memory_space<vmem>>) offsets(%dma_start3A_377 : memref<128xi32, #tpu.memory_space<vmem>>) semaphore(%arg10 : memref<!tpu.dma_semaphore, #tpu.memory_space<semaphore_mem>>)
      %dma_start3A_380 = arith.constant 5 : i32
      %dma_start3A_381 = arith.constant 5 : i32
      %dma_start3A_382 = arith.constant 0 : i32
      %dma_start3A_383 = tpu.memref_slice %arg9[%dma_start3A_381, %dma_start3A_382] : memref<16x128xi32, #tpu.memory_space<vmem>> -> memref<1x128xi32, #tpu.memory_space<vmem>>
      %dma_start3A_384 = tpu.memref_squeeze %dma_start3A_383 : memref<1x128xi32, #tpu.memory_space<vmem>> -> memref<128xi32, #tpu.memory_space<vmem>>
      %dma_start3A_385 = arith.constant 0 : i32
      %dma_start3A_386 = tpu.memref_slice %arg7[%dma_start3A_380, %dma_start3A_385] : memref<16x128xi32, #tpu.memory_space<vmem>> -> memref<1x128xi32, #tpu.memory_space<vmem>>
      %dma_start3A_387 = tpu.memref_squeeze %dma_start3A_386 : memref<1x128xi32, #tpu.memory_space<vmem>> -> memref<128xi32, #tpu.memory_space<vmem>>
      %dma_start3A_388 = arith.constant 0 : i32
      %dma_start3A_389 = tpu.memref_slice %arg3[%dma_start3A_388] : memref<3276800xi32, #tpu.memory_space<hbm>> -> memref<3276800xi32, #tpu.memory_space<hbm>>
      tpu.enqueue_indirect_dma source(%dma_start3A_389 : memref<3276800xi32, #tpu.memory_space<hbm>>) target(%dma_start3A_384 : memref<128xi32, #tpu.memory_space<vmem>>) offsets(%dma_start3A_387 : memref<128xi32, #tpu.memory_space<vmem>>) semaphore(%arg10 : memref<!tpu.dma_semaphore, #tpu.memory_space<semaphore_mem>>)
      %dma_start3A_390 = arith.constant 6 : i32
      %dma_start3A_391 = arith.constant 6 : i32
      %dma_start3A_392 = arith.constant 0 : i32
      %dma_start3A_393 = tpu.memref_slice %arg9[%dma_start3A_391, %dma_start3A_392] : memref<16x128xi32, #tpu.memory_space<vmem>> -> memref<1x128xi32, #tpu.memory_space<vmem>>
      %dma_start3A_394 = tpu.memref_squeeze %dma_start3A_393 : memref<1x128xi32, #tpu.memory_space<vmem>> -> memref<128xi32, #tpu.memory_space<vmem>>
      %dma_start3A_395 = arith.constant 0 : i32
      %dma_start3A_396 = tpu.memref_slice %arg7[%dma_start3A_390, %dma_start3A_395] : memref<16x128xi32, #tpu.memory_space<vmem>> -> memref<1x128xi32, #tpu.memory_space<vmem>>
      %dma_start3A_397 = tpu.memref_squeeze %dma_start3A_396 : memref<1x128xi32, #tpu.memory_space<vmem>> -> memref<128xi32, #tpu.memory_space<vmem>>
      %dma_start3A_398 = arith.constant 0 : i32
      %dma_start3A_399 = tpu.memref_slice %arg3[%dma_start3A_398] : memref<3276800xi32, #tpu.memory_space<hbm>> -> memref<3276800xi32, #tpu.memory_space<hbm>>
      tpu.enqueue_indirect_dma source(%dma_start3A_399 : memref<3276800xi32, #tpu.memory_space<hbm>>) target(%dma_start3A_394 : memref<128xi32, #tpu.memory_space<vmem>>) offsets(%dma_start3A_397 : memref<128xi32, #tpu.memory_space<vmem>>) semaphore(%arg10 : memref<!tpu.dma_semaphore, #tpu.memory_space<semaphore_mem>>)
      %dma_start3A_400 = arith.constant 7 : i32
      %dma_start3A_401 = arith.constant 7 : i32
      %dma_start3A_402 = arith.constant 0 : i32
      %dma_start3A_403 = tpu.memref_slice %arg9[%dma_start3A_401, %dma_start3A_402] : memref<16x128xi32, #tpu.memory_space<vmem>> -> memref<1x128xi32, #tpu.memory_space<vmem>>
      %dma_start3A_404 = tpu.memref_squeeze %dma_start3A_403 : memref<1x128xi32, #tpu.memory_space<vmem>> -> memref<128xi32, #tpu.memory_space<vmem>>
      %dma_start3A_405 = arith.constant 0 : i32
      %dma_start3A_406 = tpu.memref_slice %arg7[%dma_start3A_400, %dma_start3A_405] : memref<16x128xi32, #tpu.memory_space<vmem>> -> memref<1x128xi32, #tpu.memory_space<vmem>>
      %dma_start3A_407 = tpu.memref_squeeze %dma_start3A_406 : memref<1x128xi32, #tpu.memory_space<vmem>> -> memref<128xi32, #tpu.memory_space<vmem>>
      %dma_start3A_408 = arith.constant 0 : i32
      %dma_start3A_409 = tpu.memref_slice %arg3[%dma_start3A_408] : memref<3276800xi32, #tpu.memory_space<hbm>> -> memref<3276800xi32, #tpu.memory_space<hbm>>
      tpu.enqueue_indirect_dma source(%dma_start3A_409 : memref<3276800xi32, #tpu.memory_space<hbm>>) target(%dma_start3A_404 : memref<128xi32, #tpu.memory_space<vmem>>) offsets(%dma_start3A_407 : memref<128xi32, #tpu.memory_space<vmem>>) semaphore(%arg10 : memref<!tpu.dma_semaphore, #tpu.memory_space<semaphore_mem>>)
      %dma_start3A_410 = arith.constant 8 : i32
      %dma_start3A_411 = arith.constant 8 : i32
      %dma_start3A_412 = arith.constant 0 : i32
      %dma_start3A_413 = tpu.memref_slice %arg9[%dma_start3A_411, %dma_start3A_412] : memref<16x128xi32, #tpu.memory_space<vmem>> -> memref<1x128xi32, #tpu.memory_space<vmem>>
      %dma_start3A_414 = tpu.memref_squeeze %dma_start3A_413 : memref<1x128xi32, #tpu.memory_space<vmem>> -> memref<128xi32, #tpu.memory_space<vmem>>
      %dma_start3A_415 = arith.constant 0 : i32
      %dma_start3A_416 = tpu.memref_slice %arg7[%dma_start3A_410, %dma_start3A_415] : memref<16x128xi32, #tpu.memory_space<vmem>> -> memref<1x128xi32, #tpu.memory_space<vmem>>
      %dma_start3A_417 = tpu.memref_squeeze %dma_start3A_416 : memref<1x128xi32, #tpu.memory_space<vmem>> -> memref<128xi32, #tpu.memory_space<vmem>>
      %dma_start3A_418 = arith.constant 0 : i32
      %dma_start3A_419 = tpu.memref_slice %arg3[%dma_start3A_418] : memref<3276800xi32, #tpu.memory_space<hbm>> -> memref<3276800xi32, #tpu.memory_space<hbm>>
      tpu.enqueue_indirect_dma source(%dma_start3A_419 : memref<3276800xi32, #tpu.memory_space<hbm>>) target(%dma_start3A_414 : memref<128xi32, #tpu.memory_space<vmem>>) offsets(%dma_start3A_417 : memref<128xi32, #tpu.memory_space<vmem>>) semaphore(%arg10 : memref<!tpu.dma_semaphore, #tpu.memory_space<semaphore_mem>>)
      %dma_start3A_420 = arith.constant 9 : i32
      %dma_start3A_421 = arith.constant 9 : i32
      %dma_start3A_422 = arith.constant 0 : i32
      %dma_start3A_423 = tpu.memref_slice %arg9[%dma_start3A_421, %dma_start3A_422] : memref<16x128xi32, #tpu.memory_space<vmem>> -> memref<1x128xi32, #tpu.memory_space<vmem>>
      %dma_start3A_424 = tpu.memref_squeeze %dma_start3A_423 : memref<1x128xi32, #tpu.memory_space<vmem>> -> memref<128xi32, #tpu.memory_space<vmem>>
      %dma_start3A_425 = arith.constant 0 : i32
      %dma_start3A_426 = tpu.memref_slice %arg7[%dma_start3A_420, %dma_start3A_425] : memref<16x128xi32, #tpu.memory_space<vmem>> -> memref<1x128xi32, #tpu.memory_space<vmem>>
      %dma_start3A_427 = tpu.memref_squeeze %dma_start3A_426 : memref<1x128xi32, #tpu.memory_space<vmem>> -> memref<128xi32, #tpu.memory_space<vmem>>
      %dma_start3A_428 = arith.constant 0 : i32
      %dma_start3A_429 = tpu.memref_slice %arg3[%dma_start3A_428] : memref<3276800xi32, #tpu.memory_space<hbm>> -> memref<3276800xi32, #tpu.memory_space<hbm>>
      tpu.enqueue_indirect_dma source(%dma_start3A_429 : memref<3276800xi32, #tpu.memory_space<hbm>>) target(%dma_start3A_424 : memref<128xi32, #tpu.memory_space<vmem>>) offsets(%dma_start3A_427 : memref<128xi32, #tpu.memory_space<vmem>>) semaphore(%arg10 : memref<!tpu.dma_semaphore, #tpu.memory_space<semaphore_mem>>)
      %dma_start3A_430 = arith.constant 10 : i32
      %dma_start3A_431 = arith.constant 10 : i32
      %dma_start3A_432 = arith.constant 0 : i32
      %dma_start3A_433 = tpu.memref_slice %arg9[%dma_start3A_431, %dma_start3A_432] : memref<16x128xi32, #tpu.memory_space<vmem>> -> memref<1x128xi32, #tpu.memory_space<vmem>>
      %dma_start3A_434 = tpu.memref_squeeze %dma_start3A_433 : memref<1x128xi32, #tpu.memory_space<vmem>> -> memref<128xi32, #tpu.memory_space<vmem>>
      %dma_start3A_435 = arith.constant 0 : i32
      %dma_start3A_436 = tpu.memref_slice %arg7[%dma_start3A_430, %dma_start3A_435] : memref<16x128xi32, #tpu.memory_space<vmem>> -> memref<1x128xi32, #tpu.memory_space<vmem>>
      %dma_start3A_437 = tpu.memref_squeeze %dma_start3A_436 : memref<1x128xi32, #tpu.memory_space<vmem>> -> memref<128xi32, #tpu.memory_space<vmem>>
      %dma_start3A_438 = arith.constant 0 : i32
      %dma_start3A_439 = tpu.memref_slice %arg3[%dma_start3A_438] : memref<3276800xi32, #tpu.memory_space<hbm>> -> memref<3276800xi32, #tpu.memory_space<hbm>>
      tpu.enqueue_indirect_dma source(%dma_start3A_439 : memref<3276800xi32, #tpu.memory_space<hbm>>) target(%dma_start3A_434 : memref<128xi32, #tpu.memory_space<vmem>>) offsets(%dma_start3A_437 : memref<128xi32, #tpu.memory_space<vmem>>) semaphore(%arg10 : memref<!tpu.dma_semaphore, #tpu.memory_space<semaphore_mem>>)
      %dma_start3A_440 = arith.constant 11 : i32
      %dma_start3A_441 = arith.constant 11 : i32
      %dma_start3A_442 = arith.constant 0 : i32
      %dma_start3A_443 = tpu.memref_slice %arg9[%dma_start3A_441, %dma_start3A_442] : memref<16x128xi32, #tpu.memory_space<vmem>> -> memref<1x128xi32, #tpu.memory_space<vmem>>
      %dma_start3A_444 = tpu.memref_squeeze %dma_start3A_443 : memref<1x128xi32, #tpu.memory_space<vmem>> -> memref<128xi32, #tpu.memory_space<vmem>>
      %dma_start3A_445 = arith.constant 0 : i32
      %dma_start3A_446 = tpu.memref_slice %arg7[%dma_start3A_440, %dma_start3A_445] : memref<16x128xi32, #tpu.memory_space<vmem>> -> memref<1x128xi32, #tpu.memory_space<vmem>>
      %dma_start3A_447 = tpu.memref_squeeze %dma_start3A_446 : memref<1x128xi32, #tpu.memory_space<vmem>> -> memref<128xi32, #tpu.memory_space<vmem>>
      %dma_start3A_448 = arith.constant 0 : i32
      %dma_start3A_449 = tpu.memref_slice %arg3[%dma_start3A_448] : memref<3276800xi32, #tpu.memory_space<hbm>> -> memref<3276800xi32, #tpu.memory_space<hbm>>
      tpu.enqueue_indirect_dma source(%dma_start3A_449 : memref<3276800xi32, #tpu.memory_space<hbm>>) target(%dma_start3A_444 : memref<128xi32, #tpu.memory_space<vmem>>) offsets(%dma_start3A_447 : memref<128xi32, #tpu.memory_space<vmem>>) semaphore(%arg10 : memref<!tpu.dma_semaphore, #tpu.memory_space<semaphore_mem>>)
      %dma_start3A_450 = arith.constant 12 : i32
      %dma_start3A_451 = arith.constant 12 : i32
      %dma_start3A_452 = arith.constant 0 : i32
      %dma_start3A_453 = tpu.memref_slice %arg9[%dma_start3A_451, %dma_start3A_452] : memref<16x128xi32, #tpu.memory_space<vmem>> -> memref<1x128xi32, #tpu.memory_space<vmem>>
      %dma_start3A_454 = tpu.memref_squeeze %dma_start3A_453 : memref<1x128xi32, #tpu.memory_space<vmem>> -> memref<128xi32, #tpu.memory_space<vmem>>
      %dma_start3A_455 = arith.constant 0 : i32
      %dma_start3A_456 = tpu.memref_slice %arg7[%dma_start3A_450, %dma_start3A_455] : memref<16x128xi32, #tpu.memory_space<vmem>> -> memref<1x128xi32, #tpu.memory_space<vmem>>
      %dma_start3A_457 = tpu.memref_squeeze %dma_start3A_456 : memref<1x128xi32, #tpu.memory_space<vmem>> -> memref<128xi32, #tpu.memory_space<vmem>>
      %dma_start3A_458 = arith.constant 0 : i32
      %dma_start3A_459 = tpu.memref_slice %arg3[%dma_start3A_458] : memref<3276800xi32, #tpu.memory_space<hbm>> -> memref<3276800xi32, #tpu.memory_space<hbm>>
      tpu.enqueue_indirect_dma source(%dma_start3A_459 : memref<3276800xi32, #tpu.memory_space<hbm>>) target(%dma_start3A_454 : memref<128xi32, #tpu.memory_space<vmem>>) offsets(%dma_start3A_457 : memref<128xi32, #tpu.memory_space<vmem>>) semaphore(%arg10 : memref<!tpu.dma_semaphore, #tpu.memory_space<semaphore_mem>>)
      %dma_start3A_460 = arith.constant 13 : i32
      %dma_start3A_461 = arith.constant 13 : i32
      %dma_start3A_462 = arith.constant 0 : i32
      %dma_start3A_463 = tpu.memref_slice %arg9[%dma_start3A_461, %dma_start3A_462] : memref<16x128xi32, #tpu.memory_space<vmem>> -> memref<1x128xi32, #tpu.memory_space<vmem>>
      %dma_start3A_464 = tpu.memref_squeeze %dma_start3A_463 : memref<1x128xi32, #tpu.memory_space<vmem>> -> memref<128xi32, #tpu.memory_space<vmem>>
      %dma_start3A_465 = arith.constant 0 : i32
      %dma_start3A_466 = tpu.memref_slice %arg7[%dma_start3A_460, %dma_start3A_465] : memref<16x128xi32, #tpu.memory_space<vmem>> -> memref<1x128xi32, #tpu.memory_space<vmem>>
      %dma_start3A_467 = tpu.memref_squeeze %dma_start3A_466 : memref<1x128xi32, #tpu.memory_space<vmem>> -> memref<128xi32, #tpu.memory_space<vmem>>
      %dma_start3A_468 = arith.constant 0 : i32
      %dma_start3A_469 = tpu.memref_slice %arg3[%dma_start3A_468] : memref<3276800xi32, #tpu.memory_space<hbm>> -> memref<3276800xi32, #tpu.memory_space<hbm>>
      tpu.enqueue_indirect_dma source(%dma_start3A_469 : memref<3276800xi32, #tpu.memory_space<hbm>>) target(%dma_start3A_464 : memref<128xi32, #tpu.memory_space<vmem>>) offsets(%dma_start3A_467 : memref<128xi32, #tpu.memory_space<vmem>>) semaphore(%arg10 : memref<!tpu.dma_semaphore, #tpu.memory_space<semaphore_mem>>)
      %dma_start3A_470 = arith.constant 14 : i32
      %dma_start3A_471 = arith.constant 14 : i32
      %dma_start3A_472 = arith.constant 0 : i32
      %dma_start3A_473 = tpu.memref_slice %arg9[%dma_start3A_471, %dma_start3A_472] : memref<16x128xi32, #tpu.memory_space<vmem>> -> memref<1x128xi32, #tpu.memory_space<vmem>>
      %dma_start3A_474 = tpu.memref_squeeze %dma_start3A_473 : memref<1x128xi32, #tpu.memory_space<vmem>> -> memref<128xi32, #tpu.memory_space<vmem>>
      %dma_start3A_475 = arith.constant 0 : i32
      %dma_start3A_476 = tpu.memref_slice %arg7[%dma_start3A_470, %dma_start3A_475] : memref<16x128xi32, #tpu.memory_space<vmem>> -> memref<1x128xi32, #tpu.memory_space<vmem>>
      %dma_start3A_477 = tpu.memref_squeeze %dma_start3A_476 : memref<1x128xi32, #tpu.memory_space<vmem>> -> memref<128xi32, #tpu.memory_space<vmem>>
      %dma_start3A_478 = arith.constant 0 : i32
      %dma_start3A_479 = tpu.memref_slice %arg3[%dma_start3A_478] : memref<3276800xi32, #tpu.memory_space<hbm>> -> memref<3276800xi32, #tpu.memory_space<hbm>>
      tpu.enqueue_indirect_dma source(%dma_start3A_479 : memref<3276800xi32, #tpu.memory_space<hbm>>) target(%dma_start3A_474 : memref<128xi32, #tpu.memory_space<vmem>>) offsets(%dma_start3A_477 : memref<128xi32, #tpu.memory_space<vmem>>) semaphore(%arg10 : memref<!tpu.dma_semaphore, #tpu.memory_space<semaphore_mem>>)
      %dma_start3A_480 = arith.constant 15 : i32
      %dma_start3A_481 = arith.constant 15 : i32
      %dma_start3A_482 = arith.constant 0 : i32
      %dma_start3A_483 = tpu.memref_slice %arg9[%dma_start3A_481, %dma_start3A_482] : memref<16x128xi32, #tpu.memory_space<vmem>> -> memref<1x128xi32, #tpu.memory_space<vmem>>
      %dma_start3A_484 = tpu.memref_squeeze %dma_start3A_483 : memref<1x128xi32, #tpu.memory_space<vmem>> -> memref<128xi32, #tpu.memory_space<vmem>>
      %dma_start3A_485 = arith.constant 0 : i32
      %dma_start3A_486 = tpu.memref_slice %arg7[%dma_start3A_480, %dma_start3A_485] : memref<16x128xi32, #tpu.memory_space<vmem>> -> memref<1x128xi32, #tpu.memory_space<vmem>>
      %dma_start3A_487 = tpu.memref_squeeze %dma_start3A_486 : memref<1x128xi32, #tpu.memory_space<vmem>> -> memref<128xi32, #tpu.memory_space<vmem>>
      %dma_start3A_488 = arith.constant 0 : i32
      %dma_start3A_489 = tpu.memref_slice %arg3[%dma_start3A_488] : memref<3276800xi32, #tpu.memory_space<hbm>> -> memref<3276800xi32, #tpu.memory_space<hbm>>
      tpu.enqueue_indirect_dma source(%dma_start3A_489 : memref<3276800xi32, #tpu.memory_space<hbm>>) target(%dma_start3A_484 : memref<128xi32, #tpu.memory_space<vmem>>) offsets(%dma_start3A_487 : memref<128xi32, #tpu.memory_space<vmem>>) semaphore(%arg10 : memref<!tpu.dma_semaphore, #tpu.memory_space<semaphore_mem>>)
      %dma_wait3A_490 = arith.constant 0 : i32
      %dma_wait3A_491 = arith.constant 0 : i32
      %dma_wait3A_492 = arith.constant 0 : i32
      %dma_wait3A_493 = tpu.memref_slice %arg9[%dma_wait3A_491, %dma_wait3A_492] : memref<16x128xi32, #tpu.memory_space<vmem>> -> memref<1x128xi32, #tpu.memory_space<vmem>>
      %dma_wait3A_494 = tpu.memref_squeeze %dma_wait3A_493 : memref<1x128xi32, #tpu.memory_space<vmem>> -> memref<128xi32, #tpu.memory_space<vmem>>
      %dma_wait3A_495 = arith.constant 0 : i32
      %dma_wait3A_496 = tpu.memref_slice %arg7[%dma_wait3A_490, %dma_wait3A_495] : memref<16x128xi32, #tpu.memory_space<vmem>> -> memref<1x128xi32, #tpu.memory_space<vmem>>
      %dma_wait3A_497 = tpu.memref_squeeze %dma_wait3A_496 : memref<1x128xi32, #tpu.memory_space<vmem>> -> memref<128xi32, #tpu.memory_space<vmem>>
      %dma_wait3A_498 = arith.constant 0 : i32
      %dma_wait3A_499 = tpu.memref_slice %arg3[%dma_wait3A_498] : memref<3276800xi32, #tpu.memory_space<hbm>> -> memref<3276800xi32, #tpu.memory_space<hbm>>
      tpu.wait_indirect_dma semaphore(%arg10 : memref<!tpu.dma_semaphore, #tpu.memory_space<semaphore_mem>>) src(%dma_wait3A_499 : memref<3276800xi32, #tpu.memory_space<hbm>>) dst(%dma_wait3A_494 : memref<128xi32, #tpu.memory_space<vmem>>)
      %dma_wait3A_500 = arith.constant 1 : i32
      %dma_wait3A_501 = arith.constant 1 : i32
      %dma_wait3A_502 = arith.constant 0 : i32
      %dma_wait3A_503 = tpu.memref_slice %arg9[%dma_wait3A_501, %dma_wait3A_502] : memref<16x128xi32, #tpu.memory_space<vmem>> -> memref<1x128xi32, #tpu.memory_space<vmem>>
      %dma_wait3A_504 = tpu.memref_squeeze %dma_wait3A_503 : memref<1x128xi32, #tpu.memory_space<vmem>> -> memref<128xi32, #tpu.memory_space<vmem>>
      %dma_wait3A_505 = arith.constant 0 : i32
      %dma_wait3A_506 = tpu.memref_slice %arg7[%dma_wait3A_500, %dma_wait3A_505] : memref<16x128xi32, #tpu.memory_space<vmem>> -> memref<1x128xi32, #tpu.memory_space<vmem>>
      %dma_wait3A_507 = tpu.memref_squeeze %dma_wait3A_506 : memref<1x128xi32, #tpu.memory_space<vmem>> -> memref<128xi32, #tpu.memory_space<vmem>>
      %dma_wait3A_508 = arith.constant 0 : i32
      %dma_wait3A_509 = tpu.memref_slice %arg3[%dma_wait3A_508] : memref<3276800xi32, #tpu.memory_space<hbm>> -> memref<3276800xi32, #tpu.memory_space<hbm>>
      tpu.wait_indirect_dma semaphore(%arg10 : memref<!tpu.dma_semaphore, #tpu.memory_space<semaphore_mem>>) src(%dma_wait3A_509 : memref<3276800xi32, #tpu.memory_space<hbm>>) dst(%dma_wait3A_504 : memref<128xi32, #tpu.memory_space<vmem>>)
      %dma_wait3A_510 = arith.constant 2 : i32
      %dma_wait3A_511 = arith.constant 2 : i32
      %dma_wait3A_512 = arith.constant 0 : i32
      %dma_wait3A_513 = tpu.memref_slice %arg9[%dma_wait3A_511, %dma_wait3A_512] : memref<16x128xi32, #tpu.memory_space<vmem>> -> memref<1x128xi32, #tpu.memory_space<vmem>>
      %dma_wait3A_514 = tpu.memref_squeeze %dma_wait3A_513 : memref<1x128xi32, #tpu.memory_space<vmem>> -> memref<128xi32, #tpu.memory_space<vmem>>
      %dma_wait3A_515 = arith.constant 0 : i32
      %dma_wait3A_516 = tpu.memref_slice %arg7[%dma_wait3A_510, %dma_wait3A_515] : memref<16x128xi32, #tpu.memory_space<vmem>> -> memref<1x128xi32, #tpu.memory_space<vmem>>
      %dma_wait3A_517 = tpu.memref_squeeze %dma_wait3A_516 : memref<1x128xi32, #tpu.memory_space<vmem>> -> memref<128xi32, #tpu.memory_space<vmem>>
      %dma_wait3A_518 = arith.constant 0 : i32
      %dma_wait3A_519 = tpu.memref_slice %arg3[%dma_wait3A_518] : memref<3276800xi32, #tpu.memory_space<hbm>> -> memref<3276800xi32, #tpu.memory_space<hbm>>
      tpu.wait_indirect_dma semaphore(%arg10 : memref<!tpu.dma_semaphore, #tpu.memory_space<semaphore_mem>>) src(%dma_wait3A_519 : memref<3276800xi32, #tpu.memory_space<hbm>>) dst(%dma_wait3A_514 : memref<128xi32, #tpu.memory_space<vmem>>)
      %dma_wait3A_520 = arith.constant 3 : i32
      %dma_wait3A_521 = arith.constant 3 : i32
      %dma_wait3A_522 = arith.constant 0 : i32
      %dma_wait3A_523 = tpu.memref_slice %arg9[%dma_wait3A_521, %dma_wait3A_522] : memref<16x128xi32, #tpu.memory_space<vmem>> -> memref<1x128xi32, #tpu.memory_space<vmem>>
      %dma_wait3A_524 = tpu.memref_squeeze %dma_wait3A_523 : memref<1x128xi32, #tpu.memory_space<vmem>> -> memref<128xi32, #tpu.memory_space<vmem>>
      %dma_wait3A_525 = arith.constant 0 : i32
      %dma_wait3A_526 = tpu.memref_slice %arg7[%dma_wait3A_520, %dma_wait3A_525] : memref<16x128xi32, #tpu.memory_space<vmem>> -> memref<1x128xi32, #tpu.memory_space<vmem>>
      %dma_wait3A_527 = tpu.memref_squeeze %dma_wait3A_526 : memref<1x128xi32, #tpu.memory_space<vmem>> -> memref<128xi32, #tpu.memory_space<vmem>>
      %dma_wait3A_528 = arith.constant 0 : i32
      %dma_wait3A_529 = tpu.memref_slice %arg3[%dma_wait3A_528] : memref<3276800xi32, #tpu.memory_space<hbm>> -> memref<3276800xi32, #tpu.memory_space<hbm>>
      tpu.wait_indirect_dma semaphore(%arg10 : memref<!tpu.dma_semaphore, #tpu.memory_space<semaphore_mem>>) src(%dma_wait3A_529 : memref<3276800xi32, #tpu.memory_space<hbm>>) dst(%dma_wait3A_524 : memref<128xi32, #tpu.memory_space<vmem>>)
      %dma_wait3A_530 = arith.constant 4 : i32
      %dma_wait3A_531 = arith.constant 4 : i32
      %dma_wait3A_532 = arith.constant 0 : i32
      %dma_wait3A_533 = tpu.memref_slice %arg9[%dma_wait3A_531, %dma_wait3A_532] : memref<16x128xi32, #tpu.memory_space<vmem>> -> memref<1x128xi32, #tpu.memory_space<vmem>>
      %dma_wait3A_534 = tpu.memref_squeeze %dma_wait3A_533 : memref<1x128xi32, #tpu.memory_space<vmem>> -> memref<128xi32, #tpu.memory_space<vmem>>
      %dma_wait3A_535 = arith.constant 0 : i32
      %dma_wait3A_536 = tpu.memref_slice %arg7[%dma_wait3A_530, %dma_wait3A_535] : memref<16x128xi32, #tpu.memory_space<vmem>> -> memref<1x128xi32, #tpu.memory_space<vmem>>
      %dma_wait3A_537 = tpu.memref_squeeze %dma_wait3A_536 : memref<1x128xi32, #tpu.memory_space<vmem>> -> memref<128xi32, #tpu.memory_space<vmem>>
      %dma_wait3A_538 = arith.constant 0 : i32
      %dma_wait3A_539 = tpu.memref_slice %arg3[%dma_wait3A_538] : memref<3276800xi32, #tpu.memory_space<hbm>> -> memref<3276800xi32, #tpu.memory_space<hbm>>
      tpu.wait_indirect_dma semaphore(%arg10 : memref<!tpu.dma_semaphore, #tpu.memory_space<semaphore_mem>>) src(%dma_wait3A_539 : memref<3276800xi32, #tpu.memory_space<hbm>>) dst(%dma_wait3A_534 : memref<128xi32, #tpu.memory_space<vmem>>)
      %dma_wait3A_540 = arith.constant 5 : i32
      %dma_wait3A_541 = arith.constant 5 : i32
      %dma_wait3A_542 = arith.constant 0 : i32
      %dma_wait3A_543 = tpu.memref_slice %arg9[%dma_wait3A_541, %dma_wait3A_542] : memref<16x128xi32, #tpu.memory_space<vmem>> -> memref<1x128xi32, #tpu.memory_space<vmem>>
      %dma_wait3A_544 = tpu.memref_squeeze %dma_wait3A_543 : memref<1x128xi32, #tpu.memory_space<vmem>> -> memref<128xi32, #tpu.memory_space<vmem>>
      %dma_wait3A_545 = arith.constant 0 : i32
      %dma_wait3A_546 = tpu.memref_slice %arg7[%dma_wait3A_540, %dma_wait3A_545] : memref<16x128xi32, #tpu.memory_space<vmem>> -> memref<1x128xi32, #tpu.memory_space<vmem>>
      %dma_wait3A_547 = tpu.memref_squeeze %dma_wait3A_546 : memref<1x128xi32, #tpu.memory_space<vmem>> -> memref<128xi32, #tpu.memory_space<vmem>>
      %dma_wait3A_548 = arith.constant 0 : i32
      %dma_wait3A_549 = tpu.memref_slice %arg3[%dma_wait3A_548] : memref<3276800xi32, #tpu.memory_space<hbm>> -> memref<3276800xi32, #tpu.memory_space<hbm>>
      tpu.wait_indirect_dma semaphore(%arg10 : memref<!tpu.dma_semaphore, #tpu.memory_space<semaphore_mem>>) src(%dma_wait3A_549 : memref<3276800xi32, #tpu.memory_space<hbm>>) dst(%dma_wait3A_544 : memref<128xi32, #tpu.memory_space<vmem>>)
      %dma_wait3A_550 = arith.constant 6 : i32
      %dma_wait3A_551 = arith.constant 6 : i32
      %dma_wait3A_552 = arith.constant 0 : i32
      %dma_wait3A_553 = tpu.memref_slice %arg9[%dma_wait3A_551, %dma_wait3A_552] : memref<16x128xi32, #tpu.memory_space<vmem>> -> memref<1x128xi32, #tpu.memory_space<vmem>>
      %dma_wait3A_554 = tpu.memref_squeeze %dma_wait3A_553 : memref<1x128xi32, #tpu.memory_space<vmem>> -> memref<128xi32, #tpu.memory_space<vmem>>
      %dma_wait3A_555 = arith.constant 0 : i32
      %dma_wait3A_556 = tpu.memref_slice %arg7[%dma_wait3A_550, %dma_wait3A_555] : memref<16x128xi32, #tpu.memory_space<vmem>> -> memref<1x128xi32, #tpu.memory_space<vmem>>
      %dma_wait3A_557 = tpu.memref_squeeze %dma_wait3A_556 : memref<1x128xi32, #tpu.memory_space<vmem>> -> memref<128xi32, #tpu.memory_space<vmem>>
      %dma_wait3A_558 = arith.constant 0 : i32
      %dma_wait3A_559 = tpu.memref_slice %arg3[%dma_wait3A_558] : memref<3276800xi32, #tpu.memory_space<hbm>> -> memref<3276800xi32, #tpu.memory_space<hbm>>
      tpu.wait_indirect_dma semaphore(%arg10 : memref<!tpu.dma_semaphore, #tpu.memory_space<semaphore_mem>>) src(%dma_wait3A_559 : memref<3276800xi32, #tpu.memory_space<hbm>>) dst(%dma_wait3A_554 : memref<128xi32, #tpu.memory_space<vmem>>)
      %dma_wait3A_560 = arith.constant 7 : i32
      %dma_wait3A_561 = arith.constant 7 : i32
      %dma_wait3A_562 = arith.constant 0 : i32
      %dma_wait3A_563 = tpu.memref_slice %arg9[%dma_wait3A_561, %dma_wait3A_562] : memref<16x128xi32, #tpu.memory_space<vmem>> -> memref<1x128xi32, #tpu.memory_space<vmem>>
      %dma_wait3A_564 = tpu.memref_squeeze %dma_wait3A_563 : memref<1x128xi32, #tpu.memory_space<vmem>> -> memref<128xi32, #tpu.memory_space<vmem>>
      %dma_wait3A_565 = arith.constant 0 : i32
      %dma_wait3A_566 = tpu.memref_slice %arg7[%dma_wait3A_560, %dma_wait3A_565] : memref<16x128xi32, #tpu.memory_space<vmem>> -> memref<1x128xi32, #tpu.memory_space<vmem>>
      %dma_wait3A_567 = tpu.memref_squeeze %dma_wait3A_566 : memref<1x128xi32, #tpu.memory_space<vmem>> -> memref<128xi32, #tpu.memory_space<vmem>>
      %dma_wait3A_568 = arith.constant 0 : i32
      %dma_wait3A_569 = tpu.memref_slice %arg3[%dma_wait3A_568] : memref<3276800xi32, #tpu.memory_space<hbm>> -> memref<3276800xi32, #tpu.memory_space<hbm>>
      tpu.wait_indirect_dma semaphore(%arg10 : memref<!tpu.dma_semaphore, #tpu.memory_space<semaphore_mem>>) src(%dma_wait3A_569 : memref<3276800xi32, #tpu.memory_space<hbm>>) dst(%dma_wait3A_564 : memref<128xi32, #tpu.memory_space<vmem>>)
      %dma_wait3A_570 = arith.constant 8 : i32
      %dma_wait3A_571 = arith.constant 8 : i32
      %dma_wait3A_572 = arith.constant 0 : i32
      %dma_wait3A_573 = tpu.memref_slice %arg9[%dma_wait3A_571, %dma_wait3A_572] : memref<16x128xi32, #tpu.memory_space<vmem>> -> memref<1x128xi32, #tpu.memory_space<vmem>>
      %dma_wait3A_574 = tpu.memref_squeeze %dma_wait3A_573 : memref<1x128xi32, #tpu.memory_space<vmem>> -> memref<128xi32, #tpu.memory_space<vmem>>
      %dma_wait3A_575 = arith.constant 0 : i32
      %dma_wait3A_576 = tpu.memref_slice %arg7[%dma_wait3A_570, %dma_wait3A_575] : memref<16x128xi32, #tpu.memory_space<vmem>> -> memref<1x128xi32, #tpu.memory_space<vmem>>
      %dma_wait3A_577 = tpu.memref_squeeze %dma_wait3A_576 : memref<1x128xi32, #tpu.memory_space<vmem>> -> memref<128xi32, #tpu.memory_space<vmem>>
      %dma_wait3A_578 = arith.constant 0 : i32
      %dma_wait3A_579 = tpu.memref_slice %arg3[%dma_wait3A_578] : memref<3276800xi32, #tpu.memory_space<hbm>> -> memref<3276800xi32, #tpu.memory_space<hbm>>
      tpu.wait_indirect_dma semaphore(%arg10 : memref<!tpu.dma_semaphore, #tpu.memory_space<semaphore_mem>>) src(%dma_wait3A_579 : memref<3276800xi32, #tpu.memory_space<hbm>>) dst(%dma_wait3A_574 : memref<128xi32, #tpu.memory_space<vmem>>)
      %dma_wait3A_580 = arith.constant 9 : i32
      %dma_wait3A_581 = arith.constant 9 : i32
      %dma_wait3A_582 = arith.constant 0 : i32
      %dma_wait3A_583 = tpu.memref_slice %arg9[%dma_wait3A_581, %dma_wait3A_582] : memref<16x128xi32, #tpu.memory_space<vmem>> -> memref<1x128xi32, #tpu.memory_space<vmem>>
      %dma_wait3A_584 = tpu.memref_squeeze %dma_wait3A_583 : memref<1x128xi32, #tpu.memory_space<vmem>> -> memref<128xi32, #tpu.memory_space<vmem>>
      %dma_wait3A_585 = arith.constant 0 : i32
      %dma_wait3A_586 = tpu.memref_slice %arg7[%dma_wait3A_580, %dma_wait3A_585] : memref<16x128xi32, #tpu.memory_space<vmem>> -> memref<1x128xi32, #tpu.memory_space<vmem>>
      %dma_wait3A_587 = tpu.memref_squeeze %dma_wait3A_586 : memref<1x128xi32, #tpu.memory_space<vmem>> -> memref<128xi32, #tpu.memory_space<vmem>>
      %dma_wait3A_588 = arith.constant 0 : i32
      %dma_wait3A_589 = tpu.memref_slice %arg3[%dma_wait3A_588] : memref<3276800xi32, #tpu.memory_space<hbm>> -> memref<3276800xi32, #tpu.memory_space<hbm>>
      tpu.wait_indirect_dma semaphore(%arg10 : memref<!tpu.dma_semaphore, #tpu.memory_space<semaphore_mem>>) src(%dma_wait3A_589 : memref<3276800xi32, #tpu.memory_space<hbm>>) dst(%dma_wait3A_584 : memref<128xi32, #tpu.memory_space<vmem>>)
      %dma_wait3A_590 = arith.constant 10 : i32
      %dma_wait3A_591 = arith.constant 10 : i32
      %dma_wait3A_592 = arith.constant 0 : i32
      %dma_wait3A_593 = tpu.memref_slice %arg9[%dma_wait3A_591, %dma_wait3A_592] : memref<16x128xi32, #tpu.memory_space<vmem>> -> memref<1x128xi32, #tpu.memory_space<vmem>>
      %dma_wait3A_594 = tpu.memref_squeeze %dma_wait3A_593 : memref<1x128xi32, #tpu.memory_space<vmem>> -> memref<128xi32, #tpu.memory_space<vmem>>
      %dma_wait3A_595 = arith.constant 0 : i32
      %dma_wait3A_596 = tpu.memref_slice %arg7[%dma_wait3A_590, %dma_wait3A_595] : memref<16x128xi32, #tpu.memory_space<vmem>> -> memref<1x128xi32, #tpu.memory_space<vmem>>
      %dma_wait3A_597 = tpu.memref_squeeze %dma_wait3A_596 : memref<1x128xi32, #tpu.memory_space<vmem>> -> memref<128xi32, #tpu.memory_space<vmem>>
      %dma_wait3A_598 = arith.constant 0 : i32
      %dma_wait3A_599 = tpu.memref_slice %arg3[%dma_wait3A_598] : memref<3276800xi32, #tpu.memory_space<hbm>> -> memref<3276800xi32, #tpu.memory_space<hbm>>
      tpu.wait_indirect_dma semaphore(%arg10 : memref<!tpu.dma_semaphore, #tpu.memory_space<semaphore_mem>>) src(%dma_wait3A_599 : memref<3276800xi32, #tpu.memory_space<hbm>>) dst(%dma_wait3A_594 : memref<128xi32, #tpu.memory_space<vmem>>)
      %dma_wait3A_600 = arith.constant 11 : i32
      %dma_wait3A_601 = arith.constant 11 : i32
      %dma_wait3A_602 = arith.constant 0 : i32
      %dma_wait3A_603 = tpu.memref_slice %arg9[%dma_wait3A_601, %dma_wait3A_602] : memref<16x128xi32, #tpu.memory_space<vmem>> -> memref<1x128xi32, #tpu.memory_space<vmem>>
      %dma_wait3A_604 = tpu.memref_squeeze %dma_wait3A_603 : memref<1x128xi32, #tpu.memory_space<vmem>> -> memref<128xi32, #tpu.memory_space<vmem>>
      %dma_wait3A_605 = arith.constant 0 : i32
      %dma_wait3A_606 = tpu.memref_slice %arg7[%dma_wait3A_600, %dma_wait3A_605] : memref<16x128xi32, #tpu.memory_space<vmem>> -> memref<1x128xi32, #tpu.memory_space<vmem>>
      %dma_wait3A_607 = tpu.memref_squeeze %dma_wait3A_606 : memref<1x128xi32, #tpu.memory_space<vmem>> -> memref<128xi32, #tpu.memory_space<vmem>>
      %dma_wait3A_608 = arith.constant 0 : i32
      %dma_wait3A_609 = tpu.memref_slice %arg3[%dma_wait3A_608] : memref<3276800xi32, #tpu.memory_space<hbm>> -> memref<3276800xi32, #tpu.memory_space<hbm>>
      tpu.wait_indirect_dma semaphore(%arg10 : memref<!tpu.dma_semaphore, #tpu.memory_space<semaphore_mem>>) src(%dma_wait3A_609 : memref<3276800xi32, #tpu.memory_space<hbm>>) dst(%dma_wait3A_604 : memref<128xi32, #tpu.memory_space<vmem>>)
      %dma_wait3A_610 = arith.constant 12 : i32
      %dma_wait3A_611 = arith.constant 12 : i32
      %dma_wait3A_612 = arith.constant 0 : i32
      %dma_wait3A_613 = tpu.memref_slice %arg9[%dma_wait3A_611, %dma_wait3A_612] : memref<16x128xi32, #tpu.memory_space<vmem>> -> memref<1x128xi32, #tpu.memory_space<vmem>>
      %dma_wait3A_614 = tpu.memref_squeeze %dma_wait3A_613 : memref<1x128xi32, #tpu.memory_space<vmem>> -> memref<128xi32, #tpu.memory_space<vmem>>
      %dma_wait3A_615 = arith.constant 0 : i32
      %dma_wait3A_616 = tpu.memref_slice %arg7[%dma_wait3A_610, %dma_wait3A_615] : memref<16x128xi32, #tpu.memory_space<vmem>> -> memref<1x128xi32, #tpu.memory_space<vmem>>
      %dma_wait3A_617 = tpu.memref_squeeze %dma_wait3A_616 : memref<1x128xi32, #tpu.memory_space<vmem>> -> memref<128xi32, #tpu.memory_space<vmem>>
      %dma_wait3A_618 = arith.constant 0 : i32
      %dma_wait3A_619 = tpu.memref_slice %arg3[%dma_wait3A_618] : memref<3276800xi32, #tpu.memory_space<hbm>> -> memref<3276800xi32, #tpu.memory_space<hbm>>
      tpu.wait_indirect_dma semaphore(%arg10 : memref<!tpu.dma_semaphore, #tpu.memory_space<semaphore_mem>>) src(%dma_wait3A_619 : memref<3276800xi32, #tpu.memory_space<hbm>>) dst(%dma_wait3A_614 : memref<128xi32, #tpu.memory_space<vmem>>)
      %dma_wait3A_620 = arith.constant 13 : i32
      %dma_wait3A_621 = arith.constant 13 : i32
      %dma_wait3A_622 = arith.constant 0 : i32
      %dma_wait3A_623 = tpu.memref_slice %arg9[%dma_wait3A_621, %dma_wait3A_622] : memref<16x128xi32, #tpu.memory_space<vmem>> -> memref<1x128xi32, #tpu.memory_space<vmem>>
      %dma_wait3A_624 = tpu.memref_squeeze %dma_wait3A_623 : memref<1x128xi32, #tpu.memory_space<vmem>> -> memref<128xi32, #tpu.memory_space<vmem>>
      %dma_wait3A_625 = arith.constant 0 : i32
      %dma_wait3A_626 = tpu.memref_slice %arg7[%dma_wait3A_620, %dma_wait3A_625] : memref<16x128xi32, #tpu.memory_space<vmem>> -> memref<1x128xi32, #tpu.memory_space<vmem>>
      %dma_wait3A_627 = tpu.memref_squeeze %dma_wait3A_626 : memref<1x128xi32, #tpu.memory_space<vmem>> -> memref<128xi32, #tpu.memory_space<vmem>>
      %dma_wait3A_628 = arith.constant 0 : i32
      %dma_wait3A_629 = tpu.memref_slice %arg3[%dma_wait3A_628] : memref<3276800xi32, #tpu.memory_space<hbm>> -> memref<3276800xi32, #tpu.memory_space<hbm>>
      tpu.wait_indirect_dma semaphore(%arg10 : memref<!tpu.dma_semaphore, #tpu.memory_space<semaphore_mem>>) src(%dma_wait3A_629 : memref<3276800xi32, #tpu.memory_space<hbm>>) dst(%dma_wait3A_624 : memref<128xi32, #tpu.memory_space<vmem>>)
      %dma_wait3A_630 = arith.constant 14 : i32
      %dma_wait3A_631 = arith.constant 14 : i32
      %dma_wait3A_632 = arith.constant 0 : i32
      %dma_wait3A_633 = tpu.memref_slice %arg9[%dma_wait3A_631, %dma_wait3A_632] : memref<16x128xi32, #tpu.memory_space<vmem>> -> memref<1x128xi32, #tpu.memory_space<vmem>>
      %dma_wait3A_634 = tpu.memref_squeeze %dma_wait3A_633 : memref<1x128xi32, #tpu.memory_space<vmem>> -> memref<128xi32, #tpu.memory_space<vmem>>
      %dma_wait3A_635 = arith.constant 0 : i32
      %dma_wait3A_636 = tpu.memref_slice %arg7[%dma_wait3A_630, %dma_wait3A_635] : memref<16x128xi32, #tpu.memory_space<vmem>> -> memref<1x128xi32, #tpu.memory_space<vmem>>
      %dma_wait3A_637 = tpu.memref_squeeze %dma_wait3A_636 : memref<1x128xi32, #tpu.memory_space<vmem>> -> memref<128xi32, #tpu.memory_space<vmem>>
      %dma_wait3A_638 = arith.constant 0 : i32
      %dma_wait3A_639 = tpu.memref_slice %arg3[%dma_wait3A_638] : memref<3276800xi32, #tpu.memory_space<hbm>> -> memref<3276800xi32, #tpu.memory_space<hbm>>
      tpu.wait_indirect_dma semaphore(%arg10 : memref<!tpu.dma_semaphore, #tpu.memory_space<semaphore_mem>>) src(%dma_wait3A_639 : memref<3276800xi32, #tpu.memory_space<hbm>>) dst(%dma_wait3A_634 : memref<128xi32, #tpu.memory_space<vmem>>)
      %dma_wait3A_640 = arith.constant 15 : i32
      %dma_wait3A_641 = arith.constant 15 : i32
      %dma_wait3A_642 = arith.constant 0 : i32
      %dma_wait3A_643 = tpu.memref_slice %arg9[%dma_wait3A_641, %dma_wait3A_642] : memref<16x128xi32, #tpu.memory_space<vmem>> -> memref<1x128xi32, #tpu.memory_space<vmem>>
      %dma_wait3A_644 = tpu.memref_squeeze %dma_wait3A_643 : memref<1x128xi32, #tpu.memory_space<vmem>> -> memref<128xi32, #tpu.memory_space<vmem>>
      %dma_wait3A_645 = arith.constant 0 : i32
      %dma_wait3A_646 = tpu.memref_slice %arg7[%dma_wait3A_640, %dma_wait3A_645] : memref<16x128xi32, #tpu.memory_space<vmem>> -> memref<1x128xi32, #tpu.memory_space<vmem>>
      %dma_wait3A_647 = tpu.memref_squeeze %dma_wait3A_646 : memref<1x128xi32, #tpu.memory_space<vmem>> -> memref<128xi32, #tpu.memory_space<vmem>>
      %dma_wait3A_648 = arith.constant 0 : i32
      %dma_wait3A_649 = tpu.memref_slice %arg3[%dma_wait3A_648] : memref<3276800xi32, #tpu.memory_space<hbm>> -> memref<3276800xi32, #tpu.memory_space<hbm>>
      tpu.wait_indirect_dma semaphore(%arg10 : memref<!tpu.dma_semaphore, #tpu.memory_space<semaphore_mem>>) src(%dma_wait3A_649 : memref<3276800xi32, #tpu.memory_space<hbm>>) dst(%dma_wait3A_644 : memref<128xi32, #tpu.memory_space<vmem>>)
      "tpu.region"() ({
        %run_scoped3A = tpu.sem_alloc : memref<!tpu.dma_semaphore, #tpu.memory_space<semaphore_mem>>
        %dma_start3A_650 = arith.constant 0 : i32
        %dma_start3A_651 = tpu.memref_slice %arg5[%add3A_11, %dma_start3A_650] : memref<4096x128xi32, #tpu.memory_space<hbm>> -> memref<16x128xi32, #tpu.memory_space<hbm>>
        %dma_start3A_652 = arith.constant 0 : i32
        %dma_start3A_653 = tpu.memref_slice %arg5[%add3A_11, %dma_start3A_652] : memref<4096x128xi32, #tpu.memory_space<hbm>> -> memref<16x128xi32, #tpu.memory_space<hbm>>
        tpu.enqueue_dma source(%arg8 : memref<16x128xi32, #tpu.memory_space<vmem>>) target(%dma_start3A_653 : memref<16x128xi32, #tpu.memory_space<hbm>>) target_semaphore(%run_scoped3A : memref<!tpu.dma_semaphore, #tpu.memory_space<semaphore_mem>>)
        %dma_wait3A_654 = arith.constant 0 : i32
        %dma_wait3A_655 = tpu.memref_slice %arg5[%add3A_11, %dma_wait3A_654] : memref<4096x128xi32, #tpu.memory_space<hbm>> -> memref<16x128xi32, #tpu.memory_space<hbm>>
        %dma_wait3A_656 = arith.constant 0 : i32
        %dma_wait3A_657 = tpu.memref_slice %arg5[%add3A_11, %dma_wait3A_656] : memref<4096x128xi32, #tpu.memory_space<hbm>> -> memref<16x128xi32, #tpu.memory_space<hbm>>
        tpu.wait_dma2 semaphore(%run_scoped3A : memref<!tpu.dma_semaphore, #tpu.memory_space<semaphore_mem>>) src(%arg8 : memref<16x128xi32, #tpu.memory_space<vmem>>) dst(%dma_wait3A_657 : memref<16x128xi32, #tpu.memory_space<hbm>>)
        tpu.yield
      }) : () -> ()
      "tpu.region"() ({
        %run_scoped3A = tpu.sem_alloc : memref<!tpu.dma_semaphore, #tpu.memory_space<semaphore_mem>>
        %dma_start3A_650 = arith.constant 0 : i32
        %dma_start3A_651 = tpu.memref_slice %arg6[%add3A_11, %dma_start3A_650] : memref<4096x128xi32, #tpu.memory_space<hbm>> -> memref<16x128xi32, #tpu.memory_space<hbm>>
        %dma_start3A_652 = arith.constant 0 : i32
        %dma_start3A_653 = tpu.memref_slice %arg6[%add3A_11, %dma_start3A_652] : memref<4096x128xi32, #tpu.memory_space<hbm>> -> memref<16x128xi32, #tpu.memory_space<hbm>>
        tpu.enqueue_dma source(%arg9 : memref<16x128xi32, #tpu.memory_space<vmem>>) target(%dma_start3A_653 : memref<16x128xi32, #tpu.memory_space<hbm>>) target_semaphore(%run_scoped3A : memref<!tpu.dma_semaphore, #tpu.memory_space<semaphore_mem>>)
        %dma_wait3A_654 = arith.constant 0 : i32
        %dma_wait3A_655 = tpu.memref_slice %arg6[%add3A_11, %dma_wait3A_654] : memref<4096x128xi32, #tpu.memory_space<hbm>> -> memref<16x128xi32, #tpu.memory_space<hbm>>
        %dma_wait3A_656 = arith.constant 0 : i32
        %dma_wait3A_657 = tpu.memref_slice %arg6[%add3A_11, %dma_wait3A_656] : memref<4096x128xi32, #tpu.memory_space<hbm>> -> memref<16x128xi32, #tpu.memory_space<hbm>>
        tpu.wait_dma2 semaphore(%run_scoped3A : memref<!tpu.dma_semaphore, #tpu.memory_space<semaphore_mem>>) src(%arg9 : memref<16x128xi32, #tpu.memory_space<vmem>>) dst(%dma_wait3A_657 : memref<16x128xi32, #tpu.memory_space<hbm>>)
        tpu.yield
      }) : () -> ()
    }
    %scan3A_7 = arith.constant 8 : i32
    return
  }
}

module attributes {stable_mosaic.version = 14 : i64} {
  func.func @_topk_body(%arg0: i32, %arg1: memref<200x2048xf32, #tpu.memory_space<vmem>>, %arg2: memref<200x2048xi32, #tpu.memory_space<vmem>>, %arg3: memref<32x2048xf32, #tpu.memory_space<vmem>>, %arg4: memref<32x2048xi32, #tpu.memory_space<vmem>>) attributes {dimension_semantics = [#tpu.dimension_semantics<arbitrary>], iteration_bounds = array<i64: 8>, scalar_prefetch = 0 : i64, scratch_operands = 0 : i64, tpu.core_type = #tpu.core_type<tc>, window_params = [{transform_indices = @transform_0, window_bounds = array<i64: 200, 2048>}, {transform_indices = @transform_1, window_bounds = array<i64: 200, 2048>}, {transform_indices = @transform_2, window_bounds = array<i64: 32, 2048>}, {transform_indices = @transform_3, window_bounds = array<i64: 32, 2048>}]} {
    %get3A = arith.constant 0 : index
    %get3A_0 = arith.constant 0 : index
    %get3A_1 = vector.load %arg1[%get3A, %get3A_0] : memref<200x2048xf32, #tpu.memory_space<vmem>>, vector<200x2048xf32>
    %get3A_2 = arith.constant 0 : index
    %get3A_3 = arith.constant 0 : index
    %get3A_4 = vector.load %arg2[%get3A_2, %get3A_3] : memref<200x2048xi32, #tpu.memory_space<vmem>>, vector<200x2048xi32>
    %iota3A = tpu.iota {dimensions = array<i32: 0>} : vector<200x2048xi32>
    %reduce_sum3A = arith.constant dense<0> : vector<2048xi32>
    %reduce_sum3A_5 = vector.multi_reduction <add>, %get3A_4, %reduce_sum3A [0] : vector<200x2048xi32> to vector<2048xi32>
    %broadcast_in_dim3A = vector.shape_cast %reduce_sum3A_5 : vector<2048xi32> to vector<1x2048xi32>
    %lt3A = arith.constant 32 : i32
    %lt3A_6 = vector.broadcast %lt3A : i32 to vector<1x2048xi32>
    %lt3A_7 = arith.cmpi slt, %broadcast_in_dim3A, %lt3A_6 : vector<1x2048xi32>
    %ge3A = arith.constant 1 : i32
    %ge3A_8 = vector.broadcast %ge3A : i32 to vector<200x2048xi32>
    %ge3A_9 = arith.cmpi sge, %iota3A, %ge3A_8 : vector<200x2048xi32>
    %le3A = arith.constant 32 : i32
    %le3A_10 = vector.broadcast %le3A : i32 to vector<200x2048xi32>
    %le3A_11 = arith.cmpi sle, %iota3A, %le3A_10 : vector<200x2048xi32>
    %and3A = arith.andi %ge3A_9, %le3A_11 : vector<200x2048xi1>
    %ne3A = arith.constant 0 : i32
    %ne3A_12 = vector.broadcast %ne3A : i32 to vector<200x2048xi32>
    %ne3A_13 = arith.cmpi ne, %get3A_4, %ne3A_12 : vector<200x2048xi32>
    %and3A_14 = vector.broadcast %lt3A_7 : vector<1x2048xi1> to vector<200x2048xi1>
    %and3A_15 = arith.andi %and3A, %and3A_14 : vector<200x2048xi1>
    %or3A = arith.ori %ne3A_13, %and3A_15 : vector<200x2048xi1>
    %jit3A = arith.constant 0xFF800000 : f32
    %broadcast_in_dim3A_16 = vector.broadcast %jit3A : f32 to vector<200x2048xf32>
    %select_n3A = arith.select %or3A, %get3A_1, %broadcast_in_dim3A_16 : vector<200x2048xi1>, vector<200x2048xf32>
    %iota3A_17 = tpu.iota {dimensions = array<i32: 1>} : vector<1x2048xi32>
    %mul3A = arith.constant 2048 : i32
    %mul3A_18 = arith.muli %arg0, %mul3A : i32
    %add3A = vector.broadcast %mul3A_18 : i32 to vector<1x2048xi32>
    %add3A_19 = arith.addi %add3A, %iota3A_17 : vector<1x2048xi32>
    %mul3A_20 = arith.constant 200 : i32
    %mul3A_21 = vector.broadcast %mul3A_20 : i32 to vector<1x2048xi32>
    %mul3A_22 = arith.muli %add3A_19, %mul3A_21 : vector<1x2048xi32>
    %reduce_max3A = arith.constant dense<0xFF800000> : vector<2048xf32>
    %reduce_max3A_23 = vector.multi_reduction <maximumf>, %select_n3A, %reduce_max3A [0] : vector<200x2048xf32> to vector<2048xf32>
    %broadcast_in_dim3A_24 = vector.shape_cast %reduce_max3A_23 : vector<2048xf32> to vector<1x2048xf32>
    %eq3A = vector.broadcast %broadcast_in_dim3A_24 : vector<1x2048xf32> to vector<200x2048xf32>
    %eq3A_25 = arith.cmpf oeq, %select_n3A, %eq3A : vector<200x2048xf32>
    %jit3A_26 = arith.constant 1073741824 : i32
    %broadcast_in_dim3A_27 = vector.broadcast %jit3A_26 : i32 to vector<200x2048xi32>
    %select_n3A_28 = arith.select %eq3A_25, %iota3A, %broadcast_in_dim3A_27 : vector<200x2048xi1>, vector<200x2048xi32>
    %reduce_min3A = arith.constant dense<2147483647> : vector<2048xi32>
    %reduce_min3A_29 = vector.multi_reduction <minsi>, %select_n3A_28, %reduce_min3A [0] : vector<200x2048xi32> to vector<2048xi32>
    %broadcast_in_dim3A_30 = vector.shape_cast %reduce_min3A_29 : vector<2048xi32> to vector<1x2048xi32>
    %eq3A_31 = vector.broadcast %broadcast_in_dim3A_30 : vector<1x2048xi32> to vector<200x2048xi32>
    %eq3A_32 = arith.cmpi eq, %iota3A, %eq3A_31 : vector<200x2048xi32>
    %jit3A_33 = arith.constant 0xFF800000 : f32
    %broadcast_in_dim3A_34 = vector.broadcast %jit3A_33 : f32 to vector<200x2048xf32>
    %select_n3A_35 = arith.select %eq3A_32, %broadcast_in_dim3A_34, %select_n3A : vector<200x2048xi1>, vector<200x2048xf32>
    %swap3A = arith.constant 0 : index
    %swap3A_36 = arith.constant 0 : index
    %swap3A_37 = vector.load %arg3[%swap3A, %swap3A_36] : memref<32x2048xf32, #tpu.memory_space<vmem>>, vector<1x2048xf32>
    tpu.vector_store %arg3[%swap3A, %swap3A_36], %broadcast_in_dim3A_24 {strides = array<i32>} : memref<32x2048xf32, #tpu.memory_space<vmem>>, vector<1x2048xf32>,
    %add3A_38 = arith.addi %mul3A_22, %broadcast_in_dim3A_30 : vector<1x2048xi32>
    %swap3A_39 = arith.constant 0 : index
    %swap3A_40 = arith.constant 0 : index
    %swap3A_41 = vector.load %arg4[%swap3A_39, %swap3A_40] : memref<32x2048xi32, #tpu.memory_space<vmem>>, vector<1x2048xi32>
    tpu.vector_store %arg4[%swap3A_39, %swap3A_40], %add3A_38 {strides = array<i32>} : memref<32x2048xi32, #tpu.memory_space<vmem>>, vector<1x2048xi32>,
    %reduce_max3A_42 = arith.constant dense<0xFF800000> : vector<2048xf32>
    %reduce_max3A_43 = vector.multi_reduction <maximumf>, %select_n3A_35, %reduce_max3A_42 [0] : vector<200x2048xf32> to vector<2048xf32>
    %broadcast_in_dim3A_44 = vector.shape_cast %reduce_max3A_43 : vector<2048xf32> to vector<1x2048xf32>
    %eq3A_45 = vector.broadcast %broadcast_in_dim3A_44 : vector<1x2048xf32> to vector<200x2048xf32>
    %eq3A_46 = arith.cmpf oeq, %select_n3A_35, %eq3A_45 : vector<200x2048xf32>
    %jit3A_47 = arith.constant 1073741824 : i32
    %broadcast_in_dim3A_48 = vector.broadcast %jit3A_47 : i32 to vector<200x2048xi32>
    %select_n3A_49 = arith.select %eq3A_46, %iota3A, %broadcast_in_dim3A_48 : vector<200x2048xi1>, vector<200x2048xi32>
    %reduce_min3A_50 = arith.constant dense<2147483647> : vector<2048xi32>
    %reduce_min3A_51 = vector.multi_reduction <minsi>, %select_n3A_49, %reduce_min3A_50 [0] : vector<200x2048xi32> to vector<2048xi32>
    %broadcast_in_dim3A_52 = vector.shape_cast %reduce_min3A_51 : vector<2048xi32> to vector<1x2048xi32>
    %eq3A_53 = vector.broadcast %broadcast_in_dim3A_52 : vector<1x2048xi32> to vector<200x2048xi32>
    %eq3A_54 = arith.cmpi eq, %iota3A, %eq3A_53 : vector<200x2048xi32>
    %jit3A_55 = arith.constant 0xFF800000 : f32
    %broadcast_in_dim3A_56 = vector.broadcast %jit3A_55 : f32 to vector<200x2048xf32>
    %select_n3A_57 = arith.select %eq3A_54, %broadcast_in_dim3A_56, %select_n3A_35 : vector<200x2048xi1>, vector<200x2048xf32>
    %swap3A_58 = arith.constant 1 : index
    %swap3A_59 = arith.constant 0 : index
    %swap3A_60 = vector.load %arg3[%swap3A_58, %swap3A_59] : memref<32x2048xf32, #tpu.memory_space<vmem>>, vector<1x2048xf32>
    tpu.vector_store %arg3[%swap3A_58, %swap3A_59], %broadcast_in_dim3A_44 {strides = array<i32>} : memref<32x2048xf32, #tpu.memory_space<vmem>>, vector<1x2048xf32>,
    %add3A_61 = arith.addi %mul3A_22, %broadcast_in_dim3A_52 : vector<1x2048xi32>
    %swap3A_62 = arith.constant 1 : index
    %swap3A_63 = arith.constant 0 : index
    %swap3A_64 = vector.load %arg4[%swap3A_62, %swap3A_63] : memref<32x2048xi32, #tpu.memory_space<vmem>>, vector<1x2048xi32>
    tpu.vector_store %arg4[%swap3A_62, %swap3A_63], %add3A_61 {strides = array<i32>} : memref<32x2048xi32, #tpu.memory_space<vmem>>, vector<1x2048xi32>,
    %reduce_max3A_65 = arith.constant dense<0xFF800000> : vector<2048xf32>
    %reduce_max3A_66 = vector.multi_reduction <maximumf>, %select_n3A_57, %reduce_max3A_65 [0] : vector<200x2048xf32> to vector<2048xf32>
    %broadcast_in_dim3A_67 = vector.shape_cast %reduce_max3A_66 : vector<2048xf32> to vector<1x2048xf32>
    %eq3A_68 = vector.broadcast %broadcast_in_dim3A_67 : vector<1x2048xf32> to vector<200x2048xf32>
    %eq3A_69 = arith.cmpf oeq, %select_n3A_57, %eq3A_68 : vector<200x2048xf32>
    %jit3A_70 = arith.constant 1073741824 : i32
    %broadcast_in_dim3A_71 = vector.broadcast %jit3A_70 : i32 to vector<200x2048xi32>
    %select_n3A_72 = arith.select %eq3A_69, %iota3A, %broadcast_in_dim3A_71 : vector<200x2048xi1>, vector<200x2048xi32>
    %reduce_min3A_73 = arith.constant dense<2147483647> : vector<2048xi32>
    %reduce_min3A_74 = vector.multi_reduction <minsi>, %select_n3A_72, %reduce_min3A_73 [0] : vector<200x2048xi32> to vector<2048xi32>
    %broadcast_in_dim3A_75 = vector.shape_cast %reduce_min3A_74 : vector<2048xi32> to vector<1x2048xi32>
    %eq3A_76 = vector.broadcast %broadcast_in_dim3A_75 : vector<1x2048xi32> to vector<200x2048xi32>
    %eq3A_77 = arith.cmpi eq, %iota3A, %eq3A_76 : vector<200x2048xi32>
    %jit3A_78 = arith.constant 0xFF800000 : f32
    %broadcast_in_dim3A_79 = vector.broadcast %jit3A_78 : f32 to vector<200x2048xf32>
    %select_n3A_80 = arith.select %eq3A_77, %broadcast_in_dim3A_79, %select_n3A_57 : vector<200x2048xi1>, vector<200x2048xf32>
    %swap3A_81 = arith.constant 2 : index
    %swap3A_82 = arith.constant 0 : index
    %swap3A_83 = vector.load %arg3[%swap3A_81, %swap3A_82] : memref<32x2048xf32, #tpu.memory_space<vmem>>, vector<1x2048xf32>
    tpu.vector_store %arg3[%swap3A_81, %swap3A_82], %broadcast_in_dim3A_67 {strides = array<i32>} : memref<32x2048xf32, #tpu.memory_space<vmem>>, vector<1x2048xf32>,
    %add3A_84 = arith.addi %mul3A_22, %broadcast_in_dim3A_75 : vector<1x2048xi32>
    %swap3A_85 = arith.constant 2 : index
    %swap3A_86 = arith.constant 0 : index
    %swap3A_87 = vector.load %arg4[%swap3A_85, %swap3A_86] : memref<32x2048xi32, #tpu.memory_space<vmem>>, vector<1x2048xi32>
    tpu.vector_store %arg4[%swap3A_85, %swap3A_86], %add3A_84 {strides = array<i32>} : memref<32x2048xi32, #tpu.memory_space<vmem>>, vector<1x2048xi32>,
    %reduce_max3A_88 = arith.constant dense<0xFF800000> : vector<2048xf32>
    %reduce_max3A_89 = vector.multi_reduction <maximumf>, %select_n3A_80, %reduce_max3A_88 [0] : vector<200x2048xf32> to vector<2048xf32>
    %broadcast_in_dim3A_90 = vector.shape_cast %reduce_max3A_89 : vector<2048xf32> to vector<1x2048xf32>
    %eq3A_91 = vector.broadcast %broadcast_in_dim3A_90 : vector<1x2048xf32> to vector<200x2048xf32>
    %eq3A_92 = arith.cmpf oeq, %select_n3A_80, %eq3A_91 : vector<200x2048xf32>
    %jit3A_93 = arith.constant 1073741824 : i32
    %broadcast_in_dim3A_94 = vector.broadcast %jit3A_93 : i32 to vector<200x2048xi32>
    %select_n3A_95 = arith.select %eq3A_92, %iota3A, %broadcast_in_dim3A_94 : vector<200x2048xi1>, vector<200x2048xi32>
    %reduce_min3A_96 = arith.constant dense<2147483647> : vector<2048xi32>
    %reduce_min3A_97 = vector.multi_reduction <minsi>, %select_n3A_95, %reduce_min3A_96 [0] : vector<200x2048xi32> to vector<2048xi32>
    %broadcast_in_dim3A_98 = vector.shape_cast %reduce_min3A_97 : vector<2048xi32> to vector<1x2048xi32>
    %eq3A_99 = vector.broadcast %broadcast_in_dim3A_98 : vector<1x2048xi32> to vector<200x2048xi32>
    %eq3A_100 = arith.cmpi eq, %iota3A, %eq3A_99 : vector<200x2048xi32>
    %jit3A_101 = arith.constant 0xFF800000 : f32
    %broadcast_in_dim3A_102 = vector.broadcast %jit3A_101 : f32 to vector<200x2048xf32>
    %select_n3A_103 = arith.select %eq3A_100, %broadcast_in_dim3A_102, %select_n3A_80 : vector<200x2048xi1>, vector<200x2048xf32>
    %swap3A_104 = arith.constant 3 : index
    %swap3A_105 = arith.constant 0 : index
    %swap3A_106 = vector.load %arg3[%swap3A_104, %swap3A_105] : memref<32x2048xf32, #tpu.memory_space<vmem>>, vector<1x2048xf32>
    tpu.vector_store %arg3[%swap3A_104, %swap3A_105], %broadcast_in_dim3A_90 {strides = array<i32>} : memref<32x2048xf32, #tpu.memory_space<vmem>>, vector<1x2048xf32>,
    %add3A_107 = arith.addi %mul3A_22, %broadcast_in_dim3A_98 : vector<1x2048xi32>
    %swap3A_108 = arith.constant 3 : index
    %swap3A_109 = arith.constant 0 : index
    %swap3A_110 = vector.load %arg4[%swap3A_108, %swap3A_109] : memref<32x2048xi32, #tpu.memory_space<vmem>>, vector<1x2048xi32>
    tpu.vector_store %arg4[%swap3A_108, %swap3A_109], %add3A_107 {strides = array<i32>} : memref<32x2048xi32, #tpu.memory_space<vmem>>, vector<1x2048xi32>,
    %reduce_max3A_111 = arith.constant dense<0xFF800000> : vector<2048xf32>
    %reduce_max3A_112 = vector.multi_reduction <maximumf>, %select_n3A_103, %reduce_max3A_111 [0] : vector<200x2048xf32> to vector<2048xf32>
    %broadcast_in_dim3A_113 = vector.shape_cast %reduce_max3A_112 : vector<2048xf32> to vector<1x2048xf32>
    %eq3A_114 = vector.broadcast %broadcast_in_dim3A_113 : vector<1x2048xf32> to vector<200x2048xf32>
    %eq3A_115 = arith.cmpf oeq, %select_n3A_103, %eq3A_114 : vector<200x2048xf32>
    %jit3A_116 = arith.constant 1073741824 : i32
    %broadcast_in_dim3A_117 = vector.broadcast %jit3A_116 : i32 to vector<200x2048xi32>
    %select_n3A_118 = arith.select %eq3A_115, %iota3A, %broadcast_in_dim3A_117 : vector<200x2048xi1>, vector<200x2048xi32>
    %reduce_min3A_119 = arith.constant dense<2147483647> : vector<2048xi32>
    %reduce_min3A_120 = vector.multi_reduction <minsi>, %select_n3A_118, %reduce_min3A_119 [0] : vector<200x2048xi32> to vector<2048xi32>
    %broadcast_in_dim3A_121 = vector.shape_cast %reduce_min3A_120 : vector<2048xi32> to vector<1x2048xi32>
    %eq3A_122 = vector.broadcast %broadcast_in_dim3A_121 : vector<1x2048xi32> to vector<200x2048xi32>
    %eq3A_123 = arith.cmpi eq, %iota3A, %eq3A_122 : vector<200x2048xi32>
    %jit3A_124 = arith.constant 0xFF800000 : f32
    %broadcast_in_dim3A_125 = vector.broadcast %jit3A_124 : f32 to vector<200x2048xf32>
    %select_n3A_126 = arith.select %eq3A_123, %broadcast_in_dim3A_125, %select_n3A_103 : vector<200x2048xi1>, vector<200x2048xf32>
    %swap3A_127 = arith.constant 4 : index
    %swap3A_128 = arith.constant 0 : index
    %swap3A_129 = vector.load %arg3[%swap3A_127, %swap3A_128] : memref<32x2048xf32, #tpu.memory_space<vmem>>, vector<1x2048xf32>
    tpu.vector_store %arg3[%swap3A_127, %swap3A_128], %broadcast_in_dim3A_113 {strides = array<i32>} : memref<32x2048xf32, #tpu.memory_space<vmem>>, vector<1x2048xf32>,
    %add3A_130 = arith.addi %mul3A_22, %broadcast_in_dim3A_121 : vector<1x2048xi32>
    %swap3A_131 = arith.constant 4 : index
    %swap3A_132 = arith.constant 0 : index
    %swap3A_133 = vector.load %arg4[%swap3A_131, %swap3A_132] : memref<32x2048xi32, #tpu.memory_space<vmem>>, vector<1x2048xi32>
    tpu.vector_store %arg4[%swap3A_131, %swap3A_132], %add3A_130 {strides = array<i32>} : memref<32x2048xi32, #tpu.memory_space<vmem>>, vector<1x2048xi32>,
    %reduce_max3A_134 = arith.constant dense<0xFF800000> : vector<2048xf32>
    %reduce_max3A_135 = vector.multi_reduction <maximumf>, %select_n3A_126, %reduce_max3A_134 [0] : vector<200x2048xf32> to vector<2048xf32>
    %broadcast_in_dim3A_136 = vector.shape_cast %reduce_max3A_135 : vector<2048xf32> to vector<1x2048xf32>
    %eq3A_137 = vector.broadcast %broadcast_in_dim3A_136 : vector<1x2048xf32> to vector<200x2048xf32>
    %eq3A_138 = arith.cmpf oeq, %select_n3A_126, %eq3A_137 : vector<200x2048xf32>
    %jit3A_139 = arith.constant 1073741824 : i32
    %broadcast_in_dim3A_140 = vector.broadcast %jit3A_139 : i32 to vector<200x2048xi32>
    %select_n3A_141 = arith.select %eq3A_138, %iota3A, %broadcast_in_dim3A_140 : vector<200x2048xi1>, vector<200x2048xi32>
    %reduce_min3A_142 = arith.constant dense<2147483647> : vector<2048xi32>
    %reduce_min3A_143 = vector.multi_reduction <minsi>, %select_n3A_141, %reduce_min3A_142 [0] : vector<200x2048xi32> to vector<2048xi32>
    %broadcast_in_dim3A_144 = vector.shape_cast %reduce_min3A_143 : vector<2048xi32> to vector<1x2048xi32>
    %eq3A_145 = vector.broadcast %broadcast_in_dim3A_144 : vector<1x2048xi32> to vector<200x2048xi32>
    %eq3A_146 = arith.cmpi eq, %iota3A, %eq3A_145 : vector<200x2048xi32>
    %jit3A_147 = arith.constant 0xFF800000 : f32
    %broadcast_in_dim3A_148 = vector.broadcast %jit3A_147 : f32 to vector<200x2048xf32>
    %select_n3A_149 = arith.select %eq3A_146, %broadcast_in_dim3A_148, %select_n3A_126 : vector<200x2048xi1>, vector<200x2048xf32>
    %swap3A_150 = arith.constant 5 : index
    %swap3A_151 = arith.constant 0 : index
    %swap3A_152 = vector.load %arg3[%swap3A_150, %swap3A_151] : memref<32x2048xf32, #tpu.memory_space<vmem>>, vector<1x2048xf32>
    tpu.vector_store %arg3[%swap3A_150, %swap3A_151], %broadcast_in_dim3A_136 {strides = array<i32>} : memref<32x2048xf32, #tpu.memory_space<vmem>>, vector<1x2048xf32>,
    %add3A_153 = arith.addi %mul3A_22, %broadcast_in_dim3A_144 : vector<1x2048xi32>
    %swap3A_154 = arith.constant 5 : index
    %swap3A_155 = arith.constant 0 : index
    %swap3A_156 = vector.load %arg4[%swap3A_154, %swap3A_155] : memref<32x2048xi32, #tpu.memory_space<vmem>>, vector<1x2048xi32>
    tpu.vector_store %arg4[%swap3A_154, %swap3A_155], %add3A_153 {strides = array<i32>} : memref<32x2048xi32, #tpu.memory_space<vmem>>, vector<1x2048xi32>,
    %reduce_max3A_157 = arith.constant dense<0xFF800000> : vector<2048xf32>
    %reduce_max3A_158 = vector.multi_reduction <maximumf>, %select_n3A_149, %reduce_max3A_157 [0] : vector<200x2048xf32> to vector<2048xf32>
    %broadcast_in_dim3A_159 = vector.shape_cast %reduce_max3A_158 : vector<2048xf32> to vector<1x2048xf32>
    %eq3A_160 = vector.broadcast %broadcast_in_dim3A_159 : vector<1x2048xf32> to vector<200x2048xf32>
    %eq3A_161 = arith.cmpf oeq, %select_n3A_149, %eq3A_160 : vector<200x2048xf32>
    %jit3A_162 = arith.constant 1073741824 : i32
    %broadcast_in_dim3A_163 = vector.broadcast %jit3A_162 : i32 to vector<200x2048xi32>
    %select_n3A_164 = arith.select %eq3A_161, %iota3A, %broadcast_in_dim3A_163 : vector<200x2048xi1>, vector<200x2048xi32>
    %reduce_min3A_165 = arith.constant dense<2147483647> : vector<2048xi32>
    %reduce_min3A_166 = vector.multi_reduction <minsi>, %select_n3A_164, %reduce_min3A_165 [0] : vector<200x2048xi32> to vector<2048xi32>
    %broadcast_in_dim3A_167 = vector.shape_cast %reduce_min3A_166 : vector<2048xi32> to vector<1x2048xi32>
    %eq3A_168 = vector.broadcast %broadcast_in_dim3A_167 : vector<1x2048xi32> to vector<200x2048xi32>
    %eq3A_169 = arith.cmpi eq, %iota3A, %eq3A_168 : vector<200x2048xi32>
    %jit3A_170 = arith.constant 0xFF800000 : f32
    %broadcast_in_dim3A_171 = vector.broadcast %jit3A_170 : f32 to vector<200x2048xf32>
    %select_n3A_172 = arith.select %eq3A_169, %broadcast_in_dim3A_171, %select_n3A_149 : vector<200x2048xi1>, vector<200x2048xf32>
    %swap3A_173 = arith.constant 6 : index
    %swap3A_174 = arith.constant 0 : index
    %swap3A_175 = vector.load %arg3[%swap3A_173, %swap3A_174] : memref<32x2048xf32, #tpu.memory_space<vmem>>, vector<1x2048xf32>
    tpu.vector_store %arg3[%swap3A_173, %swap3A_174], %broadcast_in_dim3A_159 {strides = array<i32>} : memref<32x2048xf32, #tpu.memory_space<vmem>>, vector<1x2048xf32>,
    %add3A_176 = arith.addi %mul3A_22, %broadcast_in_dim3A_167 : vector<1x2048xi32>
    %swap3A_177 = arith.constant 6 : index
    %swap3A_178 = arith.constant 0 : index
    %swap3A_179 = vector.load %arg4[%swap3A_177, %swap3A_178] : memref<32x2048xi32, #tpu.memory_space<vmem>>, vector<1x2048xi32>
    tpu.vector_store %arg4[%swap3A_177, %swap3A_178], %add3A_176 {strides = array<i32>} : memref<32x2048xi32, #tpu.memory_space<vmem>>, vector<1x2048xi32>,
    %reduce_max3A_180 = arith.constant dense<0xFF800000> : vector<2048xf32>
    %reduce_max3A_181 = vector.multi_reduction <maximumf>, %select_n3A_172, %reduce_max3A_180 [0] : vector<200x2048xf32> to vector<2048xf32>
    %broadcast_in_dim3A_182 = vector.shape_cast %reduce_max3A_181 : vector<2048xf32> to vector<1x2048xf32>
    %eq3A_183 = vector.broadcast %broadcast_in_dim3A_182 : vector<1x2048xf32> to vector<200x2048xf32>
    %eq3A_184 = arith.cmpf oeq, %select_n3A_172, %eq3A_183 : vector<200x2048xf32>
    %jit3A_185 = arith.constant 1073741824 : i32
    %broadcast_in_dim3A_186 = vector.broadcast %jit3A_185 : i32 to vector<200x2048xi32>
    %select_n3A_187 = arith.select %eq3A_184, %iota3A, %broadcast_in_dim3A_186 : vector<200x2048xi1>, vector<200x2048xi32>
    %reduce_min3A_188 = arith.constant dense<2147483647> : vector<2048xi32>
    %reduce_min3A_189 = vector.multi_reduction <minsi>, %select_n3A_187, %reduce_min3A_188 [0] : vector<200x2048xi32> to vector<2048xi32>
    %broadcast_in_dim3A_190 = vector.shape_cast %reduce_min3A_189 : vector<2048xi32> to vector<1x2048xi32>
    %eq3A_191 = vector.broadcast %broadcast_in_dim3A_190 : vector<1x2048xi32> to vector<200x2048xi32>
    %eq3A_192 = arith.cmpi eq, %iota3A, %eq3A_191 : vector<200x2048xi32>
    %jit3A_193 = arith.constant 0xFF800000 : f32
    %broadcast_in_dim3A_194 = vector.broadcast %jit3A_193 : f32 to vector<200x2048xf32>
    %select_n3A_195 = arith.select %eq3A_192, %broadcast_in_dim3A_194, %select_n3A_172 : vector<200x2048xi1>, vector<200x2048xf32>
    %swap3A_196 = arith.constant 7 : index
    %swap3A_197 = arith.constant 0 : index
    %swap3A_198 = vector.load %arg3[%swap3A_196, %swap3A_197] : memref<32x2048xf32, #tpu.memory_space<vmem>>, vector<1x2048xf32>
    tpu.vector_store %arg3[%swap3A_196, %swap3A_197], %broadcast_in_dim3A_182 {strides = array<i32>} : memref<32x2048xf32, #tpu.memory_space<vmem>>, vector<1x2048xf32>,
    %add3A_199 = arith.addi %mul3A_22, %broadcast_in_dim3A_190 : vector<1x2048xi32>
    %swap3A_200 = arith.constant 7 : index
    %swap3A_201 = arith.constant 0 : index
    %swap3A_202 = vector.load %arg4[%swap3A_200, %swap3A_201] : memref<32x2048xi32, #tpu.memory_space<vmem>>, vector<1x2048xi32>
    tpu.vector_store %arg4[%swap3A_200, %swap3A_201], %add3A_199 {strides = array<i32>} : memref<32x2048xi32, #tpu.memory_space<vmem>>, vector<1x2048xi32>,
    %reduce_max3A_203 = arith.constant dense<0xFF800000> : vector<2048xf32>
    %reduce_max3A_204 = vector.multi_reduction <maximumf>, %select_n3A_195, %reduce_max3A_203 [0] : vector<200x2048xf32> to vector<2048xf32>
    %broadcast_in_dim3A_205 = vector.shape_cast %reduce_max3A_204 : vector<2048xf32> to vector<1x2048xf32>
    %eq3A_206 = vector.broadcast %broadcast_in_dim3A_205 : vector<1x2048xf32> to vector<200x2048xf32>
    %eq3A_207 = arith.cmpf oeq, %select_n3A_195, %eq3A_206 : vector<200x2048xf32>
    %jit3A_208 = arith.constant 1073741824 : i32
    %broadcast_in_dim3A_209 = vector.broadcast %jit3A_208 : i32 to vector<200x2048xi32>
    %select_n3A_210 = arith.select %eq3A_207, %iota3A, %broadcast_in_dim3A_209 : vector<200x2048xi1>, vector<200x2048xi32>
    %reduce_min3A_211 = arith.constant dense<2147483647> : vector<2048xi32>
    %reduce_min3A_212 = vector.multi_reduction <minsi>, %select_n3A_210, %reduce_min3A_211 [0] : vector<200x2048xi32> to vector<2048xi32>
    %broadcast_in_dim3A_213 = vector.shape_cast %reduce_min3A_212 : vector<2048xi32> to vector<1x2048xi32>
    %eq3A_214 = vector.broadcast %broadcast_in_dim3A_213 : vector<1x2048xi32> to vector<200x2048xi32>
    %eq3A_215 = arith.cmpi eq, %iota3A, %eq3A_214 : vector<200x2048xi32>
    %jit3A_216 = arith.constant 0xFF800000 : f32
    %broadcast_in_dim3A_217 = vector.broadcast %jit3A_216 : f32 to vector<200x2048xf32>
    %select_n3A_218 = arith.select %eq3A_215, %broadcast_in_dim3A_217, %select_n3A_195 : vector<200x2048xi1>, vector<200x2048xf32>
    %swap3A_219 = arith.constant 8 : index
    %swap3A_220 = arith.constant 0 : index
    %swap3A_221 = vector.load %arg3[%swap3A_219, %swap3A_220] : memref<32x2048xf32, #tpu.memory_space<vmem>>, vector<1x2048xf32>
    tpu.vector_store %arg3[%swap3A_219, %swap3A_220], %broadcast_in_dim3A_205 {strides = array<i32>} : memref<32x2048xf32, #tpu.memory_space<vmem>>, vector<1x2048xf32>,
    %add3A_222 = arith.addi %mul3A_22, %broadcast_in_dim3A_213 : vector<1x2048xi32>
    %swap3A_223 = arith.constant 8 : index
    %swap3A_224 = arith.constant 0 : index
    %swap3A_225 = vector.load %arg4[%swap3A_223, %swap3A_224] : memref<32x2048xi32, #tpu.memory_space<vmem>>, vector<1x2048xi32>
    tpu.vector_store %arg4[%swap3A_223, %swap3A_224], %add3A_222 {strides = array<i32>} : memref<32x2048xi32, #tpu.memory_space<vmem>>, vector<1x2048xi32>,
    %reduce_max3A_226 = arith.constant dense<0xFF800000> : vector<2048xf32>
    %reduce_max3A_227 = vector.multi_reduction <maximumf>, %select_n3A_218, %reduce_max3A_226 [0] : vector<200x2048xf32> to vector<2048xf32>
    %broadcast_in_dim3A_228 = vector.shape_cast %reduce_max3A_227 : vector<2048xf32> to vector<1x2048xf32>
    %eq3A_229 = vector.broadcast %broadcast_in_dim3A_228 : vector<1x2048xf32> to vector<200x2048xf32>
    %eq3A_230 = arith.cmpf oeq, %select_n3A_218, %eq3A_229 : vector<200x2048xf32>
    %jit3A_231 = arith.constant 1073741824 : i32
    %broadcast_in_dim3A_232 = vector.broadcast %jit3A_231 : i32 to vector<200x2048xi32>
    %select_n3A_233 = arith.select %eq3A_230, %iota3A, %broadcast_in_dim3A_232 : vector<200x2048xi1>, vector<200x2048xi32>
    %reduce_min3A_234 = arith.constant dense<2147483647> : vector<2048xi32>
    %reduce_min3A_235 = vector.multi_reduction <minsi>, %select_n3A_233, %reduce_min3A_234 [0] : vector<200x2048xi32> to vector<2048xi32>
    %broadcast_in_dim3A_236 = vector.shape_cast %reduce_min3A_235 : vector<2048xi32> to vector<1x2048xi32>
    %eq3A_237 = vector.broadcast %broadcast_in_dim3A_236 : vector<1x2048xi32> to vector<200x2048xi32>
    %eq3A_238 = arith.cmpi eq, %iota3A, %eq3A_237 : vector<200x2048xi32>
    %jit3A_239 = arith.constant 0xFF800000 : f32
    %broadcast_in_dim3A_240 = vector.broadcast %jit3A_239 : f32 to vector<200x2048xf32>
    %select_n3A_241 = arith.select %eq3A_238, %broadcast_in_dim3A_240, %select_n3A_218 : vector<200x2048xi1>, vector<200x2048xf32>
    %swap3A_242 = arith.constant 9 : index
    %swap3A_243 = arith.constant 0 : index
    %swap3A_244 = vector.load %arg3[%swap3A_242, %swap3A_243] : memref<32x2048xf32, #tpu.memory_space<vmem>>, vector<1x2048xf32>
    tpu.vector_store %arg3[%swap3A_242, %swap3A_243], %broadcast_in_dim3A_228 {strides = array<i32>} : memref<32x2048xf32, #tpu.memory_space<vmem>>, vector<1x2048xf32>,
    %add3A_245 = arith.addi %mul3A_22, %broadcast_in_dim3A_236 : vector<1x2048xi32>
    %swap3A_246 = arith.constant 9 : index
    %swap3A_247 = arith.constant 0 : index
    %swap3A_248 = vector.load %arg4[%swap3A_246, %swap3A_247] : memref<32x2048xi32, #tpu.memory_space<vmem>>, vector<1x2048xi32>
    tpu.vector_store %arg4[%swap3A_246, %swap3A_247], %add3A_245 {strides = array<i32>} : memref<32x2048xi32, #tpu.memory_space<vmem>>, vector<1x2048xi32>,
    %reduce_max3A_249 = arith.constant dense<0xFF800000> : vector<2048xf32>
    %reduce_max3A_250 = vector.multi_reduction <maximumf>, %select_n3A_241, %reduce_max3A_249 [0] : vector<200x2048xf32> to vector<2048xf32>
    %broadcast_in_dim3A_251 = vector.shape_cast %reduce_max3A_250 : vector<2048xf32> to vector<1x2048xf32>
    %eq3A_252 = vector.broadcast %broadcast_in_dim3A_251 : vector<1x2048xf32> to vector<200x2048xf32>
    %eq3A_253 = arith.cmpf oeq, %select_n3A_241, %eq3A_252 : vector<200x2048xf32>
    %jit3A_254 = arith.constant 1073741824 : i32
    %broadcast_in_dim3A_255 = vector.broadcast %jit3A_254 : i32 to vector<200x2048xi32>
    %select_n3A_256 = arith.select %eq3A_253, %iota3A, %broadcast_in_dim3A_255 : vector<200x2048xi1>, vector<200x2048xi32>
    %reduce_min3A_257 = arith.constant dense<2147483647> : vector<2048xi32>
    %reduce_min3A_258 = vector.multi_reduction <minsi>, %select_n3A_256, %reduce_min3A_257 [0] : vector<200x2048xi32> to vector<2048xi32>
    %broadcast_in_dim3A_259 = vector.shape_cast %reduce_min3A_258 : vector<2048xi32> to vector<1x2048xi32>
    %eq3A_260 = vector.broadcast %broadcast_in_dim3A_259 : vector<1x2048xi32> to vector<200x2048xi32>
    %eq3A_261 = arith.cmpi eq, %iota3A, %eq3A_260 : vector<200x2048xi32>
    %jit3A_262 = arith.constant 0xFF800000 : f32
    %broadcast_in_dim3A_263 = vector.broadcast %jit3A_262 : f32 to vector<200x2048xf32>
    %select_n3A_264 = arith.select %eq3A_261, %broadcast_in_dim3A_263, %select_n3A_241 : vector<200x2048xi1>, vector<200x2048xf32>
    %swap3A_265 = arith.constant 10 : index
    %swap3A_266 = arith.constant 0 : index
    %swap3A_267 = vector.load %arg3[%swap3A_265, %swap3A_266] : memref<32x2048xf32, #tpu.memory_space<vmem>>, vector<1x2048xf32>
    tpu.vector_store %arg3[%swap3A_265, %swap3A_266], %broadcast_in_dim3A_251 {strides = array<i32>} : memref<32x2048xf32, #tpu.memory_space<vmem>>, vector<1x2048xf32>,
    %add3A_268 = arith.addi %mul3A_22, %broadcast_in_dim3A_259 : vector<1x2048xi32>
    %swap3A_269 = arith.constant 10 : index
    %swap3A_270 = arith.constant 0 : index
    %swap3A_271 = vector.load %arg4[%swap3A_269, %swap3A_270] : memref<32x2048xi32, #tpu.memory_space<vmem>>, vector<1x2048xi32>
    tpu.vector_store %arg4[%swap3A_269, %swap3A_270], %add3A_268 {strides = array<i32>} : memref<32x2048xi32, #tpu.memory_space<vmem>>, vector<1x2048xi32>,
    %reduce_max3A_272 = arith.constant dense<0xFF800000> : vector<2048xf32>
    %reduce_max3A_273 = vector.multi_reduction <maximumf>, %select_n3A_264, %reduce_max3A_272 [0] : vector<200x2048xf32> to vector<2048xf32>
    %broadcast_in_dim3A_274 = vector.shape_cast %reduce_max3A_273 : vector<2048xf32> to vector<1x2048xf32>
    %eq3A_275 = vector.broadcast %broadcast_in_dim3A_274 : vector<1x2048xf32> to vector<200x2048xf32>
    %eq3A_276 = arith.cmpf oeq, %select_n3A_264, %eq3A_275 : vector<200x2048xf32>
    %jit3A_277 = arith.constant 1073741824 : i32
    %broadcast_in_dim3A_278 = vector.broadcast %jit3A_277 : i32 to vector<200x2048xi32>
    %select_n3A_279 = arith.select %eq3A_276, %iota3A, %broadcast_in_dim3A_278 : vector<200x2048xi1>, vector<200x2048xi32>
    %reduce_min3A_280 = arith.constant dense<2147483647> : vector<2048xi32>
    %reduce_min3A_281 = vector.multi_reduction <minsi>, %select_n3A_279, %reduce_min3A_280 [0] : vector<200x2048xi32> to vector<2048xi32>
    %broadcast_in_dim3A_282 = vector.shape_cast %reduce_min3A_281 : vector<2048xi32> to vector<1x2048xi32>
    %eq3A_283 = vector.broadcast %broadcast_in_dim3A_282 : vector<1x2048xi32> to vector<200x2048xi32>
    %eq3A_284 = arith.cmpi eq, %iota3A, %eq3A_283 : vector<200x2048xi32>
    %jit3A_285 = arith.constant 0xFF800000 : f32
    %broadcast_in_dim3A_286 = vector.broadcast %jit3A_285 : f32 to vector<200x2048xf32>
    %select_n3A_287 = arith.select %eq3A_284, %broadcast_in_dim3A_286, %select_n3A_264 : vector<200x2048xi1>, vector<200x2048xf32>
    %swap3A_288 = arith.constant 11 : index
    %swap3A_289 = arith.constant 0 : index
    %swap3A_290 = vector.load %arg3[%swap3A_288, %swap3A_289] : memref<32x2048xf32, #tpu.memory_space<vmem>>, vector<1x2048xf32>
    tpu.vector_store %arg3[%swap3A_288, %swap3A_289], %broadcast_in_dim3A_274 {strides = array<i32>} : memref<32x2048xf32, #tpu.memory_space<vmem>>, vector<1x2048xf32>,
    %add3A_291 = arith.addi %mul3A_22, %broadcast_in_dim3A_282 : vector<1x2048xi32>
    %swap3A_292 = arith.constant 11 : index
    %swap3A_293 = arith.constant 0 : index
    %swap3A_294 = vector.load %arg4[%swap3A_292, %swap3A_293] : memref<32x2048xi32, #tpu.memory_space<vmem>>, vector<1x2048xi32>
    tpu.vector_store %arg4[%swap3A_292, %swap3A_293], %add3A_291 {strides = array<i32>} : memref<32x2048xi32, #tpu.memory_space<vmem>>, vector<1x2048xi32>,
    %reduce_max3A_295 = arith.constant dense<0xFF800000> : vector<2048xf32>
    %reduce_max3A_296 = vector.multi_reduction <maximumf>, %select_n3A_287, %reduce_max3A_295 [0] : vector<200x2048xf32> to vector<2048xf32>
    %broadcast_in_dim3A_297 = vector.shape_cast %reduce_max3A_296 : vector<2048xf32> to vector<1x2048xf32>
    %eq3A_298 = vector.broadcast %broadcast_in_dim3A_297 : vector<1x2048xf32> to vector<200x2048xf32>
    %eq3A_299 = arith.cmpf oeq, %select_n3A_287, %eq3A_298 : vector<200x2048xf32>
    %jit3A_300 = arith.constant 1073741824 : i32
    %broadcast_in_dim3A_301 = vector.broadcast %jit3A_300 : i32 to vector<200x2048xi32>
    %select_n3A_302 = arith.select %eq3A_299, %iota3A, %broadcast_in_dim3A_301 : vector<200x2048xi1>, vector<200x2048xi32>
    %reduce_min3A_303 = arith.constant dense<2147483647> : vector<2048xi32>
    %reduce_min3A_304 = vector.multi_reduction <minsi>, %select_n3A_302, %reduce_min3A_303 [0] : vector<200x2048xi32> to vector<2048xi32>
    %broadcast_in_dim3A_305 = vector.shape_cast %reduce_min3A_304 : vector<2048xi32> to vector<1x2048xi32>
    %eq3A_306 = vector.broadcast %broadcast_in_dim3A_305 : vector<1x2048xi32> to vector<200x2048xi32>
    %eq3A_307 = arith.cmpi eq, %iota3A, %eq3A_306 : vector<200x2048xi32>
    %jit3A_308 = arith.constant 0xFF800000 : f32
    %broadcast_in_dim3A_309 = vector.broadcast %jit3A_308 : f32 to vector<200x2048xf32>
    %select_n3A_310 = arith.select %eq3A_307, %broadcast_in_dim3A_309, %select_n3A_287 : vector<200x2048xi1>, vector<200x2048xf32>
    %swap3A_311 = arith.constant 12 : index
    %swap3A_312 = arith.constant 0 : index
    %swap3A_313 = vector.load %arg3[%swap3A_311, %swap3A_312] : memref<32x2048xf32, #tpu.memory_space<vmem>>, vector<1x2048xf32>
    tpu.vector_store %arg3[%swap3A_311, %swap3A_312], %broadcast_in_dim3A_297 {strides = array<i32>} : memref<32x2048xf32, #tpu.memory_space<vmem>>, vector<1x2048xf32>,
    %add3A_314 = arith.addi %mul3A_22, %broadcast_in_dim3A_305 : vector<1x2048xi32>
    %swap3A_315 = arith.constant 12 : index
    %swap3A_316 = arith.constant 0 : index
    %swap3A_317 = vector.load %arg4[%swap3A_315, %swap3A_316] : memref<32x2048xi32, #tpu.memory_space<vmem>>, vector<1x2048xi32>
    tpu.vector_store %arg4[%swap3A_315, %swap3A_316], %add3A_314 {strides = array<i32>} : memref<32x2048xi32, #tpu.memory_space<vmem>>, vector<1x2048xi32>,
    %reduce_max3A_318 = arith.constant dense<0xFF800000> : vector<2048xf32>
    %reduce_max3A_319 = vector.multi_reduction <maximumf>, %select_n3A_310, %reduce_max3A_318 [0] : vector<200x2048xf32> to vector<2048xf32>
    %broadcast_in_dim3A_320 = vector.shape_cast %reduce_max3A_319 : vector<2048xf32> to vector<1x2048xf32>
    %eq3A_321 = vector.broadcast %broadcast_in_dim3A_320 : vector<1x2048xf32> to vector<200x2048xf32>
    %eq3A_322 = arith.cmpf oeq, %select_n3A_310, %eq3A_321 : vector<200x2048xf32>
    %jit3A_323 = arith.constant 1073741824 : i32
    %broadcast_in_dim3A_324 = vector.broadcast %jit3A_323 : i32 to vector<200x2048xi32>
    %select_n3A_325 = arith.select %eq3A_322, %iota3A, %broadcast_in_dim3A_324 : vector<200x2048xi1>, vector<200x2048xi32>
    %reduce_min3A_326 = arith.constant dense<2147483647> : vector<2048xi32>
    %reduce_min3A_327 = vector.multi_reduction <minsi>, %select_n3A_325, %reduce_min3A_326 [0] : vector<200x2048xi32> to vector<2048xi32>
    %broadcast_in_dim3A_328 = vector.shape_cast %reduce_min3A_327 : vector<2048xi32> to vector<1x2048xi32>
    %eq3A_329 = vector.broadcast %broadcast_in_dim3A_328 : vector<1x2048xi32> to vector<200x2048xi32>
    %eq3A_330 = arith.cmpi eq, %iota3A, %eq3A_329 : vector<200x2048xi32>
    %jit3A_331 = arith.constant 0xFF800000 : f32
    %broadcast_in_dim3A_332 = vector.broadcast %jit3A_331 : f32 to vector<200x2048xf32>
    %select_n3A_333 = arith.select %eq3A_330, %broadcast_in_dim3A_332, %select_n3A_310 : vector<200x2048xi1>, vector<200x2048xf32>
    %swap3A_334 = arith.constant 13 : index
    %swap3A_335 = arith.constant 0 : index
    %swap3A_336 = vector.load %arg3[%swap3A_334, %swap3A_335] : memref<32x2048xf32, #tpu.memory_space<vmem>>, vector<1x2048xf32>
    tpu.vector_store %arg3[%swap3A_334, %swap3A_335], %broadcast_in_dim3A_320 {strides = array<i32>} : memref<32x2048xf32, #tpu.memory_space<vmem>>, vector<1x2048xf32>,
    %add3A_337 = arith.addi %mul3A_22, %broadcast_in_dim3A_328 : vector<1x2048xi32>
    %swap3A_338 = arith.constant 13 : index
    %swap3A_339 = arith.constant 0 : index
    %swap3A_340 = vector.load %arg4[%swap3A_338, %swap3A_339] : memref<32x2048xi32, #tpu.memory_space<vmem>>, vector<1x2048xi32>
    tpu.vector_store %arg4[%swap3A_338, %swap3A_339], %add3A_337 {strides = array<i32>} : memref<32x2048xi32, #tpu.memory_space<vmem>>, vector<1x2048xi32>,
    %reduce_max3A_341 = arith.constant dense<0xFF800000> : vector<2048xf32>
    %reduce_max3A_342 = vector.multi_reduction <maximumf>, %select_n3A_333, %reduce_max3A_341 [0] : vector<200x2048xf32> to vector<2048xf32>
    %broadcast_in_dim3A_343 = vector.shape_cast %reduce_max3A_342 : vector<2048xf32> to vector<1x2048xf32>
    %eq3A_344 = vector.broadcast %broadcast_in_dim3A_343 : vector<1x2048xf32> to vector<200x2048xf32>
    %eq3A_345 = arith.cmpf oeq, %select_n3A_333, %eq3A_344 : vector<200x2048xf32>
    %jit3A_346 = arith.constant 1073741824 : i32
    %broadcast_in_dim3A_347 = vector.broadcast %jit3A_346 : i32 to vector<200x2048xi32>
    %select_n3A_348 = arith.select %eq3A_345, %iota3A, %broadcast_in_dim3A_347 : vector<200x2048xi1>, vector<200x2048xi32>
    %reduce_min3A_349 = arith.constant dense<2147483647> : vector<2048xi32>
    %reduce_min3A_350 = vector.multi_reduction <minsi>, %select_n3A_348, %reduce_min3A_349 [0] : vector<200x2048xi32> to vector<2048xi32>
    %broadcast_in_dim3A_351 = vector.shape_cast %reduce_min3A_350 : vector<2048xi32> to vector<1x2048xi32>
    %eq3A_352 = vector.broadcast %broadcast_in_dim3A_351 : vector<1x2048xi32> to vector<200x2048xi32>
    %eq3A_353 = arith.cmpi eq, %iota3A, %eq3A_352 : vector<200x2048xi32>
    %jit3A_354 = arith.constant 0xFF800000 : f32
    %broadcast_in_dim3A_355 = vector.broadcast %jit3A_354 : f32 to vector<200x2048xf32>
    %select_n3A_356 = arith.select %eq3A_353, %broadcast_in_dim3A_355, %select_n3A_333 : vector<200x2048xi1>, vector<200x2048xf32>
    %swap3A_357 = arith.constant 14 : index
    %swap3A_358 = arith.constant 0 : index
    %swap3A_359 = vector.load %arg3[%swap3A_357, %swap3A_358] : memref<32x2048xf32, #tpu.memory_space<vmem>>, vector<1x2048xf32>
    tpu.vector_store %arg3[%swap3A_357, %swap3A_358], %broadcast_in_dim3A_343 {strides = array<i32>} : memref<32x2048xf32, #tpu.memory_space<vmem>>, vector<1x2048xf32>,
    %add3A_360 = arith.addi %mul3A_22, %broadcast_in_dim3A_351 : vector<1x2048xi32>
    %swap3A_361 = arith.constant 14 : index
    %swap3A_362 = arith.constant 0 : index
    %swap3A_363 = vector.load %arg4[%swap3A_361, %swap3A_362] : memref<32x2048xi32, #tpu.memory_space<vmem>>, vector<1x2048xi32>
    tpu.vector_store %arg4[%swap3A_361, %swap3A_362], %add3A_360 {strides = array<i32>} : memref<32x2048xi32, #tpu.memory_space<vmem>>, vector<1x2048xi32>,
    %reduce_max3A_364 = arith.constant dense<0xFF800000> : vector<2048xf32>
    %reduce_max3A_365 = vector.multi_reduction <maximumf>, %select_n3A_356, %reduce_max3A_364 [0] : vector<200x2048xf32> to vector<2048xf32>
    %broadcast_in_dim3A_366 = vector.shape_cast %reduce_max3A_365 : vector<2048xf32> to vector<1x2048xf32>
    %eq3A_367 = vector.broadcast %broadcast_in_dim3A_366 : vector<1x2048xf32> to vector<200x2048xf32>
    %eq3A_368 = arith.cmpf oeq, %select_n3A_356, %eq3A_367 : vector<200x2048xf32>
    %jit3A_369 = arith.constant 1073741824 : i32
    %broadcast_in_dim3A_370 = vector.broadcast %jit3A_369 : i32 to vector<200x2048xi32>
    %select_n3A_371 = arith.select %eq3A_368, %iota3A, %broadcast_in_dim3A_370 : vector<200x2048xi1>, vector<200x2048xi32>
    %reduce_min3A_372 = arith.constant dense<2147483647> : vector<2048xi32>
    %reduce_min3A_373 = vector.multi_reduction <minsi>, %select_n3A_371, %reduce_min3A_372 [0] : vector<200x2048xi32> to vector<2048xi32>
    %broadcast_in_dim3A_374 = vector.shape_cast %reduce_min3A_373 : vector<2048xi32> to vector<1x2048xi32>
    %eq3A_375 = vector.broadcast %broadcast_in_dim3A_374 : vector<1x2048xi32> to vector<200x2048xi32>
    %eq3A_376 = arith.cmpi eq, %iota3A, %eq3A_375 : vector<200x2048xi32>
    %jit3A_377 = arith.constant 0xFF800000 : f32
    %broadcast_in_dim3A_378 = vector.broadcast %jit3A_377 : f32 to vector<200x2048xf32>
    %select_n3A_379 = arith.select %eq3A_376, %broadcast_in_dim3A_378, %select_n3A_356 : vector<200x2048xi1>, vector<200x2048xf32>
    %swap3A_380 = arith.constant 15 : index
    %swap3A_381 = arith.constant 0 : index
    %swap3A_382 = vector.load %arg3[%swap3A_380, %swap3A_381] : memref<32x2048xf32, #tpu.memory_space<vmem>>, vector<1x2048xf32>
    tpu.vector_store %arg3[%swap3A_380, %swap3A_381], %broadcast_in_dim3A_366 {strides = array<i32>} : memref<32x2048xf32, #tpu.memory_space<vmem>>, vector<1x2048xf32>,
    %add3A_383 = arith.addi %mul3A_22, %broadcast_in_dim3A_374 : vector<1x2048xi32>
    %swap3A_384 = arith.constant 15 : index
    %swap3A_385 = arith.constant 0 : index
    %swap3A_386 = vector.load %arg4[%swap3A_384, %swap3A_385] : memref<32x2048xi32, #tpu.memory_space<vmem>>, vector<1x2048xi32>
    tpu.vector_store %arg4[%swap3A_384, %swap3A_385], %add3A_383 {strides = array<i32>} : memref<32x2048xi32, #tpu.memory_space<vmem>>, vector<1x2048xi32>,
    %reduce_max3A_387 = arith.constant dense<0xFF800000> : vector<2048xf32>
    %reduce_max3A_388 = vector.multi_reduction <maximumf>, %select_n3A_379, %reduce_max3A_387 [0] : vector<200x2048xf32> to vector<2048xf32>
    %broadcast_in_dim3A_389 = vector.shape_cast %reduce_max3A_388 : vector<2048xf32> to vector<1x2048xf32>
    %eq3A_390 = vector.broadcast %broadcast_in_dim3A_389 : vector<1x2048xf32> to vector<200x2048xf32>
    %eq3A_391 = arith.cmpf oeq, %select_n3A_379, %eq3A_390 : vector<200x2048xf32>
    %jit3A_392 = arith.constant 1073741824 : i32
    %broadcast_in_dim3A_393 = vector.broadcast %jit3A_392 : i32 to vector<200x2048xi32>
    %select_n3A_394 = arith.select %eq3A_391, %iota3A, %broadcast_in_dim3A_393 : vector<200x2048xi1>, vector<200x2048xi32>
    %reduce_min3A_395 = arith.constant dense<2147483647> : vector<2048xi32>
    %reduce_min3A_396 = vector.multi_reduction <minsi>, %select_n3A_394, %reduce_min3A_395 [0] : vector<200x2048xi32> to vector<2048xi32>
    %broadcast_in_dim3A_397 = vector.shape_cast %reduce_min3A_396 : vector<2048xi32> to vector<1x2048xi32>
    %eq3A_398 = vector.broadcast %broadcast_in_dim3A_397 : vector<1x2048xi32> to vector<200x2048xi32>
    %eq3A_399 = arith.cmpi eq, %iota3A, %eq3A_398 : vector<200x2048xi32>
    %jit3A_400 = arith.constant 0xFF800000 : f32
    %broadcast_in_dim3A_401 = vector.broadcast %jit3A_400 : f32 to vector<200x2048xf32>
    %select_n3A_402 = arith.select %eq3A_399, %broadcast_in_dim3A_401, %select_n3A_379 : vector<200x2048xi1>, vector<200x2048xf32>
    %swap3A_403 = arith.constant 16 : index
    %swap3A_404 = arith.constant 0 : index
    %swap3A_405 = vector.load %arg3[%swap3A_403, %swap3A_404] : memref<32x2048xf32, #tpu.memory_space<vmem>>, vector<1x2048xf32>
    tpu.vector_store %arg3[%swap3A_403, %swap3A_404], %broadcast_in_dim3A_389 {strides = array<i32>} : memref<32x2048xf32, #tpu.memory_space<vmem>>, vector<1x2048xf32>,
    %add3A_406 = arith.addi %mul3A_22, %broadcast_in_dim3A_397 : vector<1x2048xi32>
    %swap3A_407 = arith.constant 16 : index
    %swap3A_408 = arith.constant 0 : index
    %swap3A_409 = vector.load %arg4[%swap3A_407, %swap3A_408] : memref<32x2048xi32, #tpu.memory_space<vmem>>, vector<1x2048xi32>
    tpu.vector_store %arg4[%swap3A_407, %swap3A_408], %add3A_406 {strides = array<i32>} : memref<32x2048xi32, #tpu.memory_space<vmem>>, vector<1x2048xi32>,
    %reduce_max3A_410 = arith.constant dense<0xFF800000> : vector<2048xf32>
    %reduce_max3A_411 = vector.multi_reduction <maximumf>, %select_n3A_402, %reduce_max3A_410 [0] : vector<200x2048xf32> to vector<2048xf32>
    %broadcast_in_dim3A_412 = vector.shape_cast %reduce_max3A_411 : vector<2048xf32> to vector<1x2048xf32>
    %eq3A_413 = vector.broadcast %broadcast_in_dim3A_412 : vector<1x2048xf32> to vector<200x2048xf32>
    %eq3A_414 = arith.cmpf oeq, %select_n3A_402, %eq3A_413 : vector<200x2048xf32>
    %jit3A_415 = arith.constant 1073741824 : i32
    %broadcast_in_dim3A_416 = vector.broadcast %jit3A_415 : i32 to vector<200x2048xi32>
    %select_n3A_417 = arith.select %eq3A_414, %iota3A, %broadcast_in_dim3A_416 : vector<200x2048xi1>, vector<200x2048xi32>
    %reduce_min3A_418 = arith.constant dense<2147483647> : vector<2048xi32>
    %reduce_min3A_419 = vector.multi_reduction <minsi>, %select_n3A_417, %reduce_min3A_418 [0] : vector<200x2048xi32> to vector<2048xi32>
    %broadcast_in_dim3A_420 = vector.shape_cast %reduce_min3A_419 : vector<2048xi32> to vector<1x2048xi32>
    %eq3A_421 = vector.broadcast %broadcast_in_dim3A_420 : vector<1x2048xi32> to vector<200x2048xi32>
    %eq3A_422 = arith.cmpi eq, %iota3A, %eq3A_421 : vector<200x2048xi32>
    %jit3A_423 = arith.constant 0xFF800000 : f32
    %broadcast_in_dim3A_424 = vector.broadcast %jit3A_423 : f32 to vector<200x2048xf32>
    %select_n3A_425 = arith.select %eq3A_422, %broadcast_in_dim3A_424, %select_n3A_402 : vector<200x2048xi1>, vector<200x2048xf32>
    %swap3A_426 = arith.constant 17 : index
    %swap3A_427 = arith.constant 0 : index
    %swap3A_428 = vector.load %arg3[%swap3A_426, %swap3A_427] : memref<32x2048xf32, #tpu.memory_space<vmem>>, vector<1x2048xf32>
    tpu.vector_store %arg3[%swap3A_426, %swap3A_427], %broadcast_in_dim3A_412 {strides = array<i32>} : memref<32x2048xf32, #tpu.memory_space<vmem>>, vector<1x2048xf32>,
    %add3A_429 = arith.addi %mul3A_22, %broadcast_in_dim3A_420 : vector<1x2048xi32>
    %swap3A_430 = arith.constant 17 : index
    %swap3A_431 = arith.constant 0 : index
    %swap3A_432 = vector.load %arg4[%swap3A_430, %swap3A_431] : memref<32x2048xi32, #tpu.memory_space<vmem>>, vector<1x2048xi32>
    tpu.vector_store %arg4[%swap3A_430, %swap3A_431], %add3A_429 {strides = array<i32>} : memref<32x2048xi32, #tpu.memory_space<vmem>>, vector<1x2048xi32>,
    %reduce_max3A_433 = arith.constant dense<0xFF800000> : vector<2048xf32>
    %reduce_max3A_434 = vector.multi_reduction <maximumf>, %select_n3A_425, %reduce_max3A_433 [0] : vector<200x2048xf32> to vector<2048xf32>
    %broadcast_in_dim3A_435 = vector.shape_cast %reduce_max3A_434 : vector<2048xf32> to vector<1x2048xf32>
    %eq3A_436 = vector.broadcast %broadcast_in_dim3A_435 : vector<1x2048xf32> to vector<200x2048xf32>
    %eq3A_437 = arith.cmpf oeq, %select_n3A_425, %eq3A_436 : vector<200x2048xf32>
    %jit3A_438 = arith.constant 1073741824 : i32
    %broadcast_in_dim3A_439 = vector.broadcast %jit3A_438 : i32 to vector<200x2048xi32>
    %select_n3A_440 = arith.select %eq3A_437, %iota3A, %broadcast_in_dim3A_439 : vector<200x2048xi1>, vector<200x2048xi32>
    %reduce_min3A_441 = arith.constant dense<2147483647> : vector<2048xi32>
    %reduce_min3A_442 = vector.multi_reduction <minsi>, %select_n3A_440, %reduce_min3A_441 [0] : vector<200x2048xi32> to vector<2048xi32>
    %broadcast_in_dim3A_443 = vector.shape_cast %reduce_min3A_442 : vector<2048xi32> to vector<1x2048xi32>
    %eq3A_444 = vector.broadcast %broadcast_in_dim3A_443 : vector<1x2048xi32> to vector<200x2048xi32>
    %eq3A_445 = arith.cmpi eq, %iota3A, %eq3A_444 : vector<200x2048xi32>
    %jit3A_446 = arith.constant 0xFF800000 : f32
    %broadcast_in_dim3A_447 = vector.broadcast %jit3A_446 : f32 to vector<200x2048xf32>
    %select_n3A_448 = arith.select %eq3A_445, %broadcast_in_dim3A_447, %select_n3A_425 : vector<200x2048xi1>, vector<200x2048xf32>
    %swap3A_449 = arith.constant 18 : index
    %swap3A_450 = arith.constant 0 : index
    %swap3A_451 = vector.load %arg3[%swap3A_449, %swap3A_450] : memref<32x2048xf32, #tpu.memory_space<vmem>>, vector<1x2048xf32>
    tpu.vector_store %arg3[%swap3A_449, %swap3A_450], %broadcast_in_dim3A_435 {strides = array<i32>} : memref<32x2048xf32, #tpu.memory_space<vmem>>, vector<1x2048xf32>,
    %add3A_452 = arith.addi %mul3A_22, %broadcast_in_dim3A_443 : vector<1x2048xi32>
    %swap3A_453 = arith.constant 18 : index
    %swap3A_454 = arith.constant 0 : index
    %swap3A_455 = vector.load %arg4[%swap3A_453, %swap3A_454] : memref<32x2048xi32, #tpu.memory_space<vmem>>, vector<1x2048xi32>
    tpu.vector_store %arg4[%swap3A_453, %swap3A_454], %add3A_452 {strides = array<i32>} : memref<32x2048xi32, #tpu.memory_space<vmem>>, vector<1x2048xi32>,
    %reduce_max3A_456 = arith.constant dense<0xFF800000> : vector<2048xf32>
    %reduce_max3A_457 = vector.multi_reduction <maximumf>, %select_n3A_448, %reduce_max3A_456 [0] : vector<200x2048xf32> to vector<2048xf32>
    %broadcast_in_dim3A_458 = vector.shape_cast %reduce_max3A_457 : vector<2048xf32> to vector<1x2048xf32>
    %eq3A_459 = vector.broadcast %broadcast_in_dim3A_458 : vector<1x2048xf32> to vector<200x2048xf32>
    %eq3A_460 = arith.cmpf oeq, %select_n3A_448, %eq3A_459 : vector<200x2048xf32>
    %jit3A_461 = arith.constant 1073741824 : i32
    %broadcast_in_dim3A_462 = vector.broadcast %jit3A_461 : i32 to vector<200x2048xi32>
    %select_n3A_463 = arith.select %eq3A_460, %iota3A, %broadcast_in_dim3A_462 : vector<200x2048xi1>, vector<200x2048xi32>
    %reduce_min3A_464 = arith.constant dense<2147483647> : vector<2048xi32>
    %reduce_min3A_465 = vector.multi_reduction <minsi>, %select_n3A_463, %reduce_min3A_464 [0] : vector<200x2048xi32> to vector<2048xi32>
    %broadcast_in_dim3A_466 = vector.shape_cast %reduce_min3A_465 : vector<2048xi32> to vector<1x2048xi32>
    %eq3A_467 = vector.broadcast %broadcast_in_dim3A_466 : vector<1x2048xi32> to vector<200x2048xi32>
    %eq3A_468 = arith.cmpi eq, %iota3A, %eq3A_467 : vector<200x2048xi32>
    %jit3A_469 = arith.constant 0xFF800000 : f32
    %broadcast_in_dim3A_470 = vector.broadcast %jit3A_469 : f32 to vector<200x2048xf32>
    %select_n3A_471 = arith.select %eq3A_468, %broadcast_in_dim3A_470, %select_n3A_448 : vector<200x2048xi1>, vector<200x2048xf32>
    %swap3A_472 = arith.constant 19 : index
    %swap3A_473 = arith.constant 0 : index
    %swap3A_474 = vector.load %arg3[%swap3A_472, %swap3A_473] : memref<32x2048xf32, #tpu.memory_space<vmem>>, vector<1x2048xf32>
    tpu.vector_store %arg3[%swap3A_472, %swap3A_473], %broadcast_in_dim3A_458 {strides = array<i32>} : memref<32x2048xf32, #tpu.memory_space<vmem>>, vector<1x2048xf32>,
    %add3A_475 = arith.addi %mul3A_22, %broadcast_in_dim3A_466 : vector<1x2048xi32>
    %swap3A_476 = arith.constant 19 : index
    %swap3A_477 = arith.constant 0 : index
    %swap3A_478 = vector.load %arg4[%swap3A_476, %swap3A_477] : memref<32x2048xi32, #tpu.memory_space<vmem>>, vector<1x2048xi32>
    tpu.vector_store %arg4[%swap3A_476, %swap3A_477], %add3A_475 {strides = array<i32>} : memref<32x2048xi32, #tpu.memory_space<vmem>>, vector<1x2048xi32>,
    %reduce_max3A_479 = arith.constant dense<0xFF800000> : vector<2048xf32>
    %reduce_max3A_480 = vector.multi_reduction <maximumf>, %select_n3A_471, %reduce_max3A_479 [0] : vector<200x2048xf32> to vector<2048xf32>
    %broadcast_in_dim3A_481 = vector.shape_cast %reduce_max3A_480 : vector<2048xf32> to vector<1x2048xf32>
    %eq3A_482 = vector.broadcast %broadcast_in_dim3A_481 : vector<1x2048xf32> to vector<200x2048xf32>
    %eq3A_483 = arith.cmpf oeq, %select_n3A_471, %eq3A_482 : vector<200x2048xf32>
    %jit3A_484 = arith.constant 1073741824 : i32
    %broadcast_in_dim3A_485 = vector.broadcast %jit3A_484 : i32 to vector<200x2048xi32>
    %select_n3A_486 = arith.select %eq3A_483, %iota3A, %broadcast_in_dim3A_485 : vector<200x2048xi1>, vector<200x2048xi32>
    %reduce_min3A_487 = arith.constant dense<2147483647> : vector<2048xi32>
    %reduce_min3A_488 = vector.multi_reduction <minsi>, %select_n3A_486, %reduce_min3A_487 [0] : vector<200x2048xi32> to vector<2048xi32>
    %broadcast_in_dim3A_489 = vector.shape_cast %reduce_min3A_488 : vector<2048xi32> to vector<1x2048xi32>
    %eq3A_490 = vector.broadcast %broadcast_in_dim3A_489 : vector<1x2048xi32> to vector<200x2048xi32>
    %eq3A_491 = arith.cmpi eq, %iota3A, %eq3A_490 : vector<200x2048xi32>
    %jit3A_492 = arith.constant 0xFF800000 : f32
    %broadcast_in_dim3A_493 = vector.broadcast %jit3A_492 : f32 to vector<200x2048xf32>
    %select_n3A_494 = arith.select %eq3A_491, %broadcast_in_dim3A_493, %select_n3A_471 : vector<200x2048xi1>, vector<200x2048xf32>
    %swap3A_495 = arith.constant 20 : index
    %swap3A_496 = arith.constant 0 : index
    %swap3A_497 = vector.load %arg3[%swap3A_495, %swap3A_496] : memref<32x2048xf32, #tpu.memory_space<vmem>>, vector<1x2048xf32>
    tpu.vector_store %arg3[%swap3A_495, %swap3A_496], %broadcast_in_dim3A_481 {strides = array<i32>} : memref<32x2048xf32, #tpu.memory_space<vmem>>, vector<1x2048xf32>,
    %add3A_498 = arith.addi %mul3A_22, %broadcast_in_dim3A_489 : vector<1x2048xi32>
    %swap3A_499 = arith.constant 20 : index
    %swap3A_500 = arith.constant 0 : index
    %swap3A_501 = vector.load %arg4[%swap3A_499, %swap3A_500] : memref<32x2048xi32, #tpu.memory_space<vmem>>, vector<1x2048xi32>
    tpu.vector_store %arg4[%swap3A_499, %swap3A_500], %add3A_498 {strides = array<i32>} : memref<32x2048xi32, #tpu.memory_space<vmem>>, vector<1x2048xi32>,
    %reduce_max3A_502 = arith.constant dense<0xFF800000> : vector<2048xf32>
    %reduce_max3A_503 = vector.multi_reduction <maximumf>, %select_n3A_494, %reduce_max3A_502 [0] : vector<200x2048xf32> to vector<2048xf32>
    %broadcast_in_dim3A_504 = vector.shape_cast %reduce_max3A_503 : vector<2048xf32> to vector<1x2048xf32>
    %eq3A_505 = vector.broadcast %broadcast_in_dim3A_504 : vector<1x2048xf32> to vector<200x2048xf32>
    %eq3A_506 = arith.cmpf oeq, %select_n3A_494, %eq3A_505 : vector<200x2048xf32>
    %jit3A_507 = arith.constant 1073741824 : i32
    %broadcast_in_dim3A_508 = vector.broadcast %jit3A_507 : i32 to vector<200x2048xi32>
    %select_n3A_509 = arith.select %eq3A_506, %iota3A, %broadcast_in_dim3A_508 : vector<200x2048xi1>, vector<200x2048xi32>
    %reduce_min3A_510 = arith.constant dense<2147483647> : vector<2048xi32>
    %reduce_min3A_511 = vector.multi_reduction <minsi>, %select_n3A_509, %reduce_min3A_510 [0] : vector<200x2048xi32> to vector<2048xi32>
    %broadcast_in_dim3A_512 = vector.shape_cast %reduce_min3A_511 : vector<2048xi32> to vector<1x2048xi32>
    %eq3A_513 = vector.broadcast %broadcast_in_dim3A_512 : vector<1x2048xi32> to vector<200x2048xi32>
    %eq3A_514 = arith.cmpi eq, %iota3A, %eq3A_513 : vector<200x2048xi32>
    %jit3A_515 = arith.constant 0xFF800000 : f32
    %broadcast_in_dim3A_516 = vector.broadcast %jit3A_515 : f32 to vector<200x2048xf32>
    %select_n3A_517 = arith.select %eq3A_514, %broadcast_in_dim3A_516, %select_n3A_494 : vector<200x2048xi1>, vector<200x2048xf32>
    %swap3A_518 = arith.constant 21 : index
    %swap3A_519 = arith.constant 0 : index
    %swap3A_520 = vector.load %arg3[%swap3A_518, %swap3A_519] : memref<32x2048xf32, #tpu.memory_space<vmem>>, vector<1x2048xf32>
    tpu.vector_store %arg3[%swap3A_518, %swap3A_519], %broadcast_in_dim3A_504 {strides = array<i32>} : memref<32x2048xf32, #tpu.memory_space<vmem>>, vector<1x2048xf32>,
    %add3A_521 = arith.addi %mul3A_22, %broadcast_in_dim3A_512 : vector<1x2048xi32>
    %swap3A_522 = arith.constant 21 : index
    %swap3A_523 = arith.constant 0 : index
    %swap3A_524 = vector.load %arg4[%swap3A_522, %swap3A_523] : memref<32x2048xi32, #tpu.memory_space<vmem>>, vector<1x2048xi32>
    tpu.vector_store %arg4[%swap3A_522, %swap3A_523], %add3A_521 {strides = array<i32>} : memref<32x2048xi32, #tpu.memory_space<vmem>>, vector<1x2048xi32>,
    %reduce_max3A_525 = arith.constant dense<0xFF800000> : vector<2048xf32>
    %reduce_max3A_526 = vector.multi_reduction <maximumf>, %select_n3A_517, %reduce_max3A_525 [0] : vector<200x2048xf32> to vector<2048xf32>
    %broadcast_in_dim3A_527 = vector.shape_cast %reduce_max3A_526 : vector<2048xf32> to vector<1x2048xf32>
    %eq3A_528 = vector.broadcast %broadcast_in_dim3A_527 : vector<1x2048xf32> to vector<200x2048xf32>
    %eq3A_529 = arith.cmpf oeq, %select_n3A_517, %eq3A_528 : vector<200x2048xf32>
    %jit3A_530 = arith.constant 1073741824 : i32
    %broadcast_in_dim3A_531 = vector.broadcast %jit3A_530 : i32 to vector<200x2048xi32>
    %select_n3A_532 = arith.select %eq3A_529, %iota3A, %broadcast_in_dim3A_531 : vector<200x2048xi1>, vector<200x2048xi32>
    %reduce_min3A_533 = arith.constant dense<2147483647> : vector<2048xi32>
    %reduce_min3A_534 = vector.multi_reduction <minsi>, %select_n3A_532, %reduce_min3A_533 [0] : vector<200x2048xi32> to vector<2048xi32>
    %broadcast_in_dim3A_535 = vector.shape_cast %reduce_min3A_534 : vector<2048xi32> to vector<1x2048xi32>
    %eq3A_536 = vector.broadcast %broadcast_in_dim3A_535 : vector<1x2048xi32> to vector<200x2048xi32>
    %eq3A_537 = arith.cmpi eq, %iota3A, %eq3A_536 : vector<200x2048xi32>
    %jit3A_538 = arith.constant 0xFF800000 : f32
    %broadcast_in_dim3A_539 = vector.broadcast %jit3A_538 : f32 to vector<200x2048xf32>
    %select_n3A_540 = arith.select %eq3A_537, %broadcast_in_dim3A_539, %select_n3A_517 : vector<200x2048xi1>, vector<200x2048xf32>
    %swap3A_541 = arith.constant 22 : index
    %swap3A_542 = arith.constant 0 : index
    %swap3A_543 = vector.load %arg3[%swap3A_541, %swap3A_542] : memref<32x2048xf32, #tpu.memory_space<vmem>>, vector<1x2048xf32>
    tpu.vector_store %arg3[%swap3A_541, %swap3A_542], %broadcast_in_dim3A_527 {strides = array<i32>} : memref<32x2048xf32, #tpu.memory_space<vmem>>, vector<1x2048xf32>,
    %add3A_544 = arith.addi %mul3A_22, %broadcast_in_dim3A_535 : vector<1x2048xi32>
    %swap3A_545 = arith.constant 22 : index
    %swap3A_546 = arith.constant 0 : index
    %swap3A_547 = vector.load %arg4[%swap3A_545, %swap3A_546] : memref<32x2048xi32, #tpu.memory_space<vmem>>, vector<1x2048xi32>
    tpu.vector_store %arg4[%swap3A_545, %swap3A_546], %add3A_544 {strides = array<i32>} : memref<32x2048xi32, #tpu.memory_space<vmem>>, vector<1x2048xi32>,
    %reduce_max3A_548 = arith.constant dense<0xFF800000> : vector<2048xf32>
    %reduce_max3A_549 = vector.multi_reduction <maximumf>, %select_n3A_540, %reduce_max3A_548 [0] : vector<200x2048xf32> to vector<2048xf32>
    %broadcast_in_dim3A_550 = vector.shape_cast %reduce_max3A_549 : vector<2048xf32> to vector<1x2048xf32>
    %eq3A_551 = vector.broadcast %broadcast_in_dim3A_550 : vector<1x2048xf32> to vector<200x2048xf32>
    %eq3A_552 = arith.cmpf oeq, %select_n3A_540, %eq3A_551 : vector<200x2048xf32>
    %jit3A_553 = arith.constant 1073741824 : i32
    %broadcast_in_dim3A_554 = vector.broadcast %jit3A_553 : i32 to vector<200x2048xi32>
    %select_n3A_555 = arith.select %eq3A_552, %iota3A, %broadcast_in_dim3A_554 : vector<200x2048xi1>, vector<200x2048xi32>
    %reduce_min3A_556 = arith.constant dense<2147483647> : vector<2048xi32>
    %reduce_min3A_557 = vector.multi_reduction <minsi>, %select_n3A_555, %reduce_min3A_556 [0] : vector<200x2048xi32> to vector<2048xi32>
    %broadcast_in_dim3A_558 = vector.shape_cast %reduce_min3A_557 : vector<2048xi32> to vector<1x2048xi32>
    %eq3A_559 = vector.broadcast %broadcast_in_dim3A_558 : vector<1x2048xi32> to vector<200x2048xi32>
    %eq3A_560 = arith.cmpi eq, %iota3A, %eq3A_559 : vector<200x2048xi32>
    %jit3A_561 = arith.constant 0xFF800000 : f32
    %broadcast_in_dim3A_562 = vector.broadcast %jit3A_561 : f32 to vector<200x2048xf32>
    %select_n3A_563 = arith.select %eq3A_560, %broadcast_in_dim3A_562, %select_n3A_540 : vector<200x2048xi1>, vector<200x2048xf32>
    %swap3A_564 = arith.constant 23 : index
    %swap3A_565 = arith.constant 0 : index
    %swap3A_566 = vector.load %arg3[%swap3A_564, %swap3A_565] : memref<32x2048xf32, #tpu.memory_space<vmem>>, vector<1x2048xf32>
    tpu.vector_store %arg3[%swap3A_564, %swap3A_565], %broadcast_in_dim3A_550 {strides = array<i32>} : memref<32x2048xf32, #tpu.memory_space<vmem>>, vector<1x2048xf32>,
    %add3A_567 = arith.addi %mul3A_22, %broadcast_in_dim3A_558 : vector<1x2048xi32>
    %swap3A_568 = arith.constant 23 : index
    %swap3A_569 = arith.constant 0 : index
    %swap3A_570 = vector.load %arg4[%swap3A_568, %swap3A_569] : memref<32x2048xi32, #tpu.memory_space<vmem>>, vector<1x2048xi32>
    tpu.vector_store %arg4[%swap3A_568, %swap3A_569], %add3A_567 {strides = array<i32>} : memref<32x2048xi32, #tpu.memory_space<vmem>>, vector<1x2048xi32>,
    %reduce_max3A_571 = arith.constant dense<0xFF800000> : vector<2048xf32>
    %reduce_max3A_572 = vector.multi_reduction <maximumf>, %select_n3A_563, %reduce_max3A_571 [0] : vector<200x2048xf32> to vector<2048xf32>
    %broadcast_in_dim3A_573 = vector.shape_cast %reduce_max3A_572 : vector<2048xf32> to vector<1x2048xf32>
    %eq3A_574 = vector.broadcast %broadcast_in_dim3A_573 : vector<1x2048xf32> to vector<200x2048xf32>
    %eq3A_575 = arith.cmpf oeq, %select_n3A_563, %eq3A_574 : vector<200x2048xf32>
    %jit3A_576 = arith.constant 1073741824 : i32
    %broadcast_in_dim3A_577 = vector.broadcast %jit3A_576 : i32 to vector<200x2048xi32>
    %select_n3A_578 = arith.select %eq3A_575, %iota3A, %broadcast_in_dim3A_577 : vector<200x2048xi1>, vector<200x2048xi32>
    %reduce_min3A_579 = arith.constant dense<2147483647> : vector<2048xi32>
    %reduce_min3A_580 = vector.multi_reduction <minsi>, %select_n3A_578, %reduce_min3A_579 [0] : vector<200x2048xi32> to vector<2048xi32>
    %broadcast_in_dim3A_581 = vector.shape_cast %reduce_min3A_580 : vector<2048xi32> to vector<1x2048xi32>
    %eq3A_582 = vector.broadcast %broadcast_in_dim3A_581 : vector<1x2048xi32> to vector<200x2048xi32>
    %eq3A_583 = arith.cmpi eq, %iota3A, %eq3A_582 : vector<200x2048xi32>
    %jit3A_584 = arith.constant 0xFF800000 : f32
    %broadcast_in_dim3A_585 = vector.broadcast %jit3A_584 : f32 to vector<200x2048xf32>
    %select_n3A_586 = arith.select %eq3A_583, %broadcast_in_dim3A_585, %select_n3A_563 : vector<200x2048xi1>, vector<200x2048xf32>
    %swap3A_587 = arith.constant 24 : index
    %swap3A_588 = arith.constant 0 : index
    %swap3A_589 = vector.load %arg3[%swap3A_587, %swap3A_588] : memref<32x2048xf32, #tpu.memory_space<vmem>>, vector<1x2048xf32>
    tpu.vector_store %arg3[%swap3A_587, %swap3A_588], %broadcast_in_dim3A_573 {strides = array<i32>} : memref<32x2048xf32, #tpu.memory_space<vmem>>, vector<1x2048xf32>,
    %add3A_590 = arith.addi %mul3A_22, %broadcast_in_dim3A_581 : vector<1x2048xi32>
    %swap3A_591 = arith.constant 24 : index
    %swap3A_592 = arith.constant 0 : index
    %swap3A_593 = vector.load %arg4[%swap3A_591, %swap3A_592] : memref<32x2048xi32, #tpu.memory_space<vmem>>, vector<1x2048xi32>
    tpu.vector_store %arg4[%swap3A_591, %swap3A_592], %add3A_590 {strides = array<i32>} : memref<32x2048xi32, #tpu.memory_space<vmem>>, vector<1x2048xi32>,
    %reduce_max3A_594 = arith.constant dense<0xFF800000> : vector<2048xf32>
    %reduce_max3A_595 = vector.multi_reduction <maximumf>, %select_n3A_586, %reduce_max3A_594 [0] : vector<200x2048xf32> to vector<2048xf32>
    %broadcast_in_dim3A_596 = vector.shape_cast %reduce_max3A_595 : vector<2048xf32> to vector<1x2048xf32>
    %eq3A_597 = vector.broadcast %broadcast_in_dim3A_596 : vector<1x2048xf32> to vector<200x2048xf32>
    %eq3A_598 = arith.cmpf oeq, %select_n3A_586, %eq3A_597 : vector<200x2048xf32>
    %jit3A_599 = arith.constant 1073741824 : i32
    %broadcast_in_dim3A_600 = vector.broadcast %jit3A_599 : i32 to vector<200x2048xi32>
    %select_n3A_601 = arith.select %eq3A_598, %iota3A, %broadcast_in_dim3A_600 : vector<200x2048xi1>, vector<200x2048xi32>
    %reduce_min3A_602 = arith.constant dense<2147483647> : vector<2048xi32>
    %reduce_min3A_603 = vector.multi_reduction <minsi>, %select_n3A_601, %reduce_min3A_602 [0] : vector<200x2048xi32> to vector<2048xi32>
    %broadcast_in_dim3A_604 = vector.shape_cast %reduce_min3A_603 : vector<2048xi32> to vector<1x2048xi32>
    %eq3A_605 = vector.broadcast %broadcast_in_dim3A_604 : vector<1x2048xi32> to vector<200x2048xi32>
    %eq3A_606 = arith.cmpi eq, %iota3A, %eq3A_605 : vector<200x2048xi32>
    %jit3A_607 = arith.constant 0xFF800000 : f32
    %broadcast_in_dim3A_608 = vector.broadcast %jit3A_607 : f32 to vector<200x2048xf32>
    %select_n3A_609 = arith.select %eq3A_606, %broadcast_in_dim3A_608, %select_n3A_586 : vector<200x2048xi1>, vector<200x2048xf32>
    %swap3A_610 = arith.constant 25 : index
    %swap3A_611 = arith.constant 0 : index
    %swap3A_612 = vector.load %arg3[%swap3A_610, %swap3A_611] : memref<32x2048xf32, #tpu.memory_space<vmem>>, vector<1x2048xf32>
    tpu.vector_store %arg3[%swap3A_610, %swap3A_611], %broadcast_in_dim3A_596 {strides = array<i32>} : memref<32x2048xf32, #tpu.memory_space<vmem>>, vector<1x2048xf32>,
    %add3A_613 = arith.addi %mul3A_22, %broadcast_in_dim3A_604 : vector<1x2048xi32>
    %swap3A_614 = arith.constant 25 : index
    %swap3A_615 = arith.constant 0 : index
    %swap3A_616 = vector.load %arg4[%swap3A_614, %swap3A_615] : memref<32x2048xi32, #tpu.memory_space<vmem>>, vector<1x2048xi32>
    tpu.vector_store %arg4[%swap3A_614, %swap3A_615], %add3A_613 {strides = array<i32>} : memref<32x2048xi32, #tpu.memory_space<vmem>>, vector<1x2048xi32>,
    %reduce_max3A_617 = arith.constant dense<0xFF800000> : vector<2048xf32>
    %reduce_max3A_618 = vector.multi_reduction <maximumf>, %select_n3A_609, %reduce_max3A_617 [0] : vector<200x2048xf32> to vector<2048xf32>
    %broadcast_in_dim3A_619 = vector.shape_cast %reduce_max3A_618 : vector<2048xf32> to vector<1x2048xf32>
    %eq3A_620 = vector.broadcast %broadcast_in_dim3A_619 : vector<1x2048xf32> to vector<200x2048xf32>
    %eq3A_621 = arith.cmpf oeq, %select_n3A_609, %eq3A_620 : vector<200x2048xf32>
    %jit3A_622 = arith.constant 1073741824 : i32
    %broadcast_in_dim3A_623 = vector.broadcast %jit3A_622 : i32 to vector<200x2048xi32>
    %select_n3A_624 = arith.select %eq3A_621, %iota3A, %broadcast_in_dim3A_623 : vector<200x2048xi1>, vector<200x2048xi32>
    %reduce_min3A_625 = arith.constant dense<2147483647> : vector<2048xi32>
    %reduce_min3A_626 = vector.multi_reduction <minsi>, %select_n3A_624, %reduce_min3A_625 [0] : vector<200x2048xi32> to vector<2048xi32>
    %broadcast_in_dim3A_627 = vector.shape_cast %reduce_min3A_626 : vector<2048xi32> to vector<1x2048xi32>
    %eq3A_628 = vector.broadcast %broadcast_in_dim3A_627 : vector<1x2048xi32> to vector<200x2048xi32>
    %eq3A_629 = arith.cmpi eq, %iota3A, %eq3A_628 : vector<200x2048xi32>
    %jit3A_630 = arith.constant 0xFF800000 : f32
    %broadcast_in_dim3A_631 = vector.broadcast %jit3A_630 : f32 to vector<200x2048xf32>
    %select_n3A_632 = arith.select %eq3A_629, %broadcast_in_dim3A_631, %select_n3A_609 : vector<200x2048xi1>, vector<200x2048xf32>
    %swap3A_633 = arith.constant 26 : index
    %swap3A_634 = arith.constant 0 : index
    %swap3A_635 = vector.load %arg3[%swap3A_633, %swap3A_634] : memref<32x2048xf32, #tpu.memory_space<vmem>>, vector<1x2048xf32>
    tpu.vector_store %arg3[%swap3A_633, %swap3A_634], %broadcast_in_dim3A_619 {strides = array<i32>} : memref<32x2048xf32, #tpu.memory_space<vmem>>, vector<1x2048xf32>,
    %add3A_636 = arith.addi %mul3A_22, %broadcast_in_dim3A_627 : vector<1x2048xi32>
    %swap3A_637 = arith.constant 26 : index
    %swap3A_638 = arith.constant 0 : index
    %swap3A_639 = vector.load %arg4[%swap3A_637, %swap3A_638] : memref<32x2048xi32, #tpu.memory_space<vmem>>, vector<1x2048xi32>
    tpu.vector_store %arg4[%swap3A_637, %swap3A_638], %add3A_636 {strides = array<i32>} : memref<32x2048xi32, #tpu.memory_space<vmem>>, vector<1x2048xi32>,
    %reduce_max3A_640 = arith.constant dense<0xFF800000> : vector<2048xf32>
    %reduce_max3A_641 = vector.multi_reduction <maximumf>, %select_n3A_632, %reduce_max3A_640 [0] : vector<200x2048xf32> to vector<2048xf32>
    %broadcast_in_dim3A_642 = vector.shape_cast %reduce_max3A_641 : vector<2048xf32> to vector<1x2048xf32>
    %eq3A_643 = vector.broadcast %broadcast_in_dim3A_642 : vector<1x2048xf32> to vector<200x2048xf32>
    %eq3A_644 = arith.cmpf oeq, %select_n3A_632, %eq3A_643 : vector<200x2048xf32>
    %jit3A_645 = arith.constant 1073741824 : i32
    %broadcast_in_dim3A_646 = vector.broadcast %jit3A_645 : i32 to vector<200x2048xi32>
    %select_n3A_647 = arith.select %eq3A_644, %iota3A, %broadcast_in_dim3A_646 : vector<200x2048xi1>, vector<200x2048xi32>
    %reduce_min3A_648 = arith.constant dense<2147483647> : vector<2048xi32>
    %reduce_min3A_649 = vector.multi_reduction <minsi>, %select_n3A_647, %reduce_min3A_648 [0] : vector<200x2048xi32> to vector<2048xi32>
    %broadcast_in_dim3A_650 = vector.shape_cast %reduce_min3A_649 : vector<2048xi32> to vector<1x2048xi32>
    %eq3A_651 = vector.broadcast %broadcast_in_dim3A_650 : vector<1x2048xi32> to vector<200x2048xi32>
    %eq3A_652 = arith.cmpi eq, %iota3A, %eq3A_651 : vector<200x2048xi32>
    %jit3A_653 = arith.constant 0xFF800000 : f32
    %broadcast_in_dim3A_654 = vector.broadcast %jit3A_653 : f32 to vector<200x2048xf32>
    %select_n3A_655 = arith.select %eq3A_652, %broadcast_in_dim3A_654, %select_n3A_632 : vector<200x2048xi1>, vector<200x2048xf32>
    %swap3A_656 = arith.constant 27 : index
    %swap3A_657 = arith.constant 0 : index
    %swap3A_658 = vector.load %arg3[%swap3A_656, %swap3A_657] : memref<32x2048xf32, #tpu.memory_space<vmem>>, vector<1x2048xf32>
    tpu.vector_store %arg3[%swap3A_656, %swap3A_657], %broadcast_in_dim3A_642 {strides = array<i32>} : memref<32x2048xf32, #tpu.memory_space<vmem>>, vector<1x2048xf32>,
    %add3A_659 = arith.addi %mul3A_22, %broadcast_in_dim3A_650 : vector<1x2048xi32>
    %swap3A_660 = arith.constant 27 : index
    %swap3A_661 = arith.constant 0 : index
    %swap3A_662 = vector.load %arg4[%swap3A_660, %swap3A_661] : memref<32x2048xi32, #tpu.memory_space<vmem>>, vector<1x2048xi32>
    tpu.vector_store %arg4[%swap3A_660, %swap3A_661], %add3A_659 {strides = array<i32>} : memref<32x2048xi32, #tpu.memory_space<vmem>>, vector<1x2048xi32>,
    %reduce_max3A_663 = arith.constant dense<0xFF800000> : vector<2048xf32>
    %reduce_max3A_664 = vector.multi_reduction <maximumf>, %select_n3A_655, %reduce_max3A_663 [0] : vector<200x2048xf32> to vector<2048xf32>
    %broadcast_in_dim3A_665 = vector.shape_cast %reduce_max3A_664 : vector<2048xf32> to vector<1x2048xf32>
    %eq3A_666 = vector.broadcast %broadcast_in_dim3A_665 : vector<1x2048xf32> to vector<200x2048xf32>
    %eq3A_667 = arith.cmpf oeq, %select_n3A_655, %eq3A_666 : vector<200x2048xf32>
    %jit3A_668 = arith.constant 1073741824 : i32
    %broadcast_in_dim3A_669 = vector.broadcast %jit3A_668 : i32 to vector<200x2048xi32>
    %select_n3A_670 = arith.select %eq3A_667, %iota3A, %broadcast_in_dim3A_669 : vector<200x2048xi1>, vector<200x2048xi32>
    %reduce_min3A_671 = arith.constant dense<2147483647> : vector<2048xi32>
    %reduce_min3A_672 = vector.multi_reduction <minsi>, %select_n3A_670, %reduce_min3A_671 [0] : vector<200x2048xi32> to vector<2048xi32>
    %broadcast_in_dim3A_673 = vector.shape_cast %reduce_min3A_672 : vector<2048xi32> to vector<1x2048xi32>
    %eq3A_674 = vector.broadcast %broadcast_in_dim3A_673 : vector<1x2048xi32> to vector<200x2048xi32>
    %eq3A_675 = arith.cmpi eq, %iota3A, %eq3A_674 : vector<200x2048xi32>
    %jit3A_676 = arith.constant 0xFF800000 : f32
    %broadcast_in_dim3A_677 = vector.broadcast %jit3A_676 : f32 to vector<200x2048xf32>
    %select_n3A_678 = arith.select %eq3A_675, %broadcast_in_dim3A_677, %select_n3A_655 : vector<200x2048xi1>, vector<200x2048xf32>
    %swap3A_679 = arith.constant 28 : index
    %swap3A_680 = arith.constant 0 : index
    %swap3A_681 = vector.load %arg3[%swap3A_679, %swap3A_680] : memref<32x2048xf32, #tpu.memory_space<vmem>>, vector<1x2048xf32>
    tpu.vector_store %arg3[%swap3A_679, %swap3A_680], %broadcast_in_dim3A_665 {strides = array<i32>} : memref<32x2048xf32, #tpu.memory_space<vmem>>, vector<1x2048xf32>,
    %add3A_682 = arith.addi %mul3A_22, %broadcast_in_dim3A_673 : vector<1x2048xi32>
    %swap3A_683 = arith.constant 28 : index
    %swap3A_684 = arith.constant 0 : index
    %swap3A_685 = vector.load %arg4[%swap3A_683, %swap3A_684] : memref<32x2048xi32, #tpu.memory_space<vmem>>, vector<1x2048xi32>
    tpu.vector_store %arg4[%swap3A_683, %swap3A_684], %add3A_682 {strides = array<i32>} : memref<32x2048xi32, #tpu.memory_space<vmem>>, vector<1x2048xi32>,
    %reduce_max3A_686 = arith.constant dense<0xFF800000> : vector<2048xf32>
    %reduce_max3A_687 = vector.multi_reduction <maximumf>, %select_n3A_678, %reduce_max3A_686 [0] : vector<200x2048xf32> to vector<2048xf32>
    %broadcast_in_dim3A_688 = vector.shape_cast %reduce_max3A_687 : vector<2048xf32> to vector<1x2048xf32>
    %eq3A_689 = vector.broadcast %broadcast_in_dim3A_688 : vector<1x2048xf32> to vector<200x2048xf32>
    %eq3A_690 = arith.cmpf oeq, %select_n3A_678, %eq3A_689 : vector<200x2048xf32>
    %jit3A_691 = arith.constant 1073741824 : i32
    %broadcast_in_dim3A_692 = vector.broadcast %jit3A_691 : i32 to vector<200x2048xi32>
    %select_n3A_693 = arith.select %eq3A_690, %iota3A, %broadcast_in_dim3A_692 : vector<200x2048xi1>, vector<200x2048xi32>
    %reduce_min3A_694 = arith.constant dense<2147483647> : vector<2048xi32>
    %reduce_min3A_695 = vector.multi_reduction <minsi>, %select_n3A_693, %reduce_min3A_694 [0] : vector<200x2048xi32> to vector<2048xi32>
    %broadcast_in_dim3A_696 = vector.shape_cast %reduce_min3A_695 : vector<2048xi32> to vector<1x2048xi32>
    %eq3A_697 = vector.broadcast %broadcast_in_dim3A_696 : vector<1x2048xi32> to vector<200x2048xi32>
    %eq3A_698 = arith.cmpi eq, %iota3A, %eq3A_697 : vector<200x2048xi32>
    %jit3A_699 = arith.constant 0xFF800000 : f32
    %broadcast_in_dim3A_700 = vector.broadcast %jit3A_699 : f32 to vector<200x2048xf32>
    %select_n3A_701 = arith.select %eq3A_698, %broadcast_in_dim3A_700, %select_n3A_678 : vector<200x2048xi1>, vector<200x2048xf32>
    %swap3A_702 = arith.constant 29 : index
    %swap3A_703 = arith.constant 0 : index
    %swap3A_704 = vector.load %arg3[%swap3A_702, %swap3A_703] : memref<32x2048xf32, #tpu.memory_space<vmem>>, vector<1x2048xf32>
    tpu.vector_store %arg3[%swap3A_702, %swap3A_703], %broadcast_in_dim3A_688 {strides = array<i32>} : memref<32x2048xf32, #tpu.memory_space<vmem>>, vector<1x2048xf32>,
    %add3A_705 = arith.addi %mul3A_22, %broadcast_in_dim3A_696 : vector<1x2048xi32>
    %swap3A_706 = arith.constant 29 : index
    %swap3A_707 = arith.constant 0 : index
    %swap3A_708 = vector.load %arg4[%swap3A_706, %swap3A_707] : memref<32x2048xi32, #tpu.memory_space<vmem>>, vector<1x2048xi32>
    tpu.vector_store %arg4[%swap3A_706, %swap3A_707], %add3A_705 {strides = array<i32>} : memref<32x2048xi32, #tpu.memory_space<vmem>>, vector<1x2048xi32>,
    %reduce_max3A_709 = arith.constant dense<0xFF800000> : vector<2048xf32>
    %reduce_max3A_710 = vector.multi_reduction <maximumf>, %select_n3A_701, %reduce_max3A_709 [0] : vector<200x2048xf32> to vector<2048xf32>
    %broadcast_in_dim3A_711 = vector.shape_cast %reduce_max3A_710 : vector<2048xf32> to vector<1x2048xf32>
    %eq3A_712 = vector.broadcast %broadcast_in_dim3A_711 : vector<1x2048xf32> to vector<200x2048xf32>
    %eq3A_713 = arith.cmpf oeq, %select_n3A_701, %eq3A_712 : vector<200x2048xf32>
    %jit3A_714 = arith.constant 1073741824 : i32
    %broadcast_in_dim3A_715 = vector.broadcast %jit3A_714 : i32 to vector<200x2048xi32>
    %select_n3A_716 = arith.select %eq3A_713, %iota3A, %broadcast_in_dim3A_715 : vector<200x2048xi1>, vector<200x2048xi32>
    %reduce_min3A_717 = arith.constant dense<2147483647> : vector<2048xi32>
    %reduce_min3A_718 = vector.multi_reduction <minsi>, %select_n3A_716, %reduce_min3A_717 [0] : vector<200x2048xi32> to vector<2048xi32>
    %broadcast_in_dim3A_719 = vector.shape_cast %reduce_min3A_718 : vector<2048xi32> to vector<1x2048xi32>
    %eq3A_720 = vector.broadcast %broadcast_in_dim3A_719 : vector<1x2048xi32> to vector<200x2048xi32>
    %eq3A_721 = arith.cmpi eq, %iota3A, %eq3A_720 : vector<200x2048xi32>
    %jit3A_722 = arith.constant 0xFF800000 : f32
    %broadcast_in_dim3A_723 = vector.broadcast %jit3A_722 : f32 to vector<200x2048xf32>
    %select_n3A_724 = arith.select %eq3A_721, %broadcast_in_dim3A_723, %select_n3A_701 : vector<200x2048xi1>, vector<200x2048xf32>
    %swap3A_725 = arith.constant 30 : index
    %swap3A_726 = arith.constant 0 : index
    %swap3A_727 = vector.load %arg3[%swap3A_725, %swap3A_726] : memref<32x2048xf32, #tpu.memory_space<vmem>>, vector<1x2048xf32>
    tpu.vector_store %arg3[%swap3A_725, %swap3A_726], %broadcast_in_dim3A_711 {strides = array<i32>} : memref<32x2048xf32, #tpu.memory_space<vmem>>, vector<1x2048xf32>,
    %add3A_728 = arith.addi %mul3A_22, %broadcast_in_dim3A_719 : vector<1x2048xi32>
    %swap3A_729 = arith.constant 30 : index
    %swap3A_730 = arith.constant 0 : index
    %swap3A_731 = vector.load %arg4[%swap3A_729, %swap3A_730] : memref<32x2048xi32, #tpu.memory_space<vmem>>, vector<1x2048xi32>
    tpu.vector_store %arg4[%swap3A_729, %swap3A_730], %add3A_728 {strides = array<i32>} : memref<32x2048xi32, #tpu.memory_space<vmem>>, vector<1x2048xi32>,
    %reduce_max3A_732 = arith.constant dense<0xFF800000> : vector<2048xf32>
    %reduce_max3A_733 = vector.multi_reduction <maximumf>, %select_n3A_724, %reduce_max3A_732 [0] : vector<200x2048xf32> to vector<2048xf32>
    %broadcast_in_dim3A_734 = vector.shape_cast %reduce_max3A_733 : vector<2048xf32> to vector<1x2048xf32>
    %eq3A_735 = vector.broadcast %broadcast_in_dim3A_734 : vector<1x2048xf32> to vector<200x2048xf32>
    %eq3A_736 = arith.cmpf oeq, %select_n3A_724, %eq3A_735 : vector<200x2048xf32>
    %jit3A_737 = arith.constant 1073741824 : i32
    %broadcast_in_dim3A_738 = vector.broadcast %jit3A_737 : i32 to vector<200x2048xi32>
    %select_n3A_739 = arith.select %eq3A_736, %iota3A, %broadcast_in_dim3A_738 : vector<200x2048xi1>, vector<200x2048xi32>
    %reduce_min3A_740 = arith.constant dense<2147483647> : vector<2048xi32>
    %reduce_min3A_741 = vector.multi_reduction <minsi>, %select_n3A_739, %reduce_min3A_740 [0] : vector<200x2048xi32> to vector<2048xi32>
    %broadcast_in_dim3A_742 = vector.shape_cast %reduce_min3A_741 : vector<2048xi32> to vector<1x2048xi32>
    %swap3A_743 = arith.constant 31 : index
    %swap3A_744 = arith.constant 0 : index
    %swap3A_745 = vector.load %arg3[%swap3A_743, %swap3A_744] : memref<32x2048xf32, #tpu.memory_space<vmem>>, vector<1x2048xf32>
    tpu.vector_store %arg3[%swap3A_743, %swap3A_744], %broadcast_in_dim3A_734 {strides = array<i32>} : memref<32x2048xf32, #tpu.memory_space<vmem>>, vector<1x2048xf32>,
    %add3A_746 = arith.addi %mul3A_22, %broadcast_in_dim3A_742 : vector<1x2048xi32>
    %swap3A_747 = arith.constant 31 : index
    %swap3A_748 = arith.constant 0 : index
    %swap3A_749 = vector.load %arg4[%swap3A_747, %swap3A_748] : memref<32x2048xi32, #tpu.memory_space<vmem>>, vector<1x2048xi32>
    tpu.vector_store %arg4[%swap3A_747, %swap3A_748], %add3A_746 {strides = array<i32>} : memref<32x2048xi32, #tpu.memory_space<vmem>>, vector<1x2048xi32>,
    %get3A_750 = arith.constant 0 : index
    %get3A_751 = arith.constant 0 : index
    %get3A_752 = vector.load %arg3[%get3A_750, %get3A_751] : memref<32x2048xf32, #tpu.memory_space<vmem>>, vector<32x2048xf32>
    %slice3A = vector.extract_strided_slice %get3A_752 {offsets = [0, 0], sizes = [1, 2048], strides = [1, 1]} : vector<32x2048xf32> to vector<1x2048xf32>
    %sub3A = vector.broadcast %slice3A : vector<1x2048xf32> to vector<32x2048xf32>
    %sub3A_753 = arith.subf %get3A_752, %sub3A : vector<32x2048xf32>
    %exp3A = math.exp %sub3A_753 : vector<32x2048xf32>
    %reduce_sum3A_754 = arith.constant dense<0.000000e+00> : vector<2048xf32>
    %reduce_sum3A_755 = vector.multi_reduction <add>, %exp3A, %reduce_sum3A_754 [0] : vector<32x2048xf32> to vector<2048xf32>
    %broadcast_in_dim3A_756 = vector.shape_cast %reduce_sum3A_755 : vector<2048xf32> to vector<1x2048xf32>
    %div3A = vector.broadcast %broadcast_in_dim3A_756 : vector<1x2048xf32> to vector<32x2048xf32>
    %div3A_757 = arith.divf %exp3A, %div3A : vector<32x2048xf32>
    %swap3A_758 = arith.constant 0 : index
    %swap3A_759 = arith.constant 0 : index
    %swap3A_760 = vector.load %arg3[%swap3A_758, %swap3A_759] : memref<32x2048xf32, #tpu.memory_space<vmem>>, vector<32x2048xf32>
    tpu.vector_store %arg3[%swap3A_758, %swap3A_759], %div3A_757 {strides = array<i32>} : memref<32x2048xf32, #tpu.memory_space<vmem>>, vector<32x2048xf32>,
    return
  }
  func.func @transform_0(%arg0: i32) -> (i32, i32) {
    %c0_i32 = arith.constant 0 : i32
    %c0_i32_0 = arith.constant 0 : i32
    return %c0_i32, %arg0 : i32, i32
  }
  func.func @transform_1(%arg0: i32) -> (i32, i32) {
    %c0_i32 = arith.constant 0 : i32
    %c0_i32_0 = arith.constant 0 : i32
    return %c0_i32, %arg0 : i32, i32
  }
  func.func @transform_2(%arg0: i32) -> (i32, i32) {
    %c0_i32 = arith.constant 0 : i32
    %c0_i32_0 = arith.constant 0 : i32
    return %c0_i32, %arg0 : i32, i32
  }
  func.func @transform_3(%arg0: i32) -> (i32, i32) {
    %c0_i32 = arith.constant 0 : i32
    %c0_i32_0 = arith.constant 0 : i32
    return %c0_i32, %arg0 : i32, i32
  }
}

</mosaic_0001>

<sc_bundles>
// kernel: kernel.4.cloned.1.call-start
scs
__scs_entry_jumppad:
0x0: {  	(pc) =	sbr.rel $0x88, $3  }
0x1: {  	(tag) =	ssettag $0x0;
	lr =	simm.s32 $0x1  }
0x2: {  	[smem:$0x3F9D] =	sst lr;
	_ =	strace $0xD0000000  }
0x3: {  	_ = 	snop  }
0x4: {  	_ = 	snop  }
0x5: {  	_ = 	snop  }
0x6: {  	_ = 	snop  }
0x7: {  	_ = 	snop  }
__scs_overlays_trampoline_lowered:
0x8: {  	[smem:$0x3FAC] =	sst s0  }
0x9: {  	[smem:$0x3FAD] =	sst s1  }
0xa: {  	[smem:$0x3FAE] =	sst s2  }
0xb: {  	[smem:$0x3FAF] =	sst s3  }
0xc: {  	[smem:$0x3FB0] =	sst s4  }
0xd: {  	[smem:$0x3FB1] =	sst s5  }
0xe: {  	[smem:$0x3FB2] =	sst s6  }
0xf: {  	[smem:$0x3FB3] =	sst s7  }
0x10: {  	[smem:$0x3FB4] =	sst s8  }
0x11: {  	[smem:$0x3FB5] =	sst s9;
	s0 =	simm.s32 @!p0 $0x0  }
0x12: {  	s1 =	sld [smem:$0x3F9B];
	s0 =	simm.s32 @p0 $0x1  }
0x13: {  	[smem:$0x3FB6] =	sst s0;
	s0 =	simm.s32 @!p1 $0x0  }
0x14: {  	s2 =	sld [smem:$0x3F9A];
	s0 =	simm.s32 @p1 $0x1  }
0x15: {  	[smem:$0x3FB7] =	sst s0;
	s0 =	simm.s32 @!p2 $0x0  }
0x16: {  	s3 =	sld [smem:$0x3FDB];
	s0 =	simm.s32 @p2 $0x1  }
0x17: {  	s4 =	simm.s32 $0x1BF5;
	[smem:$0x3FB9] =	sst s0  }
0x18: {  	s0 =	sld [smem:$0x3F9C];
	_ =	swait.ge [sflag:s4], $0x0  }
0x19: {  	s7 =	sld [smem:$0x3F9D]  }
0x1a: {  	s8 =	sadd.s32 $0xFFFFE003, lr  }
0x1b: {  	s9 =	sadd.s32 $0xFFFFFEF7, lr;
	s5 =	simm.s32 $0xFFFFFFFF;
	p2 =	slt.u32 s8, $0xFFFFF086  }
0x1c: {  	p1 =	slt.u32 s9, $0xF7A;
	s5 =	simm.s32 @!p2 $0x0  }
0x1d: {  	s5 =	simm.s32 @p1 $0x1;
	p0 =	seq.s32 s7, s2  }
0x1e: {  	s7 =	smul.u32 @!p0 $0xF7A, s2;
	p2 =	seq.s32 @!p0 s5, $0x0  }
0x1f: {  	s9 =	smul.u32 $0xF7A, s1;
	s8 =	simm.s32 @!p0 $0x1BF5;
	p2 =	por !p2, p0  }
0x20: {  	[sflag:s8] =	ssyncset.s32 @!p0 $0xFFFFF086;
	s6 =	sadd.s32 @!p0 s3, s7;
	s7 =	simm.s32 @!p0 $0x108  }
0x21: {  	s3 =	sadd.s32 s3, s9;
	s6 =	sadd.s32 @!p0 $0x88, s6;
	s7 =	simm.s32 @p2 $0x1082  }
0x22: {  	[simem:s7], [sflag:s8] =	dma.local @!p0 [hbm:s6], $0xF7A  }
0x23: {  	s9 =	sor.u32 $0xD0000000, s2;
	s6 =	simm.s32 $0x108;
	_ =	swait.ge @!p0 [sflag:s8], $0x0  }
0x24: {  	s3 =	sadd.s32 $0x88, s3;
	s6 =	simm.s32 @!p1 $0x1082;
	[sflag:s4] =	ssyncset.s32 $0xFFFFF086  }
0x25: {  	[simem:s6], [sflag:s4] =	dma.local [hbm:s3], $0xF7A  }
0x26: {  	[smem:$0x3F9D] =	sst s1;
	(tag) =	ssettag s2;
	_ =	strace s9  }
0x27: {  	s1 =	sld [smem:$0x3FAD]  }
0x28: {  	s2 =	sld [smem:$0x3FAE]  }
0x29: {  	s4 =	sld [smem:$0x3FB0]  }
0x2a: {  	p0 =	seq.s32 s5, $0x0;
	s5 =	sld [smem:$0x3FB1]  }
0x2b: {  	s6 =	sld [smem:$0x3FB2]  }
0x2c: {  	s7 =	sld [smem:$0x3FB3]  }
0x2d: {  	s3 =	simm.s32 $0x108;
	s8 =	sld [smem:$0x3FB4]  }
0x2e: {  	s3 =	simm.s32 @!p0 $0x1082;
	s9 =	sld [smem:$0x3FB5]  }
0x2f: {  	lr =	sadd.s32 s0, s3;
	s0 =	sld [smem:$0x3FAC]  }
0x30: {  	s3 =	sld [smem:$0x3FAF]  }
0x31: {  	[smem:$0x3FB8] =	sst s10  }
0x32: {  	s10 =	sld [smem:$0x3FB6];
	_ =	sdelay $0x3  }
0x33: {  	p0 =	seq.s32 s10, $0x1;
	s10 =	sld [smem:$0x3FB8];
	_ =	sdelay $0x3  }
0x34: {  	[smem:$0x3FB8] =	sst s10  }
0x35: {  	s10 =	sld [smem:$0x3FB7];
	_ =	sdelay $0x3  }
0x36: {  	p1 =	seq.s32 s10, $0x1;
	s10 =	sld [smem:$0x3FB8];
	_ =	sdelay $0x3  }
0x37: {  	[smem:$0x3FB8] =	sst s10  }
0x38: {  	s10 =	sld [smem:$0x3FB9]  }
0x39: {  	_ = 	snop;
	(pc) =	sbr.ind lr, $3  }
0x3a: {  	_ = 	snop  }
0x3b: {  	_ = 	snop  }
0x3c: {  	p2 =	seq.s32 s10, $0x1;
	s10 =	sld [smem:$0x3FB8]  }
0x3d: {  	_ =	shalt  }
0x3e: {  	_ =	shalt  }
0x3f: {  	_ =	shalt  }
0x40: {  	_ =	shalt  }
0x41: {  	_ =	shalt  }
0x42: {  	_ =	shalt  }
0x43: {  	_ =	shalt  }
0x44: {  	_ =	shalt  }
0x45: {  	_ =	shalt  }
0x46: {  	_ =	shalt  }
0x47: {  	_ =	shalt  }
0x48: {  	_ =	shalt  }
0x49: {  	_ =	shalt  }
0x4a: {  	_ =	shalt  }
0x4b: {  	_ =	shalt  }
0x4c: {  	_ =	shalt  }
0x4d: {  	_ =	shalt  }
0x4e: {  	_ =	shalt  }
0x4f: {  	_ =	shalt  }
0x50: {  	_ =	shalt  }
0x51: {  	_ =	shalt  }
0x52: {  	_ =	shalt  }
0x53: {  	_ =	shalt  }
0x54: {  	_ =	shalt  }
0x55: {  	_ =	shalt  }
0x56: {  	_ =	shalt  }
0x57: {  	_ =	shalt  }
0x58: {  	_ =	shalt  }
0x59: {  	_ =	shalt  }
0x5a: {  	_ =	shalt  }
0x5b: {  	_ =	shalt  }
0x5c: {  	_ =	shalt  }
0x5d: {  	_ =	shalt  }
0x5e: {  	_ =	shalt  }
0x5f: {  	_ =	shalt  }
0x60: {  	_ =	shalt  }
0x61: {  	_ =	shalt  }
0x62: {  	_ =	shalt  }
0x63: {  	_ =	shalt  }
0x64: {  	_ =	shalt  }
0x65: {  	_ =	shalt  }
0x66: {  	_ =	shalt  }
0x67: {  	_ =	shalt  }
0x68: {  	_ =	shalt  }
0x69: {  	_ =	shalt  }
0x6a: {  	_ =	shalt  }
0x6b: {  	_ =	shalt  }
0x6c: {  	_ =	shalt  }
0x6d: {  	_ =	shalt  }
0x6e: {  	_ =	shalt  }
0x6f: {  	_ =	shalt  }
0x70: {  	_ =	shalt  }
0x71: {  	_ =	shalt  }
0x72: {  	_ =	shalt  }
0x73: {  	_ =	shalt  }
0x74: {  	_ =	shalt  }
0x75: {  	_ =	shalt  }
0x76: {  	_ =	shalt  }
0x77: {  	_ =	shalt  }
0x78: {  	_ =	shalt  }
0x79: {  	_ =	shalt  }
0x7a: {  	_ =	shalt  }
0x7b: {  	_ =	shalt  }
0x7c: {  	_ =	shalt  }
0x7d: {  	_ =	shalt  }
0x7e: {  	_ =	shalt  }
0x7f: {  	_ =	shalt  }
0x80: {  	_ =	shalt  }
0x81: {  	_ =	shalt  }
0x82: {  	_ =	shalt  }
0x83: {  	_ =	shalt  }
0x84: {  	_ =	shalt  }
0x85: {  	_ =	shalt  }
0x86: {  	_ =	shalt  }
0x87: {  	_ =	shalt  }
.Lfunc_end0:
.L_simem_size_0:
called_computation_lowered:
.L_overlay_start_0:
0x88: {  	s2 =	sld [smem:$0x3FD9]  }
0x89: {  	s3 =	sld [smem:$0x3FFE];
	_ =	sdelay $0x1  }
0x8a: {  	s1 =	srdreg.scid  }
0x8b: {  	s0 =	sand.u32 $0x1, s1  }
0x8c: {  	s14 =	sshll.u32 s0, $0xA;
	s2 =	sadd.s32 s3, s2  }
0x8d: {  	s2 =	sadd.s32 s2, s14  }
0x8e: {  	[smem:$0x3FC4] =	sst s2  }
0x8f: {  	_ = 	snop  }
0x90: {  	s2 =	sld [smem:$0x3FD0];
	_ =	sdelay $0x2  }
0x91: {  	s15 =	simm.s32 $0xA;
	s4 =	simm.s32 $0x10  }
0x92: {  	[smem:s4], [sflag:s15] =	dma.local [hbm:s2], $0x1  }
0x93: {  	_ =	swait.eq [sflag:s15], $0x1  }
0x94: {  	[sflag:s15] =	ssyncset.done $0x0  }
0x95: {  	s16 =	sld [smem:$0x10];
	[sflag:s15] =	ssyncadd.s32 $0xFFFFFFFF  }
0x96: {  	s17 =	sld [smem:$0x11];
	(tm) =	ssettm $0x1  }
0x97: {  	s18 =	sld [smem:$0x3FFB];
	_ =	sdelay $0x3  }
0x98: {  	_ =	strace s18  }
0x99: {  	s4 =	sld [smem:$0x3FFC];
	_ =	sdelay $0x3  }
0x9a: {  	_ =	strace s4  }
0x9b: {  	s4 =	sld [smem:$0x3FFD];
	_ =	sdelay $0x3  }
0x9c: {  	_ =	strace s4  }
0x9d: {  	_ =	strace $0x8FFFFFFF  }
0x9e: {  	s19 =	sld [smem:$0x3FDB];
	_ =	sdelay $0x1  }
0x9f: {  	s5 =	simm.s32 $_scs_section_size  }
0xa0: {  	s6 =	simm.s32 $_size__tile_overlayer_lowered;
	s7 =	simm.s32 $_tile_overlayer_lowered  }
0xa1: {  	s22 =	simm.s32 $0x1BFF;
	s21 =	sshll.u32 s7, $0x1;
	s4 =	sadd.s32 s5, s19  }
0xa2: {  	s8 =	simm.s32 $0x0;
	s20 =	sshll.u32 s6, $0x1;
	s6 =	sadd.s32 s21, s4  }
0xa3: {  	[timem:s8], [sflag:s22] =	dma.local [hbm:s6], s20  }
0xa4: {  	_ =	swait.ge [sflag:s22], s20  }
0xa5: {  	s5 =	ssub.s32 $0x0, s20;
	[sflag:s22] =	ssyncset.done $0x0  }
0xa6: {  	[sflag:s22] =	ssyncadd.s32 s5;
	_ =	sdelay $0x1  }
0xa7: {  	s23 =	simm.s32 $0x1B8B  }
0xa8: {  	_ =	swait.ge [sflag:s23], $0x1  }
0xa9: {  	[sflag:s23] =	ssyncset.done $0x0  }
0xaa: {  	s25 =	simm.s32 $0x1B8E;
	s24 =	sld [smem:$0x3FFE];
	[sflag:s23] =	ssyncadd.s32 $0xFFFFFFFF  }
0xab: {  	s26 =	simm.s32 $execute0_lowered;
	[smem:$0x3FD2] =	sst s25  }
0xac: {  	s6 =	sshll.u32 s26, $0x1;
	_ =	strace $0x80000046;
	[dreg:$0x1] =	wrdreg $0xFFFFFFFF  }
0xad: {  	s28 =	simm.s32 $_size_execute0_lowered;
	s4 =	sadd.s32 s4, s6;
	[dreg:$0x0] =	wrdreg $0x0  }
0xae: {  	s6 =	sshll.u32 s28, $0x1;
	[dreg:$0x2] =	wrdreg s4  }
0xaf: {  	[dreg:$0x3] =	wrdreg s6  }
0xb0: {  	[dreg:$0x4] =	wrdreg $0xC0  }
0xb1: {  	_ =	task [dreg:s8], $0x5FFFF  }
0xb2: {  	[dreg:$0x1] =	wrdreg $0xFFFFFFFF  }
0xb3: {  	[dreg:$0x0] =	wrdreg $0x60  }
0xb4: {  	[dreg:$0x2] =	wrdreg s24  }
0xb5: {  	[dreg:$0x3] =	wrdreg s17  }
0xb6: {  	[dreg:$0x4] =	wrdreg s16  }
0xb7: {  	[dreg:$0x5] =	wrdreg $0x9  }
0xb8: {  	_ =	task.clear_ibuf [dreg:s8], $0x6FFFF;
	_ =	strace $0x90000046  }
0xb9: {  	s29 =	simm.s32 $0x9;
	_ =	strace $0x80000048  }
0xba: {  	_ =	swait.ge [sflag:s29], $0x1  }
0xbb: {  	[sflag:s29] =	ssyncadd.s32 $0xFFFFFFFF  }
0xbc: {  	_ =	strace $0x90000048  }
0xbd: {  	_ =	sfence  }
0xbe: {  	s30 =	sld [smem:$0x0];
	_ =	sdelay $0x2  }
0xbf: {  	s31 =	sshll.u32 s1, $0xD;
	s1 =	sshrl.u32 s1, $0x2  }
0xc0: {  	s3 =	sand.u32 $0x4000, s31;
	s1 =	sadd.s32 s1, s30  }
0xc1: {  	s0 =	sor.u32 s3, s0;
	s1 =	sshll.u32 s1, $0x11  }
0xc2: {  	s0 =	sor.u32 s1, s0  }
0xc3: {  	s0 =	sadd.s32 $0x8F2B, s0  }
0xc4: {  	[sflag:s0] =	ssyncadd.remote.s32 $0x1  }
0xc5: {  	_ =	sfence.sel $0xFFFF  }
0xc6: {  	[dreg:$0x0] =	wrdreg $0xFFFFFFFF;
	(pc) =	sbr.abs _section_cstart, $3  }
0xc7: {  	[dreg:$0x1] =	wrdreg $0xFFFFFFFF  }
0xc8: {  	_ =	task.clear_ibuf [dreg:s8], $0x2FFFF;
	_ =	strace $0x9FFFFFFF  }
0xc9: {  	(tm) =	ssettm $0x7FFFFFFF  }
tec
execute0_lowered:
.L_overlay_start_1:
0x0: {  	(tag) =	ssettag $0x1  }
0x1: {  	s0 =	rddreg [dreg:$0x0]  }
0x2: {  	s1 =	rddreg [dreg:$0x1]  }
0x3: {  	s3 =	rddreg [dreg:$0x2]  }
0x4: {  	s4 =	stileid.u32;
	s2 =	srdreg.scid  }
0x5: {  	s25 =	simm.s32 $0x880;
	s26 =	simm.s32 $0x900;
	s30 =	simm.s32 $0x980  }
0x6: {  	s8 =	simm.s32 $0xB00;
	s5 =	sand.u32 $0x1, s2;
	s2 =	simm.s32 $0x0  }
0x7: {  	s9 =	simm.s32 $0xB80;
	s10 =	simm.s32 $0xC00;
	[smem:$0x7FF] =	sst s2  }
0x8: {  	s11 =	simm.s32 $0xC80;
	_ =	strace $0x80000047;
	[dreg:$0x7] =	wrdreg s25  }
0x9: {  	s12 =	simm.s32 $0xD00;
	s13 =	simm.s32 $0xD80;
	[dreg:$0x8] =	wrdreg s26  }
0xa: {  	s14 =	simm.s32 $0xE00;
	s15 =	simm.s32 $0xE80;
	[dreg:$0x9] =	wrdreg s30  }
0xb: {  	s16 =	simm.s32 $0xF00;
	s17 =	simm.s32 $0xF80;
	[dreg:$0xc] =	wrdreg s8  }
0xc: {  	s18 =	simm.s32 $0x1080;
	s19 =	simm.s32 $0x1100;
	[dreg:$0xd] =	wrdreg s9  }
0xd: {  	s20 =	simm.s32 $0x1180;
	s21 =	simm.s32 $0x1200;
	[dreg:$0xe] =	wrdreg s10  }
0xe: {  	s22 =	simm.s32 $0x1280;
	s23 =	simm.s32 $0x1300;
	[dreg:$0xf] =	wrdreg s11  }
0xf: {  	s24 =	simm.s32 $0x1380;
	s28 =	simm.s32 $0x1700;
	[dreg:$0x10] =	wrdreg s12  }
0x10: {  	s29 =	simm.s32 $0x1780;
	s4 =	sshll.u32 s4, $0xC;
	[dreg:$0x11] =	wrdreg s13  }
0x11: {  	s6 =	sadd.s32 s4, s0;
	s7 =	sshll.u32 s5, $0xB;
	[dreg:$0x12] =	wrdreg s14  }
0x12: {  	s3 =	sadd.s32 s4, s3;
	s1 =	sadd.s32 s4, s1;
	[dreg:$0x13] =	wrdreg s15  }
0x13: {  	s4 =	sadd.s32 $0x65C00, s0;
	s31 =	ssub.s32 $0x2, s5;
	[dreg:$0x14] =	wrdreg s16  }
0x14: {  	s6 =	sadd.s32 s7, s6;
	s3 =	sadd.s32 s7, s3;
	[dreg:$0x15] =	wrdreg s17  }
0x15: {  	s1 =	sadd.s32 s7, s1;
	s5 =	sshrl.u32 s31, $0x1;
	[dreg:$0x16] =	wrdreg s18  }
0x16: {  	s7 =	simm.s32 $0xA80;
	s8 =	simm.s32 $0x800;
	[dreg:$0x17] =	wrdreg s19  }
0x17: {  	s9 =	simm.s32 $0x100;
	s10 =	simm.s32 $0x180;
	[dreg:$0x18] =	wrdreg s20  }
0x18: {  	s11 =	simm.s32 $0x200;
	s12 =	simm.s32 $0x280;
	[dreg:$0x19] =	wrdreg s21  }
0x19: {  	s13 =	simm.s32 $0x300;
	s14 =	simm.s32 $0x380;
	[dreg:$0x1a] =	wrdreg s22  }
0x1a: {  	s15 =	simm.s32 $0x400;
	s16 =	simm.s32 $0x480;
	[dreg:$0x1b] =	wrdreg s23  }
0x1b: {  	s17 =	simm.s32 $0x500;
	s18 =	simm.s32 $0x580;
	[dreg:$0x1c] =	wrdreg s24  }
0x1c: {  	s19 =	simm.s32 $0x600;
	s20 =	simm.s32 $0x680;
	[dreg:$0x5] =	wrdreg s3  }
0x1d: {  	s21 =	simm.s32 $0x700;
	s25 =	simm.s32 $0x1400;
	[dreg:$0x6] =	wrdreg s1  }
0x1e: {  	s22 =	simm.s32 $0x780;
	s26 =	simm.s32 $0x1480;
	[dreg:$0xb] =	wrdreg s7  }
0x1f: {  	s23 =	simm.s32 $0x1;
	s30 =	simm.s32 $0x1500;
	[dreg:$0x1d] =	wrdreg s25  }
0x20: {  	s24 =	simm.s32 $0x1000;
	s6 =	sadd.s32 $0xC9C00, s6;
	[dreg:$0x1e] =	wrdreg s26  }
0x21: {  	s3 =	sadd.s32 $0x1C00, s0;
	s1 =	ssub.s32 s31, s5;
	[dreg:$0x1f] =	wrdreg s30  }
0x22: {  	s7 =	simm.s32 $0x80;
	s31 =	simm.s32 $0x1580;
	[dreg:$0x4] =	wrdreg s6  }
0x23: {  	s25 =	simm.s32 $0x1600;
	s6 =	simm.s32 $0xA00;
	[smem:$0x7FD] =	sst s31  }
0x24: {  	s26 =	simm.s32 $0x1680;
	s1 =	smax.u32 s1, $0x1;
	[dreg:$0xa] =	wrdreg s6  }
0x25: {  	[smem:$0x7FC] =	sst s1;
	s6 =	simm.s32 $0x2;
	s1 =	simm.s32 $0x0  }
.LBB2_1:
0x26: {  	s0 =	rddreg [dreg:$0x6]  }
0x27: {  	[smem:$0x7FB] =	sst s1;
	s0 =	sadd.s32 $0x0, s0  }
0x28: {  	[tilespmem:s2], [sflag:$0x2] =	stream.linear.gather [hbm4b:s0+s2], $0x800, $0x38;
	[tilespmem:$0x1800] =	vst v63  }
0x29: {  	_ =	swait.ge [sflag:s6], $0x800  }
0x2a: {  	[sflag:s6] =	ssyncset.done $0x0  }
0x2b: {  	[sflag:s6] =	ssyncadd.s32 $0xFFFFF800  }
0x2c: {  	[tilespmem:s8], [sflag:$0x1] =	stream.indirect.gather [hbm4b:s3+s7], $0x1, s2, s7, $0xb8;
	[tilespmem:$0x1800] =	vst v63  }
0x2d: {  	s1 =	rddreg [dreg:$0x7]  }
0x2e: {  	[tilespmem:s1], [sflag:$0x1] =	stream.indirect.gather [hbm4b:s3+s7], $0x1, s7, s7, $0xb8;
	[tilespmem:$0x1800] =	vst v63  }
0x2f: {  	s5 =	rddreg [dreg:$0x8]  }
0x30: {  	[tilespmem:s5], [sflag:$0x1] =	stream.indirect.gather [hbm4b:s3+s7], $0x1, s9, s7, $0xb8;
	[tilespmem:$0x1800] =	vst v63  }
0x31: {  	s30 =	rddreg [dreg:$0x9]  }
0x32: {  	[tilespmem:s30], [sflag:$0x1] =	stream.indirect.gather [hbm4b:s3+s7], $0x1, s10, s7, $0xb8;
	[tilespmem:$0x1800] =	vst v63  }
0x33: {  	s5 =	rddreg [dreg:$0xa]  }
0x34: {  	[tilespmem:s5], [sflag:$0x1] =	stream.indirect.gather [hbm4b:s3+s7], $0x1, s11, s7, $0xb8;
	[tilespmem:$0x1800] =	vst v63  }
0x35: {  	s30 =	rddreg [dreg:$0xb]  }
0x36: {  	[tilespmem:s30], [sflag:$0x1] =	stream.indirect.gather [hbm4b:s3+s7], $0x1, s12, s7, $0xb8;
	[tilespmem:$0x1800] =	vst v63  }
0x37: {  	s5 =	rddreg [dreg:$0xc]  }
0x38: {  	[tilespmem:s5], [sflag:$0x1] =	stream.indirect.gather [hbm4b:s3+s7], $0x1, s13, s7, $0xb8;
	[tilespmem:$0x1800] =	vst v63  }
0x39: {  	s30 =	rddreg [dreg:$0xd]  }
0x3a: {  	[tilespmem:s30], [sflag:$0x1] =	stream.indirect.gather [hbm4b:s3+s7], $0x1, s14, s7, $0xb8;
	[tilespmem:$0x1800] =	vst v63  }
0x3b: {  	s5 =	rddreg [dreg:$0xe]  }
0x3c: {  	[tilespmem:s5], [sflag:$0x1] =	stream.indirect.gather [hbm4b:s3+s7], $0x1, s15, s7, $0xb8;
	[tilespmem:$0x1800] =	vst v63  }
0x3d: {  	s30 =	rddreg [dreg:$0xf]  }
0x3e: {  	[tilespmem:s30], [sflag:$0x1] =	stream.indirect.gather [hbm4b:s3+s7], $0x1, s16, s7, $0xb8;
	[tilespmem:$0x1800] =	vst v63  }
0x3f: {  	s5 =	rddreg [dreg:$0x10]  }
0x40: {  	[tilespmem:s5], [sflag:$0x1] =	stream.indirect.gather [hbm4b:s3+s7], $0x1, s17, s7, $0xb8;
	[tilespmem:$0x1800] =	vst v63  }
0x41: {  	s30 =	rddreg [dreg:$0x11]  }
0x42: {  	[tilespmem:s30], [sflag:$0x1] =	stream.indirect.gather [hbm4b:s3+s7], $0x1, s18, s7, $0xb8;
	[tilespmem:$0x1800] =	vst v63  }
0x43: {  	s5 =	rddreg [dreg:$0x12]  }
0x44: {  	[tilespmem:s5], [sflag:$0x1] =	stream.indirect.gather [hbm4b:s3+s7], $0x1, s19, s7, $0xb8;
	[tilespmem:$0x1800] =	vst v63  }
0x45: {  	s30 =	rddreg [dreg:$0x13]  }
0x46: {  	[tilespmem:s30], [sflag:$0x1] =	stream.indirect.gather [hbm4b:s3+s7], $0x1, s20, s7, $0xb8;
	[tilespmem:$0x1800] =	vst v63  }
0x47: {  	s5 =	rddreg [dreg:$0x14]  }
0x48: {  	[tilespmem:s5], [sflag:$0x1] =	stream.indirect.gather [hbm4b:s3+s7], $0x1, s21, s7, $0xb8;
	[tilespmem:$0x1800] =	vst v63  }
0x49: {  	s30 =	rddreg [dreg:$0x15]  }
0x4a: {  	[tilespmem:s30], [sflag:$0x1] =	stream.indirect.gather [hbm4b:s3+s7], $0x1, s22, s7, $0xb8;
	[tilespmem:$0x1800] =	vst v63  }
0x4b: {  	_ =	swait.ge [sflag:s23], $0x80  }
0x4c: {  	[sflag:s23] =	ssyncset.done $0x0  }
0x4d: {  	[sflag:s23] =	ssyncadd.s32 $0xFFFFFF80  }
0x4e: {  	_ =	swait.ge [sflag:s23], $0x80  }
0x4f: {  	[sflag:s23] =	ssyncset.done $0x0  }
0x50: {  	[sflag:s23] =	ssyncadd.s32 $0xFFFFFF80  }
0x51: {  	_ =	swait.ge [sflag:s23], $0x80  }
0x52: {  	[sflag:s23] =	ssyncset.done $0x0  }
0x53: {  	[sflag:s23] =	ssyncadd.s32 $0xFFFFFF80  }
0x54: {  	_ =	swait.ge [sflag:s23], $0x80  }
0x55: {  	[sflag:s23] =	ssyncset.done $0x0  }
0x56: {  	[sflag:s23] =	ssyncadd.s32 $0xFFFFFF80  }
0x57: {  	_ =	swait.ge [sflag:s23], $0x80  }
0x58: {  	[sflag:s23] =	ssyncset.done $0x0  }
0x59: {  	[sflag:s23] =	ssyncadd.s32 $0xFFFFFF80  }
0x5a: {  	_ =	swait.ge [sflag:s23], $0x80  }
0x5b: {  	[sflag:s23] =	ssyncset.done $0x0  }
0x5c: {  	[sflag:s23] =	ssyncadd.s32 $0xFFFFFF80  }
0x5d: {  	_ =	swait.ge [sflag:s23], $0x80  }
0x5e: {  	[sflag:s23] =	ssyncset.done $0x0  }
0x5f: {  	[sflag:s23] =	ssyncadd.s32 $0xFFFFFF80  }
0x60: {  	_ =	swait.ge [sflag:s23], $0x80  }
0x61: {  	[sflag:s23] =	ssyncset.done $0x0  }
0x62: {  	[sflag:s23] =	ssyncadd.s32 $0xFFFFFF80  }
0x63: {  	_ =	swait.ge [sflag:s23], $0x80  }
0x64: {  	[sflag:s23] =	ssyncset.done $0x0  }
0x65: {  	[sflag:s23] =	ssyncadd.s32 $0xFFFFFF80  }
0x66: {  	_ =	swait.ge [sflag:s23], $0x80  }
0x67: {  	[sflag:s23] =	ssyncset.done $0x0  }
0x68: {  	[sflag:s23] =	ssyncadd.s32 $0xFFFFFF80  }
0x69: {  	_ =	swait.ge [sflag:s23], $0x80  }
0x6a: {  	[sflag:s23] =	ssyncset.done $0x0  }
0x6b: {  	[sflag:s23] =	ssyncadd.s32 $0xFFFFFF80  }
0x6c: {  	_ =	swait.ge [sflag:s23], $0x80  }
0x6d: {  	[sflag:s23] =	ssyncset.done $0x0  }
0x6e: {  	[sflag:s23] =	ssyncadd.s32 $0xFFFFFF80  }
0x6f: {  	_ =	swait.ge [sflag:s23], $0x80  }
0x70: {  	[sflag:s23] =	ssyncset.done $0x0  }
0x71: {  	[sflag:s23] =	ssyncadd.s32 $0xFFFFFF80  }
0x72: {  	_ =	swait.ge [sflag:s23], $0x80  }
0x73: {  	[sflag:s23] =	ssyncset.done $0x0  }
0x74: {  	[sflag:s23] =	ssyncadd.s32 $0xFFFFFF80  }
0x75: {  	_ =	swait.ge [sflag:s23], $0x80  }
0x76: {  	[sflag:s23] =	ssyncset.done $0x0  }
0x77: {  	[sflag:s23] =	ssyncadd.s32 $0xFFFFFF80  }
0x78: {  	_ =	swait.ge [sflag:s23], $0x80  }
0x79: {  	[sflag:s23] =	ssyncset.done $0x0  }
0x7a: {  	s1 =	rddreg [dreg:$0x16];
	[sflag:s23] =	ssyncadd.s32 $0xFFFFFF80  }
0x7b: {  	[tilespmem:s24], [sflag:$0x1] =	stream.indirect.gather [hbm4b:s4+s7], $0x1, s2, s7, $0xb8;
	[tilespmem:$0x1800] =	vst v63  }
0x7c: {  	s5 =	rddreg [dreg:$0x17]  }
0x7d: {  	[tilespmem:s1], [sflag:$0x1] =	stream.indirect.gather [hbm4b:s4+s7], $0x1, s7, s7, $0xb8;
	[tilespmem:$0x1800] =	vst v63  }
0x7e: {  	s30 =	rddreg [dreg:$0x18]  }
0x7f: {  	[tilespmem:s5], [sflag:$0x1] =	stream.indirect.gather [hbm4b:s4+s7], $0x1, s9, s7, $0xb8;
	[tilespmem:$0x1800] =	vst v63  }
0x80: {  	s5 =	rddreg [dreg:$0x19]  }
0x81: {  	[tilespmem:s30], [sflag:$0x1] =	stream.indirect.gather [hbm4b:s4+s7], $0x1, s10, s7, $0xb8;
	[tilespmem:$0x1800] =	vst v63  }
0x82: {  	s30 =	rddreg [dreg:$0x1a]  }
0x83: {  	[tilespmem:s5], [sflag:$0x1] =	stream.indirect.gather [hbm4b:s4+s7], $0x1, s11, s7, $0xb8;
	[tilespmem:$0x1800] =	vst v63  }
0x84: {  	s5 =	rddreg [dreg:$0x1b]  }
0x85: {  	[tilespmem:s30], [sflag:$0x1] =	stream.indirect.gather [hbm4b:s4+s7], $0x1, s12, s7, $0xb8;
	[tilespmem:$0x1800] =	vst v63  }
0x86: {  	s30 =	rddreg [dreg:$0x1c]  }
0x87: {  	[tilespmem:s5], [sflag:$0x1] =	stream.indirect.gather [hbm4b:s4+s7], $0x1, s13, s7, $0xb8;
	[tilespmem:$0x1800] =	vst v63  }
0x88: {  	s5 =	rddreg [dreg:$0x1d]  }
0x89: {  	[tilespmem:s30], [sflag:$0x1] =	stream.indirect.gather [hbm4b:s4+s7], $0x1, s14, s7, $0xb8;
	[tilespmem:$0x1800] =	vst v63  }
0x8a: {  	s30 =	rddreg [dreg:$0x1e]  }
0x8b: {  	[tilespmem:s5], [sflag:$0x1] =	stream.indirect.gather [hbm4b:s4+s7], $0x1, s15, s7, $0xb8;
	[tilespmem:$0x1800] =	vst v63  }
0x8c: {  	s5 =	rddreg [dreg:$0x1f]  }
0x8d: {  	[tilespmem:s30], [sflag:$0x1] =	stream.indirect.gather [hbm4b:s4+s7], $0x1, s16, s7, $0xb8;
	[tilespmem:$0x1800] =	vst v63  }
0x8e: {  	s30 =	sld [smem:$0x7FD]  }
0x8f: {  	[tilespmem:s5], [sflag:$0x1] =	stream.indirect.gather [hbm4b:s4+s7], $0x1, s17, s7, $0xb8;
	[tilespmem:$0x1800] =	vst v63  }
0x90: {  	_ = 	snop  }
0x91: {  	[tilespmem:s30], [sflag:$0x1] =	stream.indirect.gather [hbm4b:s4+s7], $0x1, s18, s7, $0xb8;
	[tilespmem:$0x1800] =	vst v63  }
0x92: {  	_ = 	snop  }
0x93: {  	[tilespmem:s25], [sflag:$0x1] =	stream.indirect.gather [hbm4b:s4+s7], $0x1, s19, s7, $0xb8;
	[tilespmem:$0x1800] =	vst v63  }
0x94: {  	_ = 	snop  }
0x95: {  	[tilespmem:s26], [sflag:$0x1] =	stream.indirect.gather [hbm4b:s4+s7], $0x1, s20, s7, $0xb8;
	[tilespmem:$0x1800] =	vst v63  }
0x96: {  	_ = 	snop  }
0x97: {  	[tilespmem:s28], [sflag:$0x1] =	stream.indirect.gather [hbm4b:s4+s7], $0x1, s21, s7, $0xb8;
	[tilespmem:$0x1800] =	vst v63  }
0x98: {  	_ = 	snop  }
0x99: {  	[tilespmem:s29], [sflag:$0x1] =	stream.indirect.gather [hbm4b:s4+s7], $0x1, s22, s7, $0xb8;
	[tilespmem:$0x1800] =	vst v63  }
0x9a: {  	_ =	swait.ge [sflag:s23], $0x80  }
0x9b: {  	[sflag:s23] =	ssyncset.done $0x0  }
0x9c: {  	[sflag:s23] =	ssyncadd.s32 $0xFFFFFF80  }
0x9d: {  	_ =	swait.ge [sflag:s23], $0x80  }
0x9e: {  	[sflag:s23] =	ssyncset.done $0x0  }
0x9f: {  	[sflag:s23] =	ssyncadd.s32 $0xFFFFFF80  }
0xa0: {  	_ =	swait.ge [sflag:s23], $0x80  }
0xa1: {  	[sflag:s23] =	ssyncset.done $0x0  }
0xa2: {  	[sflag:s23] =	ssyncadd.s32 $0xFFFFFF80  }
0xa3: {  	_ =	swait.ge [sflag:s23], $0x80  }
0xa4: {  	[sflag:s23] =	ssyncset.done $0x0  }
0xa5: {  	[sflag:s23] =	ssyncadd.s32 $0xFFFFFF80  }
0xa6: {  	_ =	swait.ge [sflag:s23], $0x80  }
0xa7: {  	[sflag:s23] =	ssyncset.done $0x0  }
0xa8: {  	[sflag:s23] =	ssyncadd.s32 $0xFFFFFF80  }
0xa9: {  	_ =	swait.ge [sflag:s23], $0x80  }
0xaa: {  	[sflag:s23] =	ssyncset.done $0x0  }
0xab: {  	[sflag:s23] =	ssyncadd.s32 $0xFFFFFF80  }
0xac: {  	_ =	swait.ge [sflag:s23], $0x80  }
0xad: {  	[sflag:s23] =	ssyncset.done $0x0  }
0xae: {  	[sflag:s23] =	ssyncadd.s32 $0xFFFFFF80  }
0xaf: {  	_ =	swait.ge [sflag:s23], $0x80  }
0xb0: {  	[sflag:s23] =	ssyncset.done $0x0  }
0xb1: {  	[sflag:s23] =	ssyncadd.s32 $0xFFFFFF80  }
0xb2: {  	_ =	swait.ge [sflag:s23], $0x80  }
0xb3: {  	[sflag:s23] =	ssyncset.done $0x0  }
0xb4: {  	[sflag:s23] =	ssyncadd.s32 $0xFFFFFF80  }
0xb5: {  	_ =	swait.ge [sflag:s23], $0x80  }
0xb6: {  	[sflag:s23] =	ssyncset.done $0x0  }
0xb7: {  	[sflag:s23] =	ssyncadd.s32 $0xFFFFFF80  }
0xb8: {  	_ =	swait.ge [sflag:s23], $0x80  }
0xb9: {  	[sflag:s23] =	ssyncset.done $0x0  }
0xba: {  	[sflag:s23] =	ssyncadd.s32 $0xFFFFFF80  }
0xbb: {  	_ =	swait.ge [sflag:s23], $0x80  }
0xbc: {  	[sflag:s23] =	ssyncset.done $0x0  }
0xbd: {  	[sflag:s23] =	ssyncadd.s32 $0xFFFFFF80  }
0xbe: {  	_ =	swait.ge [sflag:s23], $0x80  }
0xbf: {  	[sflag:s23] =	ssyncset.done $0x0  }
0xc0: {  	[sflag:s23] =	ssyncadd.s32 $0xFFFFFF80  }
0xc1: {  	_ =	swait.ge [sflag:s23], $0x80  }
0xc2: {  	[sflag:s23] =	ssyncset.done $0x0  }
0xc3: {  	[sflag:s23] =	ssyncadd.s32 $0xFFFFFF80  }
0xc4: {  	_ =	swait.ge [sflag:s23], $0x80  }
0xc5: {  	[sflag:s23] =	ssyncset.done $0x0  }
0xc6: {  	[sflag:s23] =	ssyncadd.s32 $0xFFFFFF80  }
0xc7: {  	_ =	swait.ge [sflag:s23], $0x80  }
0xc8: {  	s5 =	rddreg [dreg:$0x5];
	[sflag:s23] =	ssyncset.done $0x0  }
0xc9: {  	[sflag:s23] =	ssyncadd.s32 $0xFFFFFF80;
	s0 =	sadd.s32 $0x0, s5  }
0xca: {  	[hbm4b:s0+s2] =	stream.linear.scatter [tilespmem:s8], [sflag:$0x2], $0x800, $0x38;
	[tilespmem:$0x1800] =	vst v63  }
0xcb: {  	_ =	swait.ge [sflag:s6], $0x800  }
0xcc: {  	s30 =	rddreg [dreg:$0x4];
	[sflag:s6] =	ssyncset.done $0x0  }
0xcd: {  	[sflag:s6] =	ssyncadd.s32 $0xFFFFF800;
	s0 =	sadd.s32 $0x0, s30  }
0xce: {  	[hbm4b:s0+s2] =	stream.linear.scatter [tilespmem:s24], [sflag:$0x2], $0x800, $0x38;
	[tilespmem:$0x1800] =	vst v63  }
0xcf: {  	s31 =	simm.s32 $0x100;
	_ =	swait.ge [sflag:s6], $0x800  }
0xd0: {  	s0 =	simm.s32 $0x200;
	s5 =	rddreg [dreg:$0x6];
	[sflag:s6] =	ssyncset.done $0x0  }
.LBB2_2:
0xd1: {  	[sflag:s6] =	ssyncadd.s32 $0xFFFFF800;
	s5 =	sadd.s32 s31, s5  }
0xd2: {  	[tilespmem:s2], [sflag:$0x2] =	stream.linear.gather [hbm4b:s5+s2], $0x800, $0x38;
	[tilespmem:$0x1800] =	vst v63  }
0xd3: {  	_ =	swait.ge [sflag:s6], $0x800  }
0xd4: {  	[sflag:s6] =	ssyncset.done $0x0  }
0xd5: {  	[sflag:s6] =	ssyncadd.s32 $0xFFFFF800  }
0xd6: {  	[tilespmem:s8], [sflag:$0x1] =	stream.indirect.gather [hbm4b:s3+s7], $0x1, s2, s7, $0xb8;
	[tilespmem:$0x1800] =	vst v63  }
0xd7: {  	s5 =	rddreg [dreg:$0x7]  }
0xd8: {  	[tilespmem:s5], [sflag:$0x1] =	stream.indirect.gather [hbm4b:s3+s7], $0x1, s7, s7, $0xb8;
	[tilespmem:$0x1800] =	vst v63  }
0xd9: {  	s30 =	rddreg [dreg:$0x8]  }
0xda: {  	[tilespmem:s30], [sflag:$0x1] =	stream.indirect.gather [hbm4b:s3+s7], $0x1, s9, s7, $0xb8;
	[tilespmem:$0x1800] =	vst v63  }
0xdb: {  	s5 =	rddreg [dreg:$0x9]  }
0xdc: {  	[tilespmem:s5], [sflag:$0x1] =	stream.indirect.gather [hbm4b:s3+s7], $0x1, s10, s7, $0xb8;
	[tilespmem:$0x1800] =	vst v63  }
0xdd: {  	s30 =	rddreg [dreg:$0xa]  }
0xde: {  	[tilespmem:s30], [sflag:$0x1] =	stream.indirect.gather [hbm4b:s3+s7], $0x1, s11, s7, $0xb8;
	[tilespmem:$0x1800] =	vst v63  }
0xdf: {  	s5 =	rddreg [dreg:$0xb]  }
0xe0: {  	[tilespmem:s5], [sflag:$0x1] =	stream.indirect.gather [hbm4b:s3+s7], $0x1, s12, s7, $0xb8;
	[tilespmem:$0x1800] =	vst v63  }
0xe1: {  	s30 =	rddreg [dreg:$0xc]  }
0xe2: {  	[tilespmem:s30], [sflag:$0x1] =	stream.indirect.gather [hbm4b:s3+s7], $0x1, s13, s7, $0xb8;
	[tilespmem:$0x1800] =	vst v63  }
0xe3: {  	s5 =	rddreg [dreg:$0xd]  }
0xe4: {  	[tilespmem:s5], [sflag:$0x1] =	stream.indirect.gather [hbm4b:s3+s7], $0x1, s14, s7, $0xb8;
	[tilespmem:$0x1800] =	vst v63  }
0xe5: {  	s30 =	rddreg [dreg:$0xe]  }
0xe6: {  	[tilespmem:s30], [sflag:$0x1] =	stream.indirect.gather [hbm4b:s3+s7], $0x1, s15, s7, $0xb8;
	[tilespmem:$0x1800] =	vst v63  }
0xe7: {  	s5 =	rddreg [dreg:$0xf]  }
0xe8: {  	[tilespmem:s5], [sflag:$0x1] =	stream.indirect.gather [hbm4b:s3+s7], $0x1, s16, s7, $0xb8;
	[tilespmem:$0x1800] =	vst v63  }
0xe9: {  	s30 =	rddreg [dreg:$0x10]  }
0xea: {  	[tilespmem:s30], [sflag:$0x1] =	stream.indirect.gather [hbm4b:s3+s7], $0x1, s17, s7, $0xb8;
	[tilespmem:$0x1800] =	vst v63  }
0xeb: {  	s5 =	rddreg [dreg:$0x11]  }
0xec: {  	[tilespmem:s5], [sflag:$0x1] =	stream.indirect.gather [hbm4b:s3+s7], $0x1, s18, s7, $0xb8;
	[tilespmem:$0x1800] =	vst v63  }
0xed: {  	s30 =	rddreg [dreg:$0x12]  }
0xee: {  	[tilespmem:s30], [sflag:$0x1] =	stream.indirect.gather [hbm4b:s3+s7], $0x1, s19, s7, $0xb8;
	[tilespmem:$0x1800] =	vst v63  }
0xef: {  	s5 =	rddreg [dreg:$0x13]  }
0xf0: {  	[tilespmem:s5], [sflag:$0x1] =	stream.indirect.gather [hbm4b:s3+s7], $0x1, s20, s7, $0xb8;
	[tilespmem:$0x1800] =	vst v63  }
0xf1: {  	s30 =	rddreg [dreg:$0x14]  }
0xf2: {  	[tilespmem:s30], [sflag:$0x1] =	stream.indirect.gather [hbm4b:s3+s7], $0x1, s21, s7, $0xb8;
	[tilespmem:$0x1800] =	vst v63  }
0xf3: {  	s5 =	rddreg [dreg:$0x15]  }
0xf4: {  	[tilespmem:s5], [sflag:$0x1] =	stream.indirect.gather [hbm4b:s3+s7], $0x1, s22, s7, $0xb8;
	[tilespmem:$0x1800] =	vst v63  }
0xf5: {  	_ =	swait.ge [sflag:s23], $0x80  }
0xf6: {  	[sflag:s23] =	ssyncset.done $0x0  }
0xf7: {  	[sflag:s23] =	ssyncadd.s32 $0xFFFFFF80  }
0xf8: {  	_ =	swait.ge [sflag:s23], $0x80  }
0xf9: {  	[sflag:s23] =	ssyncset.done $0x0  }
0xfa: {  	[sflag:s23] =	ssyncadd.s32 $0xFFFFFF80  }
0xfb: {  	_ =	swait.ge [sflag:s23], $0x80  }
0xfc: {  	[sflag:s23] =	ssyncset.done $0x0  }
0xfd: {  	[sflag:s23] =	ssyncadd.s32 $0xFFFFFF80  }
0xfe: {  	_ =	swait.ge [sflag:s23], $0x80  }
0xff: {  	[sflag:s23] =	ssyncset.done $0x0  }
0x100: {  	[sflag:s23] =	ssyncadd.s32 $0xFFFFFF80  }
0x101: {  	_ =	swait.ge [sflag:s23], $0x80  }
0x102: {  	[sflag:s23] =	ssyncset.done $0x0  }
0x103: {  	[sflag:s23] =	ssyncadd.s32 $0xFFFFFF80  }
0x104: {  	_ =	swait.ge [sflag:s23], $0x80  }
0x105: {  	[sflag:s23] =	ssyncset.done $0x0  }
0x106: {  	[sflag:s23] =	ssyncadd.s32 $0xFFFFFF80  }
0x107: {  	_ =	swait.ge [sflag:s23], $0x80  }
0x108: {  	[sflag:s23] =	ssyncset.done $0x0  }
0x109: {  	[sflag:s23] =	ssyncadd.s32 $0xFFFFFF80  }
0x10a: {  	_ =	swait.ge [sflag:s23], $0x80  }
0x10b: {  	[sflag:s23] =	ssyncset.done $0x0  }
0x10c: {  	[sflag:s23] =	ssyncadd.s32 $0xFFFFFF80  }
0x10d: {  	_ =	swait.ge [sflag:s23], $0x80  }
0x10e: {  	[sflag:s23] =	ssyncset.done $0x0  }
0x10f: {  	[sflag:s23] =	ssyncadd.s32 $0xFFFFFF80  }
0x110: {  	_ =	swait.ge [sflag:s23], $0x80  }
0x111: {  	[sflag:s23] =	ssyncset.done $0x0  }
0x112: {  	[sflag:s23] =	ssyncadd.s32 $0xFFFFFF80  }
0x113: {  	_ =	swait.ge [sflag:s23], $0x80  }
0x114: {  	[sflag:s23] =	ssyncset.done $0x0  }
0x115: {  	[sflag:s23] =	ssyncadd.s32 $0xFFFFFF80  }
0x116: {  	_ =	swait.ge [sflag:s23], $0x80  }
0x117: {  	[sflag:s23] =	ssyncset.done $0x0  }
0x118: {  	[sflag:s23] =	ssyncadd.s32 $0xFFFFFF80  }
0x119: {  	_ =	swait.ge [sflag:s23], $0x80  }
0x11a: {  	[sflag:s23] =	ssyncset.done $0x0  }
0x11b: {  	[sflag:s23] =	ssyncadd.s32 $0xFFFFFF80  }
0x11c: {  	_ =	swait.ge [sflag:s23], $0x80  }
0x11d: {  	[sflag:s23] =	ssyncset.done $0x0  }
0x11e: {  	[sflag:s23] =	ssyncadd.s32 $0xFFFFFF80  }
0x11f: {  	_ =	swait.ge [sflag:s23], $0x80  }
0x120: {  	[sflag:s23] =	ssyncset.done $0x0  }
0x121: {  	[sflag:s23] =	ssyncadd.s32 $0xFFFFFF80  }
0x122: {  	_ =	swait.ge [sflag:s23], $0x80  }
0x123: {  	[sflag:s23] =	ssyncset.done $0x0  }
0x124: {  	s5 =	rddreg [dreg:$0x16];
	[sflag:s23] =	ssyncadd.s32 $0xFFFFFF80  }
0x125: {  	[tilespmem:s24], [sflag:$0x1] =	stream.indirect.gather [hbm4b:s4+s7], $0x1, s2, s7, $0xb8;
	[tilespmem:$0x1800] =	vst v63  }
0x126: {  	s30 =	rddreg [dreg:$0x17]  }
0x127: {  	[tilespmem:s5], [sflag:$0x1] =	stream.indirect.gather [hbm4b:s4+s7], $0x1, s7, s7, $0xb8;
	[tilespmem:$0x1800] =	vst v63  }
0x128: {  	s5 =	rddreg [dreg:$0x18]  }
0x129: {  	[tilespmem:s30], [sflag:$0x1] =	stream.indirect.gather [hbm4b:s4+s7], $0x1, s9, s7, $0xb8;
	[tilespmem:$0x1800] =	vst v63  }
0x12a: {  	s30 =	rddreg [dreg:$0x19]  }
0x12b: {  	[tilespmem:s5], [sflag:$0x1] =	stream.indirect.gather [hbm4b:s4+s7], $0x1, s10, s7, $0xb8;
	[tilespmem:$0x1800] =	vst v63  }
0x12c: {  	s5 =	rddreg [dreg:$0x1a]  }
0x12d: {  	[tilespmem:s30], [sflag:$0x1] =	stream.indirect.gather [hbm4b:s4+s7], $0x1, s11, s7, $0xb8;
	[tilespmem:$0x1800] =	vst v63  }
0x12e: {  	s30 =	rddreg [dreg:$0x1b]  }
0x12f: {  	[tilespmem:s5], [sflag:$0x1] =	stream.indirect.gather [hbm4b:s4+s7], $0x1, s12, s7, $0xb8;
	[tilespmem:$0x1800] =	vst v63  }
0x130: {  	s5 =	rddreg [dreg:$0x1c]  }
0x131: {  	[tilespmem:s30], [sflag:$0x1] =	stream.indirect.gather [hbm4b:s4+s7], $0x1, s13, s7, $0xb8;
	[tilespmem:$0x1800] =	vst v63  }
0x132: {  	s30 =	rddreg [dreg:$0x1d]  }
0x133: {  	[tilespmem:s5], [sflag:$0x1] =	stream.indirect.gather [hbm4b:s4+s7], $0x1, s14, s7, $0xb8;
	[tilespmem:$0x1800] =	vst v63  }
0x134: {  	s5 =	rddreg [dreg:$0x1e]  }
0x135: {  	[tilespmem:s30], [sflag:$0x1] =	stream.indirect.gather [hbm4b:s4+s7], $0x1, s15, s7, $0xb8;
	[tilespmem:$0x1800] =	vst v63  }
0x136: {  	s30 =	rddreg [dreg:$0x1f]  }
0x137: {  	[tilespmem:s5], [sflag:$0x1] =	stream.indirect.gather [hbm4b:s4+s7], $0x1, s16, s7, $0xb8;
	[tilespmem:$0x1800] =	vst v63  }
0x138: {  	s5 =	sld [smem:$0x7FD]  }
0x139: {  	[tilespmem:s30], [sflag:$0x1] =	stream.indirect.gather [hbm4b:s4+s7], $0x1, s17, s7, $0xb8;
	[tilespmem:$0x1800] =	vst v63  }
0x13a: {  	_ = 	snop  }
0x13b: {  	[tilespmem:s5], [sflag:$0x1] =	stream.indirect.gather [hbm4b:s4+s7], $0x1, s18, s7, $0xb8;
	[tilespmem:$0x1800] =	vst v63  }
0x13c: {  	_ = 	snop  }
0x13d: {  	[tilespmem:s25], [sflag:$0x1] =	stream.indirect.gather [hbm4b:s4+s7], $0x1, s19, s7, $0xb8;
	[tilespmem:$0x1800] =	vst v63  }
0x13e: {  	_ = 	snop  }
0x13f: {  	[tilespmem:s26], [sflag:$0x1] =	stream.indirect.gather [hbm4b:s4+s7], $0x1, s20, s7, $0xb8;
	[tilespmem:$0x1800] =	vst v63  }
0x140: {  	_ = 	snop  }
0x141: {  	[tilespmem:s28], [sflag:$0x1] =	stream.indirect.gather [hbm4b:s4+s7], $0x1, s21, s7, $0xb8;
	[tilespmem:$0x1800] =	vst v63  }
0x142: {  	_ = 	snop  }
0x143: {  	[tilespmem:s29], [sflag:$0x1] =	stream.indirect.gather [hbm4b:s4+s7], $0x1, s22, s7, $0xb8;
	[tilespmem:$0x1800] =	vst v63  }
0x144: {  	_ =	swait.ge [sflag:s23], $0x80  }
0x145: {  	[sflag:s23] =	ssyncset.done $0x0  }
0x146: {  	[sflag:s23] =	ssyncadd.s32 $0xFFFFFF80  }
0x147: {  	_ =	swait.ge [sflag:s23], $0x80  }
0x148: {  	[sflag:s23] =	ssyncset.done $0x0  }
0x149: {  	[sflag:s23] =	ssyncadd.s32 $0xFFFFFF80  }
0x14a: {  	_ =	swait.ge [sflag:s23], $0x80  }
0x14b: {  	[sflag:s23] =	ssyncset.done $0x0  }
0x14c: {  	[sflag:s23] =	ssyncadd.s32 $0xFFFFFF80  }
0x14d: {  	_ =	swait.ge [sflag:s23], $0x80  }
0x14e: {  	[sflag:s23] =	ssyncset.done $0x0  }
0x14f: {  	[sflag:s23] =	ssyncadd.s32 $0xFFFFFF80  }
0x150: {  	_ =	swait.ge [sflag:s23], $0x80  }
0x151: {  	[sflag:s23] =	ssyncset.done $0x0  }
0x152: {  	[sflag:s23] =	ssyncadd.s32 $0xFFFFFF80  }
0x153: {  	_ =	swait.ge [sflag:s23], $0x80  }
0x154: {  	[sflag:s23] =	ssyncset.done $0x0  }
0x155: {  	[sflag:s23] =	ssyncadd.s32 $0xFFFFFF80  }
0x156: {  	_ =	swait.ge [sflag:s23], $0x80  }
0x157: {  	[sflag:s23] =	ssyncset.done $0x0  }
0x158: {  	[sflag:s23] =	ssyncadd.s32 $0xFFFFFF80  }
0x159: {  	_ =	swait.ge [sflag:s23], $0x80  }
0x15a: {  	[sflag:s23] =	ssyncset.done $0x0  }
0x15b: {  	[sflag:s23] =	ssyncadd.s32 $0xFFFFFF80  }
0x15c: {  	_ =	swait.ge [sflag:s23], $0x80  }
0x15d: {  	[sflag:s23] =	ssyncset.done $0x0  }
0x15e: {  	[sflag:s23] =	ssyncadd.s32 $0xFFFFFF80  }
0x15f: {  	_ =	swait.ge [sflag:s23], $0x80  }
0x160: {  	[sflag:s23] =	ssyncset.done $0x0  }
0x161: {  	[sflag:s23] =	ssyncadd.s32 $0xFFFFFF80  }
0x162: {  	_ =	swait.ge [sflag:s23], $0x80  }
0x163: {  	[sflag:s23] =	ssyncset.done $0x0  }
0x164: {  	[sflag:s23] =	ssyncadd.s32 $0xFFFFFF80  }
0x165: {  	_ =	swait.ge [sflag:s23], $0x80  }
0x166: {  	[sflag:s23] =	ssyncset.done $0x0  }
0x167: {  	[sflag:s23] =	ssyncadd.s32 $0xFFFFFF80  }
0x168: {  	_ =	swait.ge [sflag:s23], $0x80  }
0x169: {  	[sflag:s23] =	ssyncset.done $0x0  }
0x16a: {  	[sflag:s23] =	ssyncadd.s32 $0xFFFFFF80  }
0x16b: {  	_ =	swait.ge [sflag:s23], $0x80  }
0x16c: {  	[sflag:s23] =	ssyncset.done $0x0  }
0x16d: {  	[sflag:s23] =	ssyncadd.s32 $0xFFFFFF80  }
0x16e: {  	_ =	swait.ge [sflag:s23], $0x80  }
0x16f: {  	[sflag:s23] =	ssyncset.done $0x0  }
0x170: {  	[sflag:s23] =	ssyncadd.s32 $0xFFFFFF80  }
0x171: {  	_ =	swait.ge [sflag:s23], $0x80  }
0x172: {  	s30 =	rddreg [dreg:$0x5];
	[sflag:s23] =	ssyncset.done $0x0  }
0x173: {  	[sflag:s23] =	ssyncadd.s32 $0xFFFFFF80;
	s5 =	sadd.s32 s31, s30  }
0x174: {  	[hbm4b:s5+s2] =	stream.linear.scatter [tilespmem:s8], [sflag:$0x2], $0x800, $0x38;
	[tilespmem:$0x1800] =	vst v63  }
0x175: {  	p0 =	sne.s32 s0, $0x700;
	_ =	swait.ge [sflag:s6], $0x800  }
.Ltmp0:
0x176: {  	s30 =	rddreg [dreg:$0x4];
	[sflag:s6] =	ssyncset.done $0x0;
	(pc) =	sbr.rel @p0 .LBB2_2-.Ltmp0, $4  }
0x177: {  	[sflag:s6] =	ssyncadd.s32 $0xFFFFF800;
	s5 =	sadd.s32 s31, s30  }
0x178: {  	[hbm4b:s5+s2] =	stream.linear.scatter [tilespmem:s24], [sflag:$0x2], $0x800, $0x38;
	[tilespmem:$0x1800] =	vst v63  }
0x179: {  	s1 =	smov.u32 s0;
	s0 =	sadd.s32 $0x100, s0;
	_ =	swait.ge [sflag:s6], $0x800  }
0x17a: {  	s31 =	smov.u32 s1;
	s5 =	rddreg [dreg:$0x6];
	[sflag:s6] =	ssyncset.done $0x0  }
0x17b: {  	[sflag:s6] =	ssyncadd.s32 $0xFFFFF800;
	s0 =	sadd.s32 s31, s5  }
0x17c: {  	[tilespmem:s2], [sflag:$0x2] =	stream.linear.gather [hbm4b:s0+s2], $0x800, $0x38;
	[tilespmem:$0x1800] =	vst v63  }
0x17d: {  	_ =	swait.ge [sflag:s6], $0x800  }
0x17e: {  	[sflag:s6] =	ssyncset.done $0x0  }
0x17f: {  	[sflag:s6] =	ssyncadd.s32 $0xFFFFF800  }
0x180: {  	[tilespmem:s8], [sflag:$0x1] =	stream.indirect.gather [hbm4b:s3+s7], $0x1, s2, s7, $0xb8;
	[tilespmem:$0x1800] =	vst v63  }
0x181: {  	s5 =	rddreg [dreg:$0x7]  }
0x182: {  	[tilespmem:s5], [sflag:$0x1] =	stream.indirect.gather [hbm4b:s3+s7], $0x1, s7, s7, $0xb8;
	[tilespmem:$0x1800] =	vst v63  }
0x183: {  	s1 =	rddreg [dreg:$0x8]  }
0x184: {  	[tilespmem:s1], [sflag:$0x1] =	stream.indirect.gather [hbm4b:s3+s7], $0x1, s9, s7, $0xb8;
	[tilespmem:$0x1800] =	vst v63  }
0x185: {  	s30 =	rddreg [dreg:$0x9]  }
0x186: {  	[tilespmem:s30], [sflag:$0x1] =	stream.indirect.gather [hbm4b:s3+s7], $0x1, s10, s7, $0xb8;
	[tilespmem:$0x1800] =	vst v63  }
0x187: {  	s5 =	rddreg [dreg:$0xa]  }
0x188: {  	[tilespmem:s5], [sflag:$0x1] =	stream.indirect.gather [hbm4b:s3+s7], $0x1, s11, s7, $0xb8;
	[tilespmem:$0x1800] =	vst v63  }
0x189: {  	s30 =	rddreg [dreg:$0xb]  }
0x18a: {  	[tilespmem:s30], [sflag:$0x1] =	stream.indirect.gather [hbm4b:s3+s7], $0x1, s12, s7, $0xb8;
	[tilespmem:$0x1800] =	vst v63  }
0x18b: {  	s5 =	rddreg [dreg:$0xc]  }
0x18c: {  	[tilespmem:s5], [sflag:$0x1] =	stream.indirect.gather [hbm4b:s3+s7], $0x1, s13, s7, $0xb8;
	[tilespmem:$0x1800] =	vst v63  }
0x18d: {  	s30 =	rddreg [dreg:$0xd]  }
0x18e: {  	[tilespmem:s30], [sflag:$0x1] =	stream.indirect.gather [hbm4b:s3+s7], $0x1, s14, s7, $0xb8;
	[tilespmem:$0x1800] =	vst v63  }
0x18f: {  	s5 =	rddreg [dreg:$0xe]  }
0x190: {  	[tilespmem:s5], [sflag:$0x1] =	stream.indirect.gather [hbm4b:s3+s7], $0x1, s15, s7, $0xb8;
	[tilespmem:$0x1800] =	vst v63  }
0x191: {  	s30 =	rddreg [dreg:$0xf]  }
0x192: {  	[tilespmem:s30], [sflag:$0x1] =	stream.indirect.gather [hbm4b:s3+s7], $0x1, s16, s7, $0xb8;
	[tilespmem:$0x1800] =	vst v63  }
0x193: {  	s5 =	rddreg [dreg:$0x10]  }
0x194: {  	[tilespmem:s5], [sflag:$0x1] =	stream.indirect.gather [hbm4b:s3+s7], $0x1, s17, s7, $0xb8;
	[tilespmem:$0x1800] =	vst v63  }
0x195: {  	s30 =	rddreg [dreg:$0x11]  }
0x196: {  	[tilespmem:s30], [sflag:$0x1] =	stream.indirect.gather [hbm4b:s3+s7], $0x1, s18, s7, $0xb8;
	[tilespmem:$0x1800] =	vst v63  }
0x197: {  	s5 =	rddreg [dreg:$0x12]  }
0x198: {  	[tilespmem:s5], [sflag:$0x1] =	stream.indirect.gather [hbm4b:s3+s7], $0x1, s19, s7, $0xb8;
	[tilespmem:$0x1800] =	vst v63  }
0x199: {  	s30 =	rddreg [dreg:$0x13]  }
0x19a: {  	[tilespmem:s30], [sflag:$0x1] =	stream.indirect.gather [hbm4b:s3+s7], $0x1, s20, s7, $0xb8;
	[tilespmem:$0x1800] =	vst v63  }
0x19b: {  	s5 =	rddreg [dreg:$0x14]  }
0x19c: {  	[tilespmem:s5], [sflag:$0x1] =	stream.indirect.gather [hbm4b:s3+s7], $0x1, s21, s7, $0xb8;
	[tilespmem:$0x1800] =	vst v63  }
0x19d: {  	s30 =	rddreg [dreg:$0x15]  }
0x19e: {  	[tilespmem:s30], [sflag:$0x1] =	stream.indirect.gather [hbm4b:s3+s7], $0x1, s22, s7, $0xb8;
	[tilespmem:$0x1800] =	vst v63  }
0x19f: {  	_ =	swait.ge [sflag:s23], $0x80  }
0x1a0: {  	[sflag:s23] =	ssyncset.done $0x0  }
0x1a1: {  	[sflag:s23] =	ssyncadd.s32 $0xFFFFFF80  }
0x1a2: {  	_ =	swait.ge [sflag:s23], $0x80  }
0x1a3: {  	[sflag:s23] =	ssyncset.done $0x0  }
0x1a4: {  	[sflag:s23] =	ssyncadd.s32 $0xFFFFFF80  }
0x1a5: {  	_ =	swait.ge [sflag:s23], $0x80  }
0x1a6: {  	[sflag:s23] =	ssyncset.done $0x0  }
0x1a7: {  	[sflag:s23] =	ssyncadd.s32 $0xFFFFFF80  }
0x1a8: {  	_ =	swait.ge [sflag:s23], $0x80  }
0x1a9: {  	[sflag:s23] =	ssyncset.done $0x0  }
0x1aa: {  	[sflag:s23] =	ssyncadd.s32 $0xFFFFFF80  }
0x1ab: {  	_ =	swait.ge [sflag:s23], $0x80  }
0x1ac: {  	[sflag:s23] =	ssyncset.done $0x0  }
0x1ad: {  	[sflag:s23] =	ssyncadd.s32 $0xFFFFFF80  }
0x1ae: {  	_ =	swait.ge [sflag:s23], $0x80  }
0x1af: {  	[sflag:s23] =	ssyncset.done $0x0  }
0x1b0: {  	[sflag:s23] =	ssyncadd.s32 $0xFFFFFF80  }
0x1b1: {  	_ =	swait.ge [sflag:s23], $0x80  }
0x1b2: {  	[sflag:s23] =	ssyncset.done $0x0  }
0x1b3: {  	[sflag:s23] =	ssyncadd.s32 $0xFFFFFF80  }
0x1b4: {  	_ =	swait.ge [sflag:s23], $0x80  }
0x1b5: {  	[sflag:s23] =	ssyncset.done $0x0  }
0x1b6: {  	[sflag:s23] =	ssyncadd.s32 $0xFFFFFF80  }
0x1b7: {  	_ =	swait.ge [sflag:s23], $0x80  }
0x1b8: {  	[sflag:s23] =	ssyncset.done $0x0  }
0x1b9: {  	[sflag:s23] =	ssyncadd.s32 $0xFFFFFF80  }
0x1ba: {  	_ =	swait.ge [sflag:s23], $0x80  }
0x1bb: {  	[sflag:s23] =	ssyncset.done $0x0  }
0x1bc: {  	[sflag:s23] =	ssyncadd.s32 $0xFFFFFF80  }
0x1bd: {  	_ =	swait.ge [sflag:s23], $0x80  }
0x1be: {  	[sflag:s23] =	ssyncset.done $0x0  }
0x1bf: {  	[sflag:s23] =	ssyncadd.s32 $0xFFFFFF80  }
0x1c0: {  	_ =	swait.ge [sflag:s23], $0x80  }
0x1c1: {  	[sflag:s23] =	ssyncset.done $0x0  }
0x1c2: {  	[sflag:s23] =	ssyncadd.s32 $0xFFFFFF80  }
0x1c3: {  	_ =	swait.ge [sflag:s23], $0x80  }
0x1c4: {  	[sflag:s23] =	ssyncset.done $0x0  }
0x1c5: {  	[sflag:s23] =	ssyncadd.s32 $0xFFFFFF80  }
0x1c6: {  	_ =	swait.ge [sflag:s23], $0x80  }
0x1c7: {  	[sflag:s23] =	ssyncset.done $0x0  }
0x1c8: {  	[sflag:s23] =	ssyncadd.s32 $0xFFFFFF80  }
0x1c9: {  	_ =	swait.ge [sflag:s23], $0x80  }
0x1ca: {  	[sflag:s23] =	ssyncset.done $0x0  }
0x1cb: {  	[sflag:s23] =	ssyncadd.s32 $0xFFFFFF80  }
0x1cc: {  	_ =	swait.ge [sflag:s23], $0x80  }
0x1cd: {  	[sflag:s23] =	ssyncset.done $0x0  }
0x1ce: {  	s1 =	rddreg [dreg:$0x16];
	[sflag:s23] =	ssyncadd.s32 $0xFFFFFF80  }
0x1cf: {  	[tilespmem:s24], [sflag:$0x1] =	stream.indirect.gather [hbm4b:s4+s7], $0x1, s2, s7, $0xb8;
	[tilespmem:$0x1800] =	vst v63  }
0x1d0: {  	s5 =	rddreg [dreg:$0x17]  }
0x1d1: {  	[tilespmem:s1], [sflag:$0x1] =	stream.indirect.gather [hbm4b:s4+s7], $0x1, s7, s7, $0xb8;
	[tilespmem:$0x1800] =	vst v63  }
0x1d2: {  	s30 =	rddreg [dreg:$0x18]  }
0x1d3: {  	[tilespmem:s5], [sflag:$0x1] =	stream.indirect.gather [hbm4b:s4+s7], $0x1, s9, s7, $0xb8;
	[tilespmem:$0x1800] =	vst v63  }
0x1d4: {  	s5 =	rddreg [dreg:$0x19]  }
0x1d5: {  	[tilespmem:s30], [sflag:$0x1] =	stream.indirect.gather [hbm4b:s4+s7], $0x1, s10, s7, $0xb8;
	[tilespmem:$0x1800] =	vst v63  }
0x1d6: {  	s30 =	rddreg [dreg:$0x1a]  }
0x1d7: {  	[tilespmem:s5], [sflag:$0x1] =	stream.indirect.gather [hbm4b:s4+s7], $0x1, s11, s7, $0xb8;
	[tilespmem:$0x1800] =	vst v63  }
0x1d8: {  	s5 =	rddreg [dreg:$0x1b]  }
0x1d9: {  	[tilespmem:s30], [sflag:$0x1] =	stream.indirect.gather [hbm4b:s4+s7], $0x1, s12, s7, $0xb8;
	[tilespmem:$0x1800] =	vst v63  }
0x1da: {  	s30 =	rddreg [dreg:$0x1c]  }
0x1db: {  	[tilespmem:s5], [sflag:$0x1] =	stream.indirect.gather [hbm4b:s4+s7], $0x1, s13, s7, $0xb8;
	[tilespmem:$0x1800] =	vst v63  }
0x1dc: {  	s5 =	rddreg [dreg:$0x1d]  }
0x1dd: {  	[tilespmem:s30], [sflag:$0x1] =	stream.indirect.gather [hbm4b:s4+s7], $0x1, s14, s7, $0xb8;
	[tilespmem:$0x1800] =	vst v63  }
0x1de: {  	s30 =	rddreg [dreg:$0x1e]  }
0x1df: {  	[tilespmem:s5], [sflag:$0x1] =	stream.indirect.gather [hbm4b:s4+s7], $0x1, s15, s7, $0xb8;
	[tilespmem:$0x1800] =	vst v63  }
0x1e0: {  	s5 =	rddreg [dreg:$0x1f]  }
0x1e1: {  	[tilespmem:s30], [sflag:$0x1] =	stream.indirect.gather [hbm4b:s4+s7], $0x1, s16, s7, $0xb8;
	[tilespmem:$0x1800] =	vst v63  }
0x1e2: {  	s30 =	sld [smem:$0x7FD]  }
0x1e3: {  	[tilespmem:s5], [sflag:$0x1] =	stream.indirect.gather [hbm4b:s4+s7], $0x1, s17, s7, $0xb8;
	[tilespmem:$0x1800] =	vst v63  }
0x1e4: {  	_ = 	snop  }
0x1e5: {  	[tilespmem:s30], [sflag:$0x1] =	stream.indirect.gather [hbm4b:s4+s7], $0x1, s18, s7, $0xb8;
	[tilespmem:$0x1800] =	vst v63  }
0x1e6: {  	_ = 	snop  }
0x1e7: {  	[tilespmem:s25], [sflag:$0x1] =	stream.indirect.gather [hbm4b:s4+s7], $0x1, s19, s7, $0xb8;
	[tilespmem:$0x1800] =	vst v63  }
0x1e8: {  	_ = 	snop  }
0x1e9: {  	[tilespmem:s26], [sflag:$0x1] =	stream.indirect.gather [hbm4b:s4+s7], $0x1, s20, s7, $0xb8;
	[tilespmem:$0x1800] =	vst v63  }
0x1ea: {  	_ = 	snop  }
0x1eb: {  	[tilespmem:s28], [sflag:$0x1] =	stream.indirect.gather [hbm4b:s4+s7], $0x1, s21, s7, $0xb8;
	[tilespmem:$0x1800] =	vst v63  }
0x1ec: {  	_ = 	snop  }
0x1ed: {  	[tilespmem:s29], [sflag:$0x1] =	stream.indirect.gather [hbm4b:s4+s7], $0x1, s22, s7, $0xb8;
	[tilespmem:$0x1800] =	vst v63  }
0x1ee: {  	_ =	swait.ge [sflag:s23], $0x80  }
0x1ef: {  	[sflag:s23] =	ssyncset.done $0x0  }
0x1f0: {  	[sflag:s23] =	ssyncadd.s32 $0xFFFFFF80  }
0x1f1: {  	_ =	swait.ge [sflag:s23], $0x80  }
0x1f2: {  	[sflag:s23] =	ssyncset.done $0x0  }
0x1f3: {  	[sflag:s23] =	ssyncadd.s32 $0xFFFFFF80  }
0x1f4: {  	_ =	swait.ge [sflag:s23], $0x80  }
0x1f5: {  	[sflag:s23] =	ssyncset.done $0x0  }
0x1f6: {  	[sflag:s23] =	ssyncadd.s32 $0xFFFFFF80  }
0x1f7: {  	_ =	swait.ge [sflag:s23], $0x80  }
0x1f8: {  	[sflag:s23] =	ssyncset.done $0x0  }
0x1f9: {  	[sflag:s23] =	ssyncadd.s32 $0xFFFFFF80  }
0x1fa: {  	_ =	swait.ge [sflag:s23], $0x80  }
0x1fb: {  	[sflag:s23] =	ssyncset.done $0x0  }
0x1fc: {  	[sflag:s23] =	ssyncadd.s32 $0xFFFFFF80  }
0x1fd: {  	_ =	swait.ge [sflag:s23], $0x80  }
0x1fe: {  	[sflag:s23] =	ssyncset.done $0x0  }
0x1ff: {  	[sflag:s23] =	ssyncadd.s32 $0xFFFFFF80  }
0x200: {  	_ =	swait.ge [sflag:s23], $0x80  }
0x201: {  	[sflag:s23] =	ssyncset.done $0x0  }
0x202: {  	[sflag:s23] =	ssyncadd.s32 $0xFFFFFF80  }
0x203: {  	_ =	swait.ge [sflag:s23], $0x80  }
0x204: {  	[sflag:s23] =	ssyncset.done $0x0  }
0x205: {  	[sflag:s23] =	ssyncadd.s32 $0xFFFFFF80  }
0x206: {  	_ =	swait.ge [sflag:s23], $0x80  }
0x207: {  	[sflag:s23] =	ssyncset.done $0x0  }
0x208: {  	[sflag:s23] =	ssyncadd.s32 $0xFFFFFF80  }
0x209: {  	_ =	swait.ge [sflag:s23], $0x80  }
0x20a: {  	[sflag:s23] =	ssyncset.done $0x0  }
0x20b: {  	[sflag:s23] =	ssyncadd.s32 $0xFFFFFF80  }
0x20c: {  	_ =	swait.ge [sflag:s23], $0x80  }
0x20d: {  	[sflag:s23] =	ssyncset.done $0x0  }
0x20e: {  	[sflag:s23] =	ssyncadd.s32 $0xFFFFFF80  }
0x20f: {  	_ =	swait.ge [sflag:s23], $0x80  }
0x210: {  	[sflag:s23] =	ssyncset.done $0x0  }
0x211: {  	[sflag:s23] =	ssyncadd.s32 $0xFFFFFF80  }
0x212: {  	_ =	swait.ge [sflag:s23], $0x80  }
0x213: {  	[sflag:s23] =	ssyncset.done $0x0  }
0x214: {  	[sflag:s23] =	ssyncadd.s32 $0xFFFFFF80  }
0x215: {  	_ =	swait.ge [sflag:s23], $0x80  }
0x216: {  	[sflag:s23] =	ssyncset.done $0x0  }
0x217: {  	[sflag:s23] =	ssyncadd.s32 $0xFFFFFF80  }
0x218: {  	_ =	swait.ge [sflag:s23], $0x80  }
0x219: {  	[sflag:s23] =	ssyncset.done $0x0  }
0x21a: {  	[sflag:s23] =	ssyncadd.s32 $0xFFFFFF80  }
0x21b: {  	_ =	swait.ge [sflag:s23], $0x80  }
0x21c: {  	s1 =	rddreg [dreg:$0x5];
	[sflag:s23] =	ssyncset.done $0x0  }
0x21d: {  	[sflag:s23] =	ssyncadd.s32 $0xFFFFFF80;
	s0 =	sadd.s32 s31, s1  }
0x21e: {  	[hbm4b:s0+s2] =	stream.linear.scatter [tilespmem:s8], [sflag:$0x2], $0x800, $0x38;
	[tilespmem:$0x1800] =	vst v63  }
0x21f: {  	_ =	swait.ge [sflag:s6], $0x800  }
0x220: {  	s5 =	rddreg [dreg:$0x4];
	[sflag:s6] =	ssyncset.done $0x0  }
0x221: {  	s0 =	sadd.s32 s31, s5;
	[sflag:s6] =	ssyncadd.s32 $0xFFFFF800  }
0x222: {  	[hbm4b:s0+s2] =	stream.linear.scatter [tilespmem:s24], [sflag:$0x2], $0x800, $0x38;
	[tilespmem:$0x1800] =	vst v63  }
0x223: {  	_ =	swait.ge [sflag:s6], $0x800  }
0x224: {  	s30 =	sld [smem:$0x7FB]  }
0x225: {  	s31 =	sld [smem:$0x7FC];
	_ =	sdelay $0x1  }
0x226: {  	s1 =	sadd.s32 $0x1, s30  }
0x227: {  	p0 =	sne.s32 s1, s31  }
.Ltmp1:
0x228: {  	_ = 	snop;
	(pc) =	sbr.rel @p0 .LBB2_1-.Ltmp1, $3  }
0x229: {  	_ =	sdelay $0x1  }
0x22a: {  	[sflag:s6] =	ssyncset.done $0x0  }
0x22b: {  	[sflag:s6] =	ssyncadd.s32 $0xFFFFF800  }
0x22c: {  	_ =	sfence.sel $0x180000  }
0x22d: {  	[bflag:$0x0] =	sbarrier.arrive $0xFFFF  }
0x22e: {  	_ =	strace $0x90000047  }
0x22f: {  	s0 =	stileid.u32;
	[bflag:$0x2] =	sbarrier.arrive $0xFFFF  }
0x230: {  	p0 =	sne.s32 s0, $0x0;
	s0 =	rddreg [dreg:$0x3]  }
0x231: {  	s0 =	sadd.s32 @!p0 $0x100000, s0  }
0x232: {  	[sflag:s0] =	ssyncadd.tile.s32 @!p0 $0x1;
	_ =	shalt  }
.Lfunc_end2:
_tile_overlayer_lowered:
.L_overlay_start_2:
0x233: {  	(tag) =	ssettag $0x2  }
0x234: {  	s0 =	rddreg [dreg:$0x0];
	s2 =	stileid.u32  }
0x235: {  	s1 =	rddreg [dreg:$0x1];
	p0 =	sne.s32 s2, $0x0  }
0x236: {  	s3 =	rddreg [dreg:$0x2];
	[bflag:$0x3] =	sbarrier.arrive $0xFFFF;
	s2 =	simm.s32 @!p0 $0x1C02  }
0x237: {  	[timem:s3], [sflag:s2] =	dma.local @!p0 [hbm:s0], s1  }
0x238: {  	s0 =	simm.s32 @!p0 $0x2  }
0x239: {  	_ =	swait.ge @!p0 [sflag:s0], s1  }
0x23a: {  	s1 =	ssub.s32 @!p0 $0x0, s1;
	[sflag:s0] =	ssyncset.done @!p0 $0x0  }
0x23b: {  	[sflag:s0] =	ssyncadd.s32 @!p0 s1  }
0x23c: {  	[bflag:$0x3] =	sbarrier.arrive $0xFFFF  }
0x23d: {  	_ =	shalt  }

</sc_bundles>
